<compile_context>
chip_gen: v7x
topology: tpu7x:2x2x1
jax: 0.10.2.dev20260603
libtpu: 0.0.44.dev20260713+nightly
codegen_flags: <defaults>
</compile_context>

<pallas_src>
import functools

import jax
import jax.numpy as jnp
from jax import lax
from jax.experimental import pallas as pl
from jax.experimental.pallas import tpu as pltpu
from jax.experimental.pallas import tpu_sc as plsc

NC = 2
NS = 16
NW = NC * NS
CHUNK = 128

N_PAD = 10240
DUMMY = 10200
BM = 2048


def _mesh():
  return plsc.VectorSubcoreMesh(
      core_axis_name="c", subcore_axis_name="s", num_cores=NC, num_subcores=NS
  )


def _make_deg(n_chunks):
  rows_per_tile = N_PAD // NS

  @functools.partial(
      pl.kernel,
      out_type=jax.ShapeDtypeStruct((NC, N_PAD), jnp.float32),
      mesh=_mesh(),
      scratch_types=[
          pltpu.VMEM((n_chunks, CHUNK), jnp.int32),
          pltpu.VMEM((CHUNK,), jnp.float32),
          pltpu.VMEM_SHARED((N_PAD,), jnp.float32),
          pltpu.SemaphoreType.DMA,
      ],
  )
  def deg_kernel(dst_hbm, zero_hbm, out_hbm, dst_v, ones_v, acc_sh, sem):
    cid = lax.axis_index("c")
    sid = lax.axis_index("s")
    wid = cid * NS + sid
    r0 = sid * rows_per_tile
    pltpu.sync_copy(zero_hbm.at[pl.ds(r0, rows_per_tile)],
                    acc_sh.at[pl.ds(r0, rows_per_tile)])
    pltpu.sync_copy(dst_hbm.at[wid], dst_v)
    for i in range(CHUNK // 16):
      ones_v[pl.ds(i * 16, 16)] = jnp.full((16,), 1.0, jnp.float32)
    plsc.subcore_barrier()
    kk = 4

    def body(g, carry):
      for k in range(kk):
        pltpu.async_copy(ones_v, acc_sh.at[dst_v.at[g * kk + k]], sem,
                         add=True)
      for k in range(kk):
        pltpu.make_async_copy(ones_v, acc_sh.at[dst_v.at[g * kk + k]],
                              sem).wait()
      return carry

    assert n_chunks % kk == 0
    lax.fori_loop(0, n_chunks // kk, body, 0)
    plsc.subcore_barrier()
    pltpu.sync_copy(acc_sh.at[pl.ds(r0, rows_per_tile)],
                    out_hbm.at[cid, pl.ds(r0, rows_per_tile)])

  return deg_kernel


def _agg_loop(p_tbls, src_t, dst_t, idxv, rows_v, acc_sh, gsem, ssem, isem,
              nbuf, n_super):
  pltpu.sync_copy(src_t.at[0], idxv.at[0, 0])
  pltpu.sync_copy(dst_t.at[0], idxv.at[0, 1])
  for b in range(nbuf):
    pltpu.async_copy(p_tbls[b].at[idxv.at[0, 0, b]], rows_v.at[b], gsem.at[b])
  if n_super > 1:
    pltpu.async_copy(src_t.at[1], idxv.at[1, 0], isem)
    pltpu.async_copy(dst_t.at[1], idxv.at[1, 1], isem)

  def body(g, carry):
    r = lax.rem(g, 2)
    for b in range(nbuf):
      pltpu.make_async_copy(
          p_tbls[b].at[idxv.at[r, 0, b]], rows_v.at[b], gsem.at[b]).wait()
      pltpu.async_copy(
          rows_v.at[b], acc_sh.at[idxv.at[r, 1, b]], ssem.at[b], add=True)

    @pl.when(g < n_super - 1)
    def _():
      pltpu.make_async_copy(src_t.at[g + 1], idxv.at[1 - r, 0], isem).wait()
      pltpu.make_async_copy(dst_t.at[g + 1], idxv.at[1 - r, 1], isem).wait()

    for b in range(nbuf):
      pltpu.make_async_copy(
          rows_v.at[b], acc_sh.at[idxv.at[r, 1, b]], ssem.at[b]).wait()

      @pl.when(g < n_super - 1)
      def _():
        pltpu.async_copy(
            p_tbls[b].at[idxv.at[1 - r, 0, b]], rows_v.at[b], gsem.at[b])

    @pl.when(g < n_super - 2)
    def _():
      pltpu.async_copy(src_t.at[g + 2], idxv.at[r, 0], isem)
      pltpu.async_copy(dst_t.at[g + 2], idxv.at[r, 1], isem)

    return carry

  lax.fori_loop(0, n_super, body, 0)


def _make_agg_cols(n_super, half, nbuf):
  rows_per_tile = N_PAD // NS

  @functools.partial(
      pl.kernel,
      out_type=jax.ShapeDtypeStruct((N_PAD, 2 * half), jnp.float32),
      mesh=_mesh(),
      compiler_params=pltpu.CompilerParams(use_tc_tiling_on_sc=False),
      scratch_types=[
          pltpu.VMEM((2, 2, nbuf, CHUNK), jnp.int32),
          pltpu.VMEM((nbuf, CHUNK, half), jnp.float32),
          pltpu.VMEM_SHARED((N_PAD, half), jnp.float32),
          pltpu.VMEM_SHARED((N_PAD, half), jnp.float32),
          pltpu.SemaphoreType.DMA((nbuf,)),
          pltpu.SemaphoreType.DMA((nbuf,)),
          pltpu.SemaphoreType.DMA,
      ],
  )
  def agg_kernel(p_hbm, src_hbm, dst_hbm, out_hbm,
                 idxv, rows_v, p_sh, acc_sh, gsem, ssem, isem):
    cid = lax.axis_index("c")
    sid = lax.axis_index("s")
    r0 = sid * rows_per_tile
    c0 = cid * half
    pltpu.sync_copy(p_hbm.at[pl.ds(r0, rows_per_tile), pl.ds(c0, half)],
                    p_sh.at[pl.ds(r0, rows_per_tile)])
    pltpu.sync_copy(p_hbm.at[pl.ds(r0, rows_per_tile), pl.ds(c0, half)],
                    acc_sh.at[pl.ds(r0, rows_per_tile)])
    plsc.subcore_barrier()
    _agg_loop([p_sh] * nbuf, src_hbm.at[sid], dst_hbm.at[sid], idxv, rows_v,
              acc_sh, gsem, ssem, isem, nbuf, n_super)
    plsc.subcore_barrier()
    pltpu.sync_copy(acc_sh.at[pl.ds(r0, rows_per_tile)],
                    out_hbm.at[pl.ds(r0, rows_per_tile), pl.ds(c0, half)])

  return agg_kernel


def _make_agg_edges(n_super, width, nbuf):
  rows_per_tile = N_PAD // NS

  @functools.partial(
      pl.kernel,
      out_type=jax.ShapeDtypeStruct((NC, N_PAD, width), jnp.float32),
      mesh=_mesh(),
      compiler_params=pltpu.CompilerParams(use_tc_tiling_on_sc=False),
      scratch_types=[
          pltpu.VMEM((2, 2, nbuf, CHUNK), jnp.int32),
          pltpu.VMEM((nbuf, CHUNK, width), jnp.float32),
          pltpu.VMEM_SHARED((N_PAD, width), jnp.float32),
          pltpu.VMEM_SHARED((N_PAD, width), jnp.float32),
          pltpu.SemaphoreType.DMA((nbuf,)),
          pltpu.SemaphoreType.DMA((nbuf,)),
          pltpu.SemaphoreType.DMA,
      ],
  )
  def agg_kernel(p_hbm, src_hbm, dst_hbm, zero_hbm, out_hbm,
                 idxv, rows_v, p_sh, acc_sh, gsem, ssem, isem):
    cid = lax.axis_index("c")
    sid = lax.axis_index("s")
    wid = cid * NS + sid
    r0 = sid * rows_per_tile
    pltpu.sync_copy(p_hbm.at[pl.ds(r0, rows_per_tile)],
                    p_sh.at[pl.ds(r0, rows_per_tile)])

    @pl.when(cid == 0)
    def _():
      pltpu.sync_copy(p_hbm.at[pl.ds(r0, rows_per_tile)],
                      acc_sh.at[pl.ds(r0, rows_per_tile)])

    @pl.when(cid != 0)
    def _():
      pltpu.sync_copy(zero_hbm.at[pl.ds(r0, rows_per_tile)],
                      acc_sh.at[pl.ds(r0, rows_per_tile)])

    plsc.subcore_barrier()
    _agg_loop([p_sh] * nbuf, src_hbm.at[wid], dst_hbm.at[wid], idxv, rows_v,
              acc_sh, gsem, ssem, isem, nbuf, n_super)
    plsc.subcore_barrier()
    pltpu.sync_copy(acc_sh.at[pl.ds(r0, rows_per_tile)],
                    out_hbm.at[cid, pl.ds(r0, rows_per_tile)])

  return agg_kernel


def _tc_first(x, w1, degp):
  hidden = w1.shape[1]

  def body(x_ref, w_ref, deg_ref, p_ref, dinv_ref):
    deg = deg_ref[0] + deg_ref[1] + 1.0
    dinv = lax.rsqrt(deg)
    h = jnp.dot(x_ref[...], w_ref[...], preferred_element_type=jnp.float32)
    p_ref[...] = h * dinv
    dinv_ref[...] = dinv

  grid = (N_PAD // BM,)
  return pl.pallas_call(
      body,
      grid=grid,
      in_specs=[
          pl.BlockSpec((BM, x.shape[1]), lambda i: (i, 0)),
          pl.BlockSpec(w1.shape, lambda i: (0, 0)),
          pl.BlockSpec((NC, BM, 1), lambda i: (0, i, 0)),
      ],
      out_specs=[
          pl.BlockSpec((BM, hidden), lambda i: (i, 0)),
          pl.BlockSpec((BM, 1), lambda i: (i, 0)),
      ],
      out_shape=[
          jax.ShapeDtypeStruct((N_PAD, hidden), jnp.float32),
          jax.ShapeDtypeStruct((N_PAD, 1), jnp.float32),
      ],
  )(x, w1, degp)


def _tc_mid(agg1, dinv, b1, w2p):
  width = w2p.shape[1]
  hidden = agg1.shape[1]

  def body(agg_ref, dinv_ref, b_ref, w_ref, p2_ref):
    s = agg_ref[...] * dinv_ref[...]
    h = jnp.maximum(s + b_ref[...], 0.0)
    p2_ref[...] = jnp.dot(h, w_ref[...],
                          preferred_element_type=jnp.float32) * dinv_ref[...]

  grid = (N_PAD // BM,)
  return pl.pallas_call(
      body,
      grid=grid,
      in_specs=[
          pl.BlockSpec((BM, hidden), lambda i: (i, 0)),
          pl.BlockSpec((BM, 1), lambda i: (i, 0)),
          pl.BlockSpec((1, hidden), lambda i: (0, 0)),
          pl.BlockSpec(w2p.shape, lambda i: (0, 0)),
      ],
      out_specs=pl.BlockSpec((BM, width), lambda i: (i, 0)),
      out_shape=jax.ShapeDtypeStruct((N_PAD, width), jnp.float32),
  )(agg1, dinv, b1, w2p)


def _tc_last(aggp, dinv, b2p, n, n_classes):
  width = aggp.shape[2]
  bm = 2000 if n % 2000 == 0 else 2048
  assert n % bm == 0

  def body(agg_ref, dinv_ref, b_ref, out_ref):
    s = (agg_ref[0] + agg_ref[1]) * dinv_ref[...]
    out_ref[...] = (s + b_ref[...])[:, :n_classes]

  grid = (n // bm,)
  return pl.pallas_call(
      body,
      grid=grid,
      in_specs=[
          pl.BlockSpec((NC, bm, width), lambda i: (0, i, 0)),
          pl.BlockSpec((bm, 1), lambda i: (i, 0)),
          pl.BlockSpec((1, width), lambda i: (0, 0)),
      ],
      out_specs=pl.BlockSpec((bm, n_classes), lambda i: (i, 0)),
      out_shape=jax.ShapeDtypeStruct((n, n_classes), jnp.float32),
  )(aggp, dinv, b2p)


def kernel(x, edge_index, W1, b1, W2, b2):
  n, d_feat = x.shape
  hidden = W1.shape[1]
  n_classes = W2.shape[1]
  e = edge_index.shape[1]

  nbuf1, nbuf2 = 5, 5
  per = NW * CHUNK
  n2 = -(-(-(-e // per)) // 10) * 10
  e_pad = n2 * per
  n1 = 2 * n2
  ns1, ns2 = n1 // nbuf1, n2 // nbuf2
  ei = jnp.pad(edge_index.astype(jnp.int32), ((0, 0), (0, e_pad - e)),
               constant_values=DUMMY)
  src_f = ei[0]
  dst_f = ei[1]
  src_c = src_f.reshape(NS, ns1, nbuf1, CHUNK)
  dst_c = dst_f.reshape(NS, ns1, nbuf1, CHUNK)
  src_p = src_f.reshape(NW, ns2, nbuf2, CHUNK)
  dst_p = dst_f.reshape(NW, ns2, nbuf2, CHUNK)
  dst_d = dst_f.reshape(NW, n2, CHUNK)

  x_p = jnp.pad(x, ((0, N_PAD - n), (0, 0)))
  w2_width = -(-n_classes // 16) * 16
  w2_p = jnp.pad(W2, ((0, 0), (0, w2_width - n_classes)))
  b1_r = b1.reshape(1, hidden)
  b2_r = jnp.pad(b2, (0, w2_width - n_classes)).reshape(1, w2_width)

  zeros1 = jnp.zeros((N_PAD,), jnp.float32)
  zeros_w = jnp.zeros((N_PAD, w2_width), jnp.float32)

  degp = _make_deg(n2)(dst_d, zeros1)
  p1, dinv = _tc_first(x_p, W1, degp[..., None])
  agg1 = _make_agg_cols(ns1, hidden // 2, nbuf1)(p1, src_c, dst_c)
  p2 = _tc_mid(agg1, dinv, b1_r, w2_p)
  agg2 = _make_agg_edges(ns2, w2_width, nbuf2)(p2, src_p, dst_p, zeros_w)
  if n % 2000 == 0:
    return _tc_last(agg2, dinv, b2_r, n, n_classes)
  out = _tc_last(agg2, dinv, b2_r, N_PAD, w2_width)
  return out[:n, :n_classes]

# --- scband reference (transcript-rebuilt; emitter-appended) ---
"""Pipeline reference for scband-gcn-23940147708136 (READ-ONLY COPY).

The authoritative reference and input builder live on the scoring server;
editing this copy changes nothing except your own understanding.
"""

import jax, jax.numpy as jnp
import numpy as np

N_NODES = 10000
D_FEAT = 128
HIDDEN = 128
N_CLASSES = 47
N_EDGES = 320000


def _gcn_conv(x, edge_index, W, b):
    N = x.shape[0]
    loop = jnp.arange(N, dtype=edge_index.dtype)
    src = jnp.concatenate([edge_index[0], loop])
    dst = jnp.concatenate([edge_index[1], loop])
    deg = jnp.zeros((N,), dtype=x.dtype).at[dst].add(1.0)
    deg_inv_sqrt = jnp.where(deg > 0, 1.0 / jnp.sqrt(deg), 0.0)
    norm = deg_inv_sqrt[src] * deg_inv_sqrt[dst]
    h = x @ W
    msgs = jnp.take(h, src, axis=0) * norm[:, None]
    out = jnp.zeros((N, W.shape[1]), dtype=x.dtype).at[dst].add(msgs)
    return out + b


def setup_inputs(seed: int = 0) -> dict:
    key = jax.random.key(seed)
    k1, k2, k3, k4, k5, k6 = jax.random.split(key, 6)
    x = jax.random.normal(k1, (N_NODES, D_FEAT), dtype=jnp.float32)
    edge_index = jax.random.randint(k2, (2, N_EDGES), 0, N_NODES, dtype=jnp.int64)
    W1 = jax.random.normal(k3, (D_FEAT, HIDDEN), dtype=jnp.float32) * (1.0 / np.sqrt(D_FEAT))
    b1 = jnp.zeros((HIDDEN,), dtype=jnp.float32)
    W2 = jax.random.normal(k4, (HIDDEN, N_CLASSES), dtype=jnp.float32) * (1.0 / np.sqrt(HIDDEN))
    b2 = jnp.zeros((N_CLASSES,), dtype=jnp.float32)
    return {"x": x, "edge_index": edge_index, "W1": W1, "b1": b1, "W2": W2, "b2": b2}


def reference(x, edge_index, W1, b1, W2, b2):
    h = _gcn_conv(x, edge_index, W1, b1)
    h = jax.nn.relu(h)
    # dropout p=0.5 is identity in eval mode (self.training=False)
    out = _gcn_conv(h, edge_index, W2, b2)
    return out

if __name__ == "__main__":
    import jax
    _d = setup_inputs()
    print(jax.jit(kernel)(*tuple(_d.values())))

</pallas_src>

<mosaic_0001>
#map = affine_map<(d0, d1) -> (0, 0, 0)>
#map1 = affine_map<(d0, d1) -> (0)>
#map2 = affine_map<(d0, d1) -> (0, 0)>
module attributes {stable_mosaic.version = 14 : i64} {
  func.func @deg_kernel(%arg0: i32, %arg1: i32, %arg2: memref<32x80x128xi32, #tpu.memory_space<hbm>>, %arg3: memref<10240xf32, #tpu.memory_space<hbm>>, %arg4: memref<2x10240xf32, #tpu.memory_space<hbm>>, %arg5: memref<80x128xi32, #tpu.memory_space<vmem>>, %arg6: memref<128xf32, #tpu.memory_space<vmem>>, %arg7: memref<10240xf32, #tpu.memory_space<vmem_shared>>, %arg8: memref<!tpu.dma_semaphore, #tpu.memory_space<semaphore_mem>>) attributes {dimension_semantics = [#tpu.dimension_semantics<core_parallel>, #tpu.dimension_semantics<subcore_parallel>], iteration_bounds = array<i64: 2, 16>, scalar_prefetch = 0 : i64, scratch_operands = 4 : i64, tpu.core_type = #tpu.core_type<sc_vector_subcore>, window_params = [{transform_indices = #map}, {transform_indices = #map1}, {transform_indices = #map2}]} {
    %mul3A = arith.constant 16 : i32
    %mul3A_0 = arith.muli %arg0, %mul3A : i32
    %add3A = arith.addi %mul3A_0, %arg1 : i32
    %mul3A_1 = arith.constant 640 : i32
    %mul3A_2 = arith.muli %arg1, %mul3A_1 : i32
    "tpu.region"() ({
      %run_scoped3A = tpu.sem_alloc : memref<!tpu.dma_semaphore, #tpu.memory_space<semaphore_mem>>
      %dma_start3A = tpu.memref_slice %arg7[%mul3A_2] : memref<10240xf32, #tpu.memory_space<vmem_shared>> -> memref<640xf32, #tpu.memory_space<vmem_shared>>
      %dma_start3A_55 = tpu.memref_slice %arg3[%mul3A_2] : memref<10240xf32, #tpu.memory_space<hbm>> -> memref<640xf32, #tpu.memory_space<hbm>>
      tpu.enqueue_dma source(%dma_start3A_55 : memref<640xf32, #tpu.memory_space<hbm>>) target(%dma_start3A : memref<640xf32, #tpu.memory_space<vmem_shared>>) target_semaphore(%run_scoped3A : memref<!tpu.dma_semaphore, #tpu.memory_space<semaphore_mem>>)
      %dma_wait3A = tpu.memref_slice %arg7[%mul3A_2] : memref<10240xf32, #tpu.memory_space<vmem_shared>> -> memref<640xf32, #tpu.memory_space<vmem_shared>>
      %dma_wait3A_56 = tpu.memref_slice %arg3[%mul3A_2] : memref<10240xf32, #tpu.memory_space<hbm>> -> memref<640xf32, #tpu.memory_space<hbm>>
      tpu.wait_dma2 semaphore(%run_scoped3A : memref<!tpu.dma_semaphore, #tpu.memory_space<semaphore_mem>>) src(%dma_wait3A_56 : memref<640xf32, #tpu.memory_space<hbm>>) dst(%dma_wait3A : memref<640xf32, #tpu.memory_space<vmem_shared>>)
      tpu.yield
    }) : () -> ()
    "tpu.region"() ({
      %run_scoped3A = tpu.sem_alloc : memref<!tpu.dma_semaphore, #tpu.memory_space<semaphore_mem>>
      %dma_start3A = arith.constant 0 : i32
      %dma_start3A_55 = arith.constant 0 : i32
      %dma_start3A_56 = tpu.memref_slice %arg2[%add3A, %dma_start3A, %dma_start3A_55] : memref<32x80x128xi32, #tpu.memory_space<hbm>> -> memref<1x80x128xi32, #tpu.memory_space<hbm>>
      %dma_start3A_57 = tpu.memref_squeeze %dma_start3A_56 : memref<1x80x128xi32, #tpu.memory_space<hbm>> -> memref<80x128xi32, #tpu.memory_space<hbm>>
      %dma_start3A_58 = arith.constant 0 : i32
      %dma_start3A_59 = arith.constant 0 : i32
      %dma_start3A_60 = tpu.memref_slice %arg2[%add3A, %dma_start3A_58, %dma_start3A_59] : memref<32x80x128xi32, #tpu.memory_space<hbm>> -> memref<1x80x128xi32, #tpu.memory_space<hbm>>
      %dma_start3A_61 = tpu.memref_squeeze %dma_start3A_60 : memref<1x80x128xi32, #tpu.memory_space<hbm>> -> memref<80x128xi32, #tpu.memory_space<hbm>>
      tpu.enqueue_dma source(%dma_start3A_61 : memref<80x128xi32, #tpu.memory_space<hbm>>) target(%arg5 : memref<80x128xi32, #tpu.memory_space<vmem>>) target_semaphore(%run_scoped3A : memref<!tpu.dma_semaphore, #tpu.memory_space<semaphore_mem>>)
      %dma_wait3A = arith.constant 0 : i32
      %dma_wait3A_62 = arith.constant 0 : i32
      %dma_wait3A_63 = tpu.memref_slice %arg2[%add3A, %dma_wait3A, %dma_wait3A_62] : memref<32x80x128xi32, #tpu.memory_space<hbm>> -> memref<1x80x128xi32, #tpu.memory_space<hbm>>
      %dma_wait3A_64 = tpu.memref_squeeze %dma_wait3A_63 : memref<1x80x128xi32, #tpu.memory_space<hbm>> -> memref<80x128xi32, #tpu.memory_space<hbm>>
      %dma_wait3A_65 = arith.constant 0 : i32
      %dma_wait3A_66 = arith.constant 0 : i32
      %dma_wait3A_67 = tpu.memref_slice %arg2[%add3A, %dma_wait3A_65, %dma_wait3A_66] : memref<32x80x128xi32, #tpu.memory_space<hbm>> -> memref<1x80x128xi32, #tpu.memory_space<hbm>>
      %dma_wait3A_68 = tpu.memref_squeeze %dma_wait3A_67 : memref<1x80x128xi32, #tpu.memory_space<hbm>> -> memref<80x128xi32, #tpu.memory_space<hbm>>
      tpu.wait_dma2 semaphore(%run_scoped3A : memref<!tpu.dma_semaphore, #tpu.memory_space<semaphore_mem>>) src(%dma_wait3A_68 : memref<80x128xi32, #tpu.memory_space<hbm>>) dst(%arg5 : memref<80x128xi32, #tpu.memory_space<vmem>>)
      tpu.yield
    }) : () -> ()
    %broadcast_in_dim3A = arith.constant 1.000000e+00 : f32
    %broadcast_in_dim3A_3 = vector.broadcast %broadcast_in_dim3A : f32 to vector<16xf32>
    %swap3A = arith.constant 0 : index
    %swap3A_4 = tpu.vector_load %arg6[%swap3A] {strides = array<i32>} : memref<128xf32, #tpu.memory_space<vmem>>, vector<16xf32>,
    %swap3A_5 = vector.shape_cast %swap3A_4 : vector<16xf32> to vector<16xf32>
    %swap3A_6 = vector.shape_cast %broadcast_in_dim3A_3 : vector<16xf32> to vector<16xf32>
    tpu.vector_store %arg6[%swap3A], %swap3A_6 {strides = array<i32>} : memref<128xf32, #tpu.memory_space<vmem>>, vector<16xf32>,
    %broadcast_in_dim3A_7 = arith.constant 1.000000e+00 : f32
    %broadcast_in_dim3A_8 = vector.broadcast %broadcast_in_dim3A_7 : f32 to vector<16xf32>
    %swap3A_9 = arith.constant 16 : index
    %swap3A_10 = tpu.vector_load %arg6[%swap3A_9] {strides = array<i32>} : memref<128xf32, #tpu.memory_space<vmem>>, vector<16xf32>,
    %swap3A_11 = vector.shape_cast %swap3A_10 : vector<16xf32> to vector<16xf32>
    %swap3A_12 = vector.shape_cast %broadcast_in_dim3A_8 : vector<16xf32> to vector<16xf32>
    tpu.vector_store %arg6[%swap3A_9], %swap3A_12 {strides = array<i32>} : memref<128xf32, #tpu.memory_space<vmem>>, vector<16xf32>,
    %broadcast_in_dim3A_13 = arith.constant 1.000000e+00 : f32
    %broadcast_in_dim3A_14 = vector.broadcast %broadcast_in_dim3A_13 : f32 to vector<16xf32>
    %swap3A_15 = arith.constant 32 : index
    %swap3A_16 = tpu.vector_load %arg6[%swap3A_15] {strides = array<i32>} : memref<128xf32, #tpu.memory_space<vmem>>, vector<16xf32>,
    %swap3A_17 = vector.shape_cast %swap3A_16 : vector<16xf32> to vector<16xf32>
    %swap3A_18 = vector.shape_cast %broadcast_in_dim3A_14 : vector<16xf32> to vector<16xf32>
    tpu.vector_store %arg6[%swap3A_15], %swap3A_18 {strides = array<i32>} : memref<128xf32, #tpu.memory_space<vmem>>, vector<16xf32>,
    %broadcast_in_dim3A_19 = arith.constant 1.000000e+00 : f32
    %broadcast_in_dim3A_20 = vector.broadcast %broadcast_in_dim3A_19 : f32 to vector<16xf32>
    %swap3A_21 = arith.constant 48 : index
    %swap3A_22 = tpu.vector_load %arg6[%swap3A_21] {strides = array<i32>} : memref<128xf32, #tpu.memory_space<vmem>>, vector<16xf32>,
    %swap3A_23 = vector.shape_cast %swap3A_22 : vector<16xf32> to vector<16xf32>
    %swap3A_24 = vector.shape_cast %broadcast_in_dim3A_20 : vector<16xf32> to vector<16xf32>
    tpu.vector_store %arg6[%swap3A_21], %swap3A_24 {strides = array<i32>} : memref<128xf32, #tpu.memory_space<vmem>>, vector<16xf32>,
    %broadcast_in_dim3A_25 = arith.constant 1.000000e+00 : f32
    %broadcast_in_dim3A_26 = vector.broadcast %broadcast_in_dim3A_25 : f32 to vector<16xf32>
    %swap3A_27 = arith.constant 64 : index
    %swap3A_28 = tpu.vector_load %arg6[%swap3A_27] {strides = array<i32>} : memref<128xf32, #tpu.memory_space<vmem>>, vector<16xf32>,
    %swap3A_29 = vector.shape_cast %swap3A_28 : vector<16xf32> to vector<16xf32>
    %swap3A_30 = vector.shape_cast %broadcast_in_dim3A_26 : vector<16xf32> to vector<16xf32>
    tpu.vector_store %arg6[%swap3A_27], %swap3A_30 {strides = array<i32>} : memref<128xf32, #tpu.memory_space<vmem>>, vector<16xf32>,
    %broadcast_in_dim3A_31 = arith.constant 1.000000e+00 : f32
    %broadcast_in_dim3A_32 = vector.broadcast %broadcast_in_dim3A_31 : f32 to vector<16xf32>
    %swap3A_33 = arith.constant 80 : index
    %swap3A_34 = tpu.vector_load %arg6[%swap3A_33] {strides = array<i32>} : memref<128xf32, #tpu.memory_space<vmem>>, vector<16xf32>,
    %swap3A_35 = vector.shape_cast %swap3A_34 : vector<16xf32> to vector<16xf32>
    %swap3A_36 = vector.shape_cast %broadcast_in_dim3A_32 : vector<16xf32> to vector<16xf32>
    tpu.vector_store %arg6[%swap3A_33], %swap3A_36 {strides = array<i32>} : memref<128xf32, #tpu.memory_space<vmem>>, vector<16xf32>,
    %broadcast_in_dim3A_37 = arith.constant 1.000000e+00 : f32
    %broadcast_in_dim3A_38 = vector.broadcast %broadcast_in_dim3A_37 : f32 to vector<16xf32>
    %swap3A_39 = arith.constant 96 : index
    %swap3A_40 = tpu.vector_load %arg6[%swap3A_39] {strides = array<i32>} : memref<128xf32, #tpu.memory_space<vmem>>, vector<16xf32>,
    %swap3A_41 = vector.shape_cast %swap3A_40 : vector<16xf32> to vector<16xf32>
    %swap3A_42 = vector.shape_cast %broadcast_in_dim3A_38 : vector<16xf32> to vector<16xf32>
    tpu.vector_store %arg6[%swap3A_39], %swap3A_42 {strides = array<i32>} : memref<128xf32, #tpu.memory_space<vmem>>, vector<16xf32>,
    %broadcast_in_dim3A_43 = arith.constant 1.000000e+00 : f32
    %broadcast_in_dim3A_44 = vector.broadcast %broadcast_in_dim3A_43 : f32 to vector<16xf32>
    %swap3A_45 = arith.constant 112 : index
    %swap3A_46 = tpu.vector_load %arg6[%swap3A_45] {strides = array<i32>} : memref<128xf32, #tpu.memory_space<vmem>>, vector<16xf32>,
    %swap3A_47 = vector.shape_cast %swap3A_46 : vector<16xf32> to vector<16xf32>
    %swap3A_48 = vector.shape_cast %broadcast_in_dim3A_44 : vector<16xf32> to vector<16xf32>
    tpu.vector_store %arg6[%swap3A_45], %swap3A_48 {strides = array<i32>} : memref<128xf32, #tpu.memory_space<vmem>>, vector<16xf32>,
    %barrier3A = arith.constant 0 : index
    tpu.barrier barrier_id(%barrier3A)
    %scan3A = arith.constant 0 : i32
    %scan3A_49 = arith.constant 0 : i32
    %scan3A_50 = arith.constant 20 : i32
    %scan3A_51 = arith.addi %scan3A_49, %scan3A_50 : i32
    %scan3A_52 = arith.constant 1 : i32
    scf.for %scan3A_55 = %scan3A_49 to %scan3A_51 step %scan3A_52  : i32 {
      %mul3A_56 = arith.constant 4 : i32
      %mul3A_57 = arith.muli %scan3A_55, %mul3A_56 : i32
      %add3A_58 = arith.constant 0 : i32
      %add3A_59 = arith.addi %mul3A_57, %add3A_58 : i32
      %dma_start3A = arith.constant 0 : i32
      %dma_start3A_60 = tpu.memref_slice %arg5[%add3A_59, %dma_start3A] : memref<80x128xi32, #tpu.memory_space<vmem>> -> memref<1x128xi32, #tpu.memory_space<vmem>>
      %dma_start3A_61 = tpu.memref_squeeze %dma_start3A_60 : memref<1x128xi32, #tpu.memory_space<vmem>> -> memref<128xi32, #tpu.memory_space<vmem>>
      %dma_start3A_62 = arith.constant 0 : i32
      %dma_start3A_63 = tpu.memref_slice %arg7[%dma_start3A_62] : memref<10240xf32, #tpu.memory_space<vmem_shared>> -> memref<10240xf32, #tpu.memory_space<vmem_shared>>
      tpu.enqueue_indirect_dma source(%arg6 : memref<128xf32, #tpu.memory_space<vmem>>) target(%dma_start3A_63 : memref<10240xf32, #tpu.memory_space<vmem_shared>>) offsets(%dma_start3A_61 : memref<128xi32, #tpu.memory_space<vmem>>) semaphore(%arg8 : memref<!tpu.dma_semaphore, #tpu.memory_space<semaphore_mem>>) {add = true}
      %mul3A_64 = arith.constant 4 : i32
      %mul3A_65 = arith.muli %scan3A_55, %mul3A_64 : i32
      %add3A_66 = arith.constant 1 : i32
      %add3A_67 = arith.addi %mul3A_65, %add3A_66 : i32
      %dma_start3A_68 = arith.constant 0 : i32
      %dma_start3A_69 = tpu.memref_slice %arg5[%add3A_67, %dma_start3A_68] : memref<80x128xi32, #tpu.memory_space<vmem>> -> memref<1x128xi32, #tpu.memory_space<vmem>>
      %dma_start3A_70 = tpu.memref_squeeze %dma_start3A_69 : memref<1x128xi32, #tpu.memory_space<vmem>> -> memref<128xi32, #tpu.memory_space<vmem>>
      %dma_start3A_71 = arith.constant 0 : i32
      %dma_start3A_72 = tpu.memref_slice %arg7[%dma_start3A_71] : memref<10240xf32, #tpu.memory_space<vmem_shared>> -> memref<10240xf32, #tpu.memory_space<vmem_shared>>
      tpu.enqueue_indirect_dma source(%arg6 : memref<128xf32, #tpu.memory_space<vmem>>) target(%dma_start3A_72 : memref<10240xf32, #tpu.memory_space<vmem_shared>>) offsets(%dma_start3A_70 : memref<128xi32, #tpu.memory_space<vmem>>) semaphore(%arg8 : memref<!tpu.dma_semaphore, #tpu.memory_space<semaphore_mem>>) {add = true}
      %mul3A_73 = arith.constant 4 : i32
      %mul3A_74 = arith.muli %scan3A_55, %mul3A_73 : i32
      %add3A_75 = arith.constant 2 : i32
      %add3A_76 = arith.addi %mul3A_74, %add3A_75 : i32
      %dma_start3A_77 = arith.constant 0 : i32
      %dma_start3A_78 = tpu.memref_slice %arg5[%add3A_76, %dma_start3A_77] : memref<80x128xi32, #tpu.memory_space<vmem>> -> memref<1x128xi32, #tpu.memory_space<vmem>>
      %dma_start3A_79 = tpu.memref_squeeze %dma_start3A_78 : memref<1x128xi32, #tpu.memory_space<vmem>> -> memref<128xi32, #tpu.memory_space<vmem>>
      %dma_start3A_80 = arith.constant 0 : i32
      %dma_start3A_81 = tpu.memref_slice %arg7[%dma_start3A_80] : memref<10240xf32, #tpu.memory_space<vmem_shared>> -> memref<10240xf32, #tpu.memory_space<vmem_shared>>
      tpu.enqueue_indirect_dma source(%arg6 : memref<128xf32, #tpu.memory_space<vmem>>) target(%dma_start3A_81 : memref<10240xf32, #tpu.memory_space<vmem_shared>>) offsets(%dma_start3A_79 : memref<128xi32, #tpu.memory_space<vmem>>) semaphore(%arg8 : memref<!tpu.dma_semaphore, #tpu.memory_space<semaphore_mem>>) {add = true}
      %mul3A_82 = arith.constant 4 : i32
      %mul3A_83 = arith.muli %scan3A_55, %mul3A_82 : i32
      %add3A_84 = arith.constant 3 : i32
      %add3A_85 = arith.addi %mul3A_83, %add3A_84 : i32
      %dma_start3A_86 = arith.constant 0 : i32
      %dma_start3A_87 = tpu.memref_slice %arg5[%add3A_85, %dma_start3A_86] : memref<80x128xi32, #tpu.memory_space<vmem>> -> memref<1x128xi32, #tpu.memory_space<vmem>>
      %dma_start3A_88 = tpu.memref_squeeze %dma_start3A_87 : memref<1x128xi32, #tpu.memory_space<vmem>> -> memref<128xi32, #tpu.memory_space<vmem>>
      %dma_start3A_89 = arith.constant 0 : i32
      %dma_start3A_90 = tpu.memref_slice %arg7[%dma_start3A_89] : memref<10240xf32, #tpu.memory_space<vmem_shared>> -> memref<10240xf32, #tpu.memory_space<vmem_shared>>
      tpu.enqueue_indirect_dma source(%arg6 : memref<128xf32, #tpu.memory_space<vmem>>) target(%dma_start3A_90 : memref<10240xf32, #tpu.memory_space<vmem_shared>>) offsets(%dma_start3A_88 : memref<128xi32, #tpu.memory_space<vmem>>) semaphore(%arg8 : memref<!tpu.dma_semaphore, #tpu.memory_space<semaphore_mem>>) {add = true}
      %mul3A_91 = arith.constant 4 : i32
      %mul3A_92 = arith.muli %scan3A_55, %mul3A_91 : i32
      %add3A_93 = arith.constant 0 : i32
      %add3A_94 = arith.addi %mul3A_92, %add3A_93 : i32
      %dma_wait3A = arith.constant 0 : i32
      %dma_wait3A_95 = tpu.memref_slice %arg5[%add3A_94, %dma_wait3A] : memref<80x128xi32, #tpu.memory_space<vmem>> -> memref<1x128xi32, #tpu.memory_space<vmem>>
      %dma_wait3A_96 = tpu.memref_squeeze %dma_wait3A_95 : memref<1x128xi32, #tpu.memory_space<vmem>> -> memref<128xi32, #tpu.memory_space<vmem>>
      %dma_wait3A_97 = arith.constant 0 : i32
      %dma_wait3A_98 = tpu.memref_slice %arg7[%dma_wait3A_97] : memref<10240xf32, #tpu.memory_space<vmem_shared>> -> memref<10240xf32, #tpu.memory_space<vmem_shared>>
      tpu.wait_indirect_dma semaphore(%arg8 : memref<!tpu.dma_semaphore, #tpu.memory_space<semaphore_mem>>) src(%arg6 : memref<128xf32, #tpu.memory_space<vmem>>) dst(%dma_wait3A_98 : memref<10240xf32, #tpu.memory_space<vmem_shared>>)
      %mul3A_99 = arith.constant 4 : i32
      %mul3A_100 = arith.muli %scan3A_55, %mul3A_99 : i32
      %add3A_101 = arith.constant 1 : i32
      %add3A_102 = arith.addi %mul3A_100, %add3A_101 : i32
      %dma_wait3A_103 = arith.constant 0 : i32
      %dma_wait3A_104 = tpu.memref_slice %arg5[%add3A_102, %dma_wait3A_103] : memref<80x128xi32, #tpu.memory_space<vmem>> -> memref<1x128xi32, #tpu.memory_space<vmem>>
      %dma_wait3A_105 = tpu.memref_squeeze %dma_wait3A_104 : memref<1x128xi32, #tpu.memory_space<vmem>> -> memref<128xi32, #tpu.memory_space<vmem>>
      %dma_wait3A_106 = arith.constant 0 : i32
      %dma_wait3A_107 = tpu.memref_slice %arg7[%dma_wait3A_106] : memref<10240xf32, #tpu.memory_space<vmem_shared>> -> memref<10240xf32, #tpu.memory_space<vmem_shared>>
      tpu.wait_indirect_dma semaphore(%arg8 : memref<!tpu.dma_semaphore, #tpu.memory_space<semaphore_mem>>) src(%arg6 : memref<128xf32, #tpu.memory_space<vmem>>) dst(%dma_wait3A_107 : memref<10240xf32, #tpu.memory_space<vmem_shared>>)
      %mul3A_108 = arith.constant 4 : i32
      %mul3A_109 = arith.muli %scan3A_55, %mul3A_108 : i32
      %add3A_110 = arith.constant 2 : i32
      %add3A_111 = arith.addi %mul3A_109, %add3A_110 : i32
      %dma_wait3A_112 = arith.constant 0 : i32
      %dma_wait3A_113 = tpu.memref_slice %arg5[%add3A_111, %dma_wait3A_112] : memref<80x128xi32, #tpu.memory_space<vmem>> -> memref<1x128xi32, #tpu.memory_space<vmem>>
      %dma_wait3A_114 = tpu.memref_squeeze %dma_wait3A_113 : memref<1x128xi32, #tpu.memory_space<vmem>> -> memref<128xi32, #tpu.memory_space<vmem>>
      %dma_wait3A_115 = arith.constant 0 : i32
      %dma_wait3A_116 = tpu.memref_slice %arg7[%dma_wait3A_115] : memref<10240xf32, #tpu.memory_space<vmem_shared>> -> memref<10240xf32, #tpu.memory_space<vmem_shared>>
      tpu.wait_indirect_dma semaphore(%arg8 : memref<!tpu.dma_semaphore, #tpu.memory_space<semaphore_mem>>) src(%arg6 : memref<128xf32, #tpu.memory_space<vmem>>) dst(%dma_wait3A_116 : memref<10240xf32, #tpu.memory_space<vmem_shared>>)
      %mul3A_117 = arith.constant 4 : i32
      %mul3A_118 = arith.muli %scan3A_55, %mul3A_117 : i32
      %add3A_119 = arith.constant 3 : i32
      %add3A_120 = arith.addi %mul3A_118, %add3A_119 : i32
      %dma_wait3A_121 = arith.constant 0 : i32
      %dma_wait3A_122 = tpu.memref_slice %arg5[%add3A_120, %dma_wait3A_121] : memref<80x128xi32, #tpu.memory_space<vmem>> -> memref<1x128xi32, #tpu.memory_space<vmem>>
      %dma_wait3A_123 = tpu.memref_squeeze %dma_wait3A_122 : memref<1x128xi32, #tpu.memory_space<vmem>> -> memref<128xi32, #tpu.memory_space<vmem>>
      %dma_wait3A_124 = arith.constant 0 : i32
      %dma_wait3A_125 = tpu.memref_slice %arg7[%dma_wait3A_124] : memref<10240xf32, #tpu.memory_space<vmem_shared>> -> memref<10240xf32, #tpu.memory_space<vmem_shared>>
      tpu.wait_indirect_dma semaphore(%arg8 : memref<!tpu.dma_semaphore, #tpu.memory_space<semaphore_mem>>) src(%arg6 : memref<128xf32, #tpu.memory_space<vmem>>) dst(%dma_wait3A_125 : memref<10240xf32, #tpu.memory_space<vmem_shared>>)
    }
    %scan3A_53 = arith.constant 20 : i32
    %barrier3A_54 = arith.constant 0 : index
    tpu.barrier barrier_id(%barrier3A_54)
    "tpu.region"() ({
      %run_scoped3A = tpu.sem_alloc : memref<!tpu.dma_semaphore, #tpu.memory_space<semaphore_mem>>
      %dma_start3A = tpu.memref_slice %arg4[%arg0, %mul3A_2] : memref<2x10240xf32, #tpu.memory_space<hbm>> -> memref<1x640xf32, #tpu.memory_space<hbm>>
      %dma_start3A_55 = tpu.memref_squeeze %dma_start3A : memref<1x640xf32, #tpu.memory_space<hbm>> -> memref<640xf32, #tpu.memory_space<hbm>>
      %dma_start3A_56 = tpu.memref_slice %arg7[%mul3A_2] : memref<10240xf32, #tpu.memory_space<vmem_shared>> -> memref<640xf32, #tpu.memory_space<vmem_shared>>
      tpu.enqueue_dma source(%dma_start3A_56 : memref<640xf32, #tpu.memory_space<vmem_shared>>) target(%dma_start3A_55 : memref<640xf32, #tpu.memory_space<hbm>>) target_semaphore(%run_scoped3A : memref<!tpu.dma_semaphore, #tpu.memory_space<semaphore_mem>>)
      %dma_wait3A = tpu.memref_slice %arg4[%arg0, %mul3A_2] : memref<2x10240xf32, #tpu.memory_space<hbm>> -> memref<1x640xf32, #tpu.memory_space<hbm>>
      %dma_wait3A_57 = tpu.memref_squeeze %dma_wait3A : memref<1x640xf32, #tpu.memory_space<hbm>> -> memref<640xf32, #tpu.memory_space<hbm>>
      %dma_wait3A_58 = tpu.memref_slice %arg7[%mul3A_2] : memref<10240xf32, #tpu.memory_space<vmem_shared>> -> memref<640xf32, #tpu.memory_space<vmem_shared>>
      tpu.wait_dma2 semaphore(%run_scoped3A : memref<!tpu.dma_semaphore, #tpu.memory_space<semaphore_mem>>) src(%dma_wait3A_58 : memref<640xf32, #tpu.memory_space<vmem_shared>>) dst(%dma_wait3A_57 : memref<640xf32, #tpu.memory_space<hbm>>)
      tpu.yield
    }) : () -> ()
    return
  }
}

#map = affine_map<(d0, d1) -> (0, 0)>
#map1 = affine_map<(d0, d1) -> (0, 0, 0, 0)>
#map2 = affine_map<(d0, d1) -> (0, 0, 0)>
module attributes {stable_mosaic.version = 14 : i64} {
  func.func @agg_kernel(%arg0: i32, %arg1: i32, %arg2: memref<10240x48xf32, #tpu.memory_space<hbm>>, %arg3: memref<32x16x5x128xi32, #tpu.memory_space<hbm>>, %arg4: memref<32x16x5x128xi32, #tpu.memory_space<hbm>>, %arg5: memref<10240x48xf32, #tpu.memory_space<hbm>>, %arg6: memref<2x10240x48xf32, #tpu.memory_space<hbm>>, %arg7: memref<2x2x5x128xi32, #tpu.memory_space<vmem>>, %arg8: memref<5x128x48xf32, #tpu.memory_space<vmem>>, %arg9: memref<10240x48xf32, #tpu.memory_space<vmem_shared>>, %arg10: memref<10240x48xf32, #tpu.memory_space<vmem_shared>>, %arg11: memref<5x!tpu.dma_semaphore, #tpu.memory_space<semaphore_mem>>, %arg12: memref<5x!tpu.dma_semaphore, #tpu.memory_space<semaphore_mem>>, %arg13: memref<!tpu.dma_semaphore, #tpu.memory_space<semaphore_mem>>) attributes {dimension_semantics = [#tpu.dimension_semantics<core_parallel>, #tpu.dimension_semantics<subcore_parallel>], iteration_bounds = array<i64: 2, 16>, scalar_prefetch = 0 : i64, scratch_operands = 7 : i64, tpu.core_type = #tpu.core_type<sc_vector_subcore>, window_params = [{transform_indices = #map}, {transform_indices = #map1}, {transform_indices = #map1}, {transform_indices = #map}, {transform_indices = #map2}]} {
    %mul3A = arith.constant 16 : i32
    %mul3A_0 = arith.muli %arg0, %mul3A : i32
    %add3A = arith.addi %mul3A_0, %arg1 : i32
    %mul3A_1 = arith.constant 640 : i32
    %mul3A_2 = arith.muli %arg1, %mul3A_1 : i32
    "tpu.region"() ({
      %run_scoped3A_162 = tpu.sem_alloc : memref<!tpu.dma_semaphore, #tpu.memory_space<semaphore_mem>>
      %dma_start3A_163 = arith.constant 0 : i32
      %dma_start3A_164 = tpu.memref_slice %arg9[%mul3A_2, %dma_start3A_163] : memref<10240x48xf32, #tpu.memory_space<vmem_shared>> -> memref<640x48xf32, #tpu.memory_space<vmem_shared>>
      %dma_start3A_165 = arith.constant 0 : i32
      %dma_start3A_166 = tpu.memref_slice %arg2[%mul3A_2, %dma_start3A_165] : memref<10240x48xf32, #tpu.memory_space<hbm>> -> memref<640x48xf32, #tpu.memory_space<hbm>>
      tpu.enqueue_dma source(%dma_start3A_166 : memref<640x48xf32, #tpu.memory_space<hbm>>) target(%dma_start3A_164 : memref<640x48xf32, #tpu.memory_space<vmem_shared>>) target_semaphore(%run_scoped3A_162 : memref<!tpu.dma_semaphore, #tpu.memory_space<semaphore_mem>>)
      %dma_wait3A = arith.constant 0 : i32
      %dma_wait3A_167 = tpu.memref_slice %arg9[%mul3A_2, %dma_wait3A] : memref<10240x48xf32, #tpu.memory_space<vmem_shared>> -> memref<640x48xf32, #tpu.memory_space<vmem_shared>>
      %dma_wait3A_168 = arith.constant 0 : i32
      %dma_wait3A_169 = tpu.memref_slice %arg2[%mul3A_2, %dma_wait3A_168] : memref<10240x48xf32, #tpu.memory_space<hbm>> -> memref<640x48xf32, #tpu.memory_space<hbm>>
      tpu.wait_dma2 semaphore(%run_scoped3A_162 : memref<!tpu.dma_semaphore, #tpu.memory_space<semaphore_mem>>) src(%dma_wait3A_169 : memref<640x48xf32, #tpu.memory_space<hbm>>) dst(%dma_wait3A_167 : memref<640x48xf32, #tpu.memory_space<vmem_shared>>)
      tpu.yield
    }) : () -> ()
    %eq3A = arith.constant 0 : i32
    %eq3A_3 = arith.cmpi eq, %arg0, %eq3A : i32
    %convert_element_type3A = arith.extui %eq3A_3 : i1 to i32
    %cond3A = arith.constant 0 : i32
    %cond3A_4 = arith.cmpi ne, %convert_element_type3A, %cond3A : i32
    scf.if %cond3A_4 {
      "tpu.region"() ({
        %run_scoped3A_162 = tpu.sem_alloc : memref<!tpu.dma_semaphore, #tpu.memory_space<semaphore_mem>>
        %dma_start3A_163 = arith.constant 0 : i32
        %dma_start3A_164 = tpu.memref_slice %arg10[%mul3A_2, %dma_start3A_163] : memref<10240x48xf32, #tpu.memory_space<vmem_shared>> -> memref<640x48xf32, #tpu.memory_space<vmem_shared>>
        %dma_start3A_165 = arith.constant 0 : i32
        %dma_start3A_166 = tpu.memref_slice %arg2[%mul3A_2, %dma_start3A_165] : memref<10240x48xf32, #tpu.memory_space<hbm>> -> memref<640x48xf32, #tpu.memory_space<hbm>>
        tpu.enqueue_dma source(%dma_start3A_166 : memref<640x48xf32, #tpu.memory_space<hbm>>) target(%dma_start3A_164 : memref<640x48xf32, #tpu.memory_space<vmem_shared>>) target_semaphore(%run_scoped3A_162 : memref<!tpu.dma_semaphore, #tpu.memory_space<semaphore_mem>>)
        %dma_wait3A = arith.constant 0 : i32
        %dma_wait3A_167 = tpu.memref_slice %arg10[%mul3A_2, %dma_wait3A] : memref<10240x48xf32, #tpu.memory_space<vmem_shared>> -> memref<640x48xf32, #tpu.memory_space<vmem_shared>>
        %dma_wait3A_168 = arith.constant 0 : i32
        %dma_wait3A_169 = tpu.memref_slice %arg2[%mul3A_2, %dma_wait3A_168] : memref<10240x48xf32, #tpu.memory_space<hbm>> -> memref<640x48xf32, #tpu.memory_space<hbm>>
        tpu.wait_dma2 semaphore(%run_scoped3A_162 : memref<!tpu.dma_semaphore, #tpu.memory_space<semaphore_mem>>) src(%dma_wait3A_169 : memref<640x48xf32, #tpu.memory_space<hbm>>) dst(%dma_wait3A_167 : memref<640x48xf32, #tpu.memory_space<vmem_shared>>)
        tpu.yield
      }) : () -> ()
    } else {
    }
    %ne3A = arith.constant 0 : i32
    %ne3A_5 = arith.cmpi ne, %arg0, %ne3A : i32
    %convert_element_type3A_6 = arith.extui %ne3A_5 : i1 to i32
    %cond3A_7 = arith.constant 0 : i32
    %cond3A_8 = arith.cmpi ne, %convert_element_type3A_6, %cond3A_7 : i32
    scf.if %cond3A_8 {
      "tpu.region"() ({
        %run_scoped3A_162 = tpu.sem_alloc : memref<!tpu.dma_semaphore, #tpu.memory_space<semaphore_mem>>
        %dma_start3A_163 = arith.constant 0 : i32
        %dma_start3A_164 = tpu.memref_slice %arg10[%mul3A_2, %dma_start3A_163] : memref<10240x48xf32, #tpu.memory_space<vmem_shared>> -> memref<640x48xf32, #tpu.memory_space<vmem_shared>>
        %dma_start3A_165 = arith.constant 0 : i32
        %dma_start3A_166 = tpu.memref_slice %arg5[%mul3A_2, %dma_start3A_165] : memref<10240x48xf32, #tpu.memory_space<hbm>> -> memref<640x48xf32, #tpu.memory_space<hbm>>
        tpu.enqueue_dma source(%dma_start3A_166 : memref<640x48xf32, #tpu.memory_space<hbm>>) target(%dma_start3A_164 : memref<640x48xf32, #tpu.memory_space<vmem_shared>>) target_semaphore(%run_scoped3A_162 : memref<!tpu.dma_semaphore, #tpu.memory_space<semaphore_mem>>)
        %dma_wait3A = arith.constant 0 : i32
        %dma_wait3A_167 = tpu.memref_slice %arg10[%mul3A_2, %dma_wait3A] : memref<10240x48xf32, #tpu.memory_space<vmem_shared>> -> memref<640x48xf32, #tpu.memory_space<vmem_shared>>
        %dma_wait3A_168 = arith.constant 0 : i32
        %dma_wait3A_169 = tpu.memref_slice %arg5[%mul3A_2, %dma_wait3A_168] : memref<10240x48xf32, #tpu.memory_space<hbm>> -> memref<640x48xf32, #tpu.memory_space<hbm>>
        tpu.wait_dma2 semaphore(%run_scoped3A_162 : memref<!tpu.dma_semaphore, #tpu.memory_space<semaphore_mem>>) src(%dma_wait3A_169 : memref<640x48xf32, #tpu.memory_space<hbm>>) dst(%dma_wait3A_167 : memref<640x48xf32, #tpu.memory_space<vmem_shared>>)
        tpu.yield
      }) : () -> ()
    } else {
    }
    %barrier3A = arith.constant 0 : index
    tpu.barrier barrier_id(%barrier3A)
    %run_scoped3A = arith.constant 0 : i32
    %run_scoped3A_9 = arith.constant 0 : i32
    %run_scoped3A_10 = arith.constant 0 : i32
    "tpu.region"() ({
      %run_scoped3A_162 = tpu.sem_alloc : memref<!tpu.dma_semaphore, #tpu.memory_space<semaphore_mem>>
      %dma_start3A_163 = arith.constant 0 : i32
      %dma_start3A_164 = arith.constant 0 : i32
      %dma_start3A_165 = tpu.memref_slice %arg7[%run_scoped3A_9, %run_scoped3A_10, %dma_start3A_163, %dma_start3A_164] : memref<2x2x5x128xi32, #tpu.memory_space<vmem>> -> memref<1x1x5x128xi32, #tpu.memory_space<vmem>>
      %dma_start3A_166 = tpu.memref_squeeze %dma_start3A_165 : memref<1x1x5x128xi32, #tpu.memory_space<vmem>> -> memref<5x128xi32, #tpu.memory_space<vmem>>
      %dma_start3A_167 = arith.constant 0 : i32
      %dma_start3A_168 = arith.constant 0 : i32
      %dma_start3A_169 = arith.constant 0 : i32
      %dma_start3A_170 = tpu.memref_slice %arg3[%add3A, %dma_start3A_167, %dma_start3A_168, %dma_start3A_169] : memref<32x16x5x128xi32, #tpu.memory_space<hbm>> -> memref<1x16x5x128xi32, #tpu.memory_space<hbm>>
      %dma_start3A_171 = tpu.memref_squeeze %dma_start3A_170 : memref<1x16x5x128xi32, #tpu.memory_space<hbm>> -> memref<16x5x128xi32, #tpu.memory_space<hbm>>
      %dma_start3A_172 = arith.constant 0 : i32
      %dma_start3A_173 = arith.constant 0 : i32
      %dma_start3A_174 = tpu.memref_slice %dma_start3A_171[%run_scoped3A, %dma_start3A_172, %dma_start3A_173] : memref<16x5x128xi32, #tpu.memory_space<hbm>> -> memref<1x5x128xi32, #tpu.memory_space<hbm>>
      %dma_start3A_175 = tpu.memref_squeeze %dma_start3A_174 : memref<1x5x128xi32, #tpu.memory_space<hbm>> -> memref<5x128xi32, #tpu.memory_space<hbm>>
      %dma_start3A_176 = arith.constant 0 : i32
      %dma_start3A_177 = arith.constant 0 : i32
      %dma_start3A_178 = tpu.memref_slice %arg7[%run_scoped3A_9, %run_scoped3A_10, %dma_start3A_176, %dma_start3A_177] : memref<2x2x5x128xi32, #tpu.memory_space<vmem>> -> memref<1x1x5x128xi32, #tpu.memory_space<vmem>>
      %dma_start3A_179 = tpu.memref_squeeze %dma_start3A_178 : memref<1x1x5x128xi32, #tpu.memory_space<vmem>> -> memref<5x128xi32, #tpu.memory_space<vmem>>
      %dma_start3A_180 = arith.constant 0 : i32
      %dma_start3A_181 = arith.constant 0 : i32
      %dma_start3A_182 = arith.constant 0 : i32
      %dma_start3A_183 = tpu.memref_slice %arg3[%add3A, %dma_start3A_180, %dma_start3A_181, %dma_start3A_182] : memref<32x16x5x128xi32, #tpu.memory_space<hbm>> -> memref<1x16x5x128xi32, #tpu.memory_space<hbm>>
      %dma_start3A_184 = tpu.memref_squeeze %dma_start3A_183 : memref<1x16x5x128xi32, #tpu.memory_space<hbm>> -> memref<16x5x128xi32, #tpu.memory_space<hbm>>
      %dma_start3A_185 = arith.constant 0 : i32
      %dma_start3A_186 = arith.constant 0 : i32
      %dma_start3A_187 = tpu.memref_slice %dma_start3A_184[%run_scoped3A, %dma_start3A_185, %dma_start3A_186] : memref<16x5x128xi32, #tpu.memory_space<hbm>> -> memref<1x5x128xi32, #tpu.memory_space<hbm>>
      %dma_start3A_188 = tpu.memref_squeeze %dma_start3A_187 : memref<1x5x128xi32, #tpu.memory_space<hbm>> -> memref<5x128xi32, #tpu.memory_space<hbm>>
      tpu.enqueue_dma source(%dma_start3A_188 : memref<5x128xi32, #tpu.memory_space<hbm>>) target(%dma_start3A_179 : memref<5x128xi32, #tpu.memory_space<vmem>>) target_semaphore(%run_scoped3A_162 : memref<!tpu.dma_semaphore, #tpu.memory_space<semaphore_mem>>)
      %dma_wait3A = arith.constant 0 : i32
      %dma_wait3A_189 = arith.constant 0 : i32
      %dma_wait3A_190 = tpu.memref_slice %arg7[%run_scoped3A_9, %run_scoped3A_10, %dma_wait3A, %dma_wait3A_189] : memref<2x2x5x128xi32, #tpu.memory_space<vmem>> -> memref<1x1x5x128xi32, #tpu.memory_space<vmem>>
      %dma_wait3A_191 = tpu.memref_squeeze %dma_wait3A_190 : memref<1x1x5x128xi32, #tpu.memory_space<vmem>> -> memref<5x128xi32, #tpu.memory_space<vmem>>
      %dma_wait3A_192 = arith.constant 0 : i32
      %dma_wait3A_193 = arith.constant 0 : i32
      %dma_wait3A_194 = arith.constant 0 : i32
      %dma_wait3A_195 = tpu.memref_slice %arg3[%add3A, %dma_wait3A_192, %dma_wait3A_193, %dma_wait3A_194] : memref<32x16x5x128xi32, #tpu.memory_space<hbm>> -> memref<1x16x5x128xi32, #tpu.memory_space<hbm>>
      %dma_wait3A_196 = tpu.memref_squeeze %dma_wait3A_195 : memref<1x16x5x128xi32, #tpu.memory_space<hbm>> -> memref<16x5x128xi32, #tpu.memory_space<hbm>>
      %dma_wait3A_197 = arith.constant 0 : i32
      %dma_wait3A_198 = arith.constant 0 : i32
      %dma_wait3A_199 = tpu.memref_slice %dma_wait3A_196[%run_scoped3A, %dma_wait3A_197, %dma_wait3A_198] : memref<16x5x128xi32, #tpu.memory_space<hbm>> -> memref<1x5x128xi32, #tpu.memory_space<hbm>>
      %dma_wait3A_200 = tpu.memref_squeeze %dma_wait3A_199 : memref<1x5x128xi32, #tpu.memory_space<hbm>> -> memref<5x128xi32, #tpu.memory_space<hbm>>
      %dma_wait3A_201 = arith.constant 0 : i32
      %dma_wait3A_202 = arith.constant 0 : i32
      %dma_wait3A_203 = tpu.memref_slice %arg7[%run_scoped3A_9, %run_scoped3A_10, %dma_wait3A_201, %dma_wait3A_202] : memref<2x2x5x128xi32, #tpu.memory_space<vmem>> -> memref<1x1x5x128xi32, #tpu.memory_space<vmem>>
      %dma_wait3A_204 = tpu.memref_squeeze %dma_wait3A_203 : memref<1x1x5x128xi32, #tpu.memory_space<vmem>> -> memref<5x128xi32, #tpu.memory_space<vmem>>
      %dma_wait3A_205 = arith.constant 0 : i32
      %dma_wait3A_206 = arith.constant 0 : i32
      %dma_wait3A_207 = arith.constant 0 : i32
      %dma_wait3A_208 = tpu.memref_slice %arg3[%add3A, %dma_wait3A_205, %dma_wait3A_206, %dma_wait3A_207] : memref<32x16x5x128xi32, #tpu.memory_space<hbm>> -> memref<1x16x5x128xi32, #tpu.memory_space<hbm>>
      %dma_wait3A_209 = tpu.memref_squeeze %dma_wait3A_208 : memref<1x16x5x128xi32, #tpu.memory_space<hbm>> -> memref<16x5x128xi32, #tpu.memory_space<hbm>>
      %dma_wait3A_210 = arith.constant 0 : i32
      %dma_wait3A_211 = arith.constant 0 : i32
      %dma_wait3A_212 = tpu.memref_slice %dma_wait3A_209[%run_scoped3A, %dma_wait3A_210, %dma_wait3A_211] : memref<16x5x128xi32, #tpu.memory_space<hbm>> -> memref<1x5x128xi32, #tpu.memory_space<hbm>>
      %dma_wait3A_213 = tpu.memref_squeeze %dma_wait3A_212 : memref<1x5x128xi32, #tpu.memory_space<hbm>> -> memref<5x128xi32, #tpu.memory_space<hbm>>
      tpu.wait_dma2 semaphore(%run_scoped3A_162 : memref<!tpu.dma_semaphore, #tpu.memory_space<semaphore_mem>>) src(%dma_wait3A_213 : memref<5x128xi32, #tpu.memory_space<hbm>>) dst(%dma_wait3A_204 : memref<5x128xi32, #tpu.memory_space<vmem>>)
      tpu.yield
    }) : () -> ()
    %run_scoped3A_11 = arith.constant 0 : i32
    %run_scoped3A_12 = arith.constant 0 : i32
    %run_scoped3A_13 = arith.constant 1 : i32
    "tpu.region"() ({
      %run_scoped3A_162 = tpu.sem_alloc : memref<!tpu.dma_semaphore, #tpu.memory_space<semaphore_mem>>
      %dma_start3A_163 = arith.constant 0 : i32
      %dma_start3A_164 = arith.constant 0 : i32
      %dma_start3A_165 = tpu.memref_slice %arg7[%run_scoped3A_12, %run_scoped3A_13, %dma_start3A_163, %dma_start3A_164] : memref<2x2x5x128xi32, #tpu.memory_space<vmem>> -> memref<1x1x5x128xi32, #tpu.memory_space<vmem>>
      %dma_start3A_166 = tpu.memref_squeeze %dma_start3A_165 : memref<1x1x5x128xi32, #tpu.memory_space<vmem>> -> memref<5x128xi32, #tpu.memory_space<vmem>>
      %dma_start3A_167 = arith.constant 0 : i32
      %dma_start3A_168 = arith.constant 0 : i32
      %dma_start3A_169 = arith.constant 0 : i32
      %dma_start3A_170 = tpu.memref_slice %arg4[%add3A, %dma_start3A_167, %dma_start3A_168, %dma_start3A_169] : memref<32x16x5x128xi32, #tpu.memory_space<hbm>> -> memref<1x16x5x128xi32, #tpu.memory_space<hbm>>
      %dma_start3A_171 = tpu.memref_squeeze %dma_start3A_170 : memref<1x16x5x128xi32, #tpu.memory_space<hbm>> -> memref<16x5x128xi32, #tpu.memory_space<hbm>>
      %dma_start3A_172 = arith.constant 0 : i32
      %dma_start3A_173 = arith.constant 0 : i32
      %dma_start3A_174 = tpu.memref_slice %dma_start3A_171[%run_scoped3A_11, %dma_start3A_172, %dma_start3A_173] : memref<16x5x128xi32, #tpu.memory_space<hbm>> -> memref<1x5x128xi32, #tpu.memory_space<hbm>>
      %dma_start3A_175 = tpu.memref_squeeze %dma_start3A_174 : memref<1x5x128xi32, #tpu.memory_space<hbm>> -> memref<5x128xi32, #tpu.memory_space<hbm>>
      %dma_start3A_176 = arith.constant 0 : i32
      %dma_start3A_177 = arith.constant 0 : i32
      %dma_start3A_178 = tpu.memref_slice %arg7[%run_scoped3A_12, %run_scoped3A_13, %dma_start3A_176, %dma_start3A_177] : memref<2x2x5x128xi32, #tpu.memory_space<vmem>> -> memref<1x1x5x128xi32, #tpu.memory_space<vmem>>
      %dma_start3A_179 = tpu.memref_squeeze %dma_start3A_178 : memref<1x1x5x128xi32, #tpu.memory_space<vmem>> -> memref<5x128xi32, #tpu.memory_space<vmem>>
      %dma_start3A_180 = arith.constant 0 : i32
      %dma_start3A_181 = arith.constant 0 : i32
      %dma_start3A_182 = arith.constant 0 : i32
      %dma_start3A_183 = tpu.memref_slice %arg4[%add3A, %dma_start3A_180, %dma_start3A_181, %dma_start3A_182] : memref<32x16x5x128xi32, #tpu.memory_space<hbm>> -> memref<1x16x5x128xi32, #tpu.memory_space<hbm>>
      %dma_start3A_184 = tpu.memref_squeeze %dma_start3A_183 : memref<1x16x5x128xi32, #tpu.memory_space<hbm>> -> memref<16x5x128xi32, #tpu.memory_space<hbm>>
      %dma_start3A_185 = arith.constant 0 : i32
      %dma_start3A_186 = arith.constant 0 : i32
      %dma_start3A_187 = tpu.memref_slice %dma_start3A_184[%run_scoped3A_11, %dma_start3A_185, %dma_start3A_186] : memref<16x5x128xi32, #tpu.memory_space<hbm>> -> memref<1x5x128xi32, #tpu.memory_space<hbm>>
      %dma_start3A_188 = tpu.memref_squeeze %dma_start3A_187 : memref<1x5x128xi32, #tpu.memory_space<hbm>> -> memref<5x128xi32, #tpu.memory_space<hbm>>
      tpu.enqueue_dma source(%dma_start3A_188 : memref<5x128xi32, #tpu.memory_space<hbm>>) target(%dma_start3A_179 : memref<5x128xi32, #tpu.memory_space<vmem>>) target_semaphore(%run_scoped3A_162 : memref<!tpu.dma_semaphore, #tpu.memory_space<semaphore_mem>>)
      %dma_wait3A = arith.constant 0 : i32
      %dma_wait3A_189 = arith.constant 0 : i32
      %dma_wait3A_190 = tpu.memref_slice %arg7[%run_scoped3A_12, %run_scoped3A_13, %dma_wait3A, %dma_wait3A_189] : memref<2x2x5x128xi32, #tpu.memory_space<vmem>> -> memref<1x1x5x128xi32, #tpu.memory_space<vmem>>
      %dma_wait3A_191 = tpu.memref_squeeze %dma_wait3A_190 : memref<1x1x5x128xi32, #tpu.memory_space<vmem>> -> memref<5x128xi32, #tpu.memory_space<vmem>>
      %dma_wait3A_192 = arith.constant 0 : i32
      %dma_wait3A_193 = arith.constant 0 : i32
      %dma_wait3A_194 = arith.constant 0 : i32
      %dma_wait3A_195 = tpu.memref_slice %arg4[%add3A, %dma_wait3A_192, %dma_wait3A_193, %dma_wait3A_194] : memref<32x16x5x128xi32, #tpu.memory_space<hbm>> -> memref<1x16x5x128xi32, #tpu.memory_space<hbm>>
      %dma_wait3A_196 = tpu.memref_squeeze %dma_wait3A_195 : memref<1x16x5x128xi32, #tpu.memory_space<hbm>> -> memref<16x5x128xi32, #tpu.memory_space<hbm>>
      %dma_wait3A_197 = arith.constant 0 : i32
      %dma_wait3A_198 = arith.constant 0 : i32
      %dma_wait3A_199 = tpu.memref_slice %dma_wait3A_196[%run_scoped3A_11, %dma_wait3A_197, %dma_wait3A_198] : memref<16x5x128xi32, #tpu.memory_space<hbm>> -> memref<1x5x128xi32, #tpu.memory_space<hbm>>
      %dma_wait3A_200 = tpu.memref_squeeze %dma_wait3A_199 : memref<1x5x128xi32, #tpu.memory_space<hbm>> -> memref<5x128xi32, #tpu.memory_space<hbm>>
      %dma_wait3A_201 = arith.constant 0 : i32
      %dma_wait3A_202 = arith.constant 0 : i32
      %dma_wait3A_203 = tpu.memref_slice %arg7[%run_scoped3A_12, %run_scoped3A_13, %dma_wait3A_201, %dma_wait3A_202] : memref<2x2x5x128xi32, #tpu.memory_space<vmem>> -> memref<1x1x5x128xi32, #tpu.memory_space<vmem>>
      %dma_wait3A_204 = tpu.memref_squeeze %dma_wait3A_203 : memref<1x1x5x128xi32, #tpu.memory_space<vmem>> -> memref<5x128xi32, #tpu.memory_space<vmem>>
      %dma_wait3A_205 = arith.constant 0 : i32
      %dma_wait3A_206 = arith.constant 0 : i32
      %dma_wait3A_207 = arith.constant 0 : i32
      %dma_wait3A_208 = tpu.memref_slice %arg4[%add3A, %dma_wait3A_205, %dma_wait3A_206, %dma_wait3A_207] : memref<32x16x5x128xi32, #tpu.memory_space<hbm>> -> memref<1x16x5x128xi32, #tpu.memory_space<hbm>>
      %dma_wait3A_209 = tpu.memref_squeeze %dma_wait3A_208 : memref<1x16x5x128xi32, #tpu.memory_space<hbm>> -> memref<16x5x128xi32, #tpu.memory_space<hbm>>
      %dma_wait3A_210 = arith.constant 0 : i32
      %dma_wait3A_211 = arith.constant 0 : i32
      %dma_wait3A_212 = tpu.memref_slice %dma_wait3A_209[%run_scoped3A_11, %dma_wait3A_210, %dma_wait3A_211] : memref<16x5x128xi32, #tpu.memory_space<hbm>> -> memref<1x5x128xi32, #tpu.memory_space<hbm>>
      %dma_wait3A_213 = tpu.memref_squeeze %dma_wait3A_212 : memref<1x5x128xi32, #tpu.memory_space<hbm>> -> memref<5x128xi32, #tpu.memory_space<hbm>>
      tpu.wait_dma2 semaphore(%run_scoped3A_162 : memref<!tpu.dma_semaphore, #tpu.memory_space<semaphore_mem>>) src(%dma_wait3A_213 : memref<5x128xi32, #tpu.memory_space<hbm>>) dst(%dma_wait3A_204 : memref<5x128xi32, #tpu.memory_space<vmem>>)
      tpu.yield
    }) : () -> ()
    %dma_start3A = arith.constant 0 : i32
    %dma_start3A_14 = arith.constant 0 : i32
    %dma_start3A_15 = arith.constant 0 : i32
    %dma_start3A_16 = arith.constant 0 : i32
    %dma_start3A_17 = arith.constant 0 : i32
    %dma_start3A_18 = arith.constant 0 : i32
    %dma_start3A_19 = arith.constant 0 : i32
    %dma_start3A_20 = tpu.memref_slice %arg8[%dma_start3A_16, %dma_start3A_18, %dma_start3A_19] : memref<5x128x48xf32, #tpu.memory_space<vmem>> -> memref<1x128x48xf32, #tpu.memory_space<vmem>>
    %dma_start3A_21 = tpu.memref_squeeze %dma_start3A_20 : memref<1x128x48xf32, #tpu.memory_space<vmem>> -> memref<128x48xf32, #tpu.memory_space<vmem>>
    %dma_start3A_22 = arith.constant 0 : i32
    %dma_start3A_23 = tpu.memref_slice %arg7[%dma_start3A, %dma_start3A_14, %dma_start3A_15, %dma_start3A_22] : memref<2x2x5x128xi32, #tpu.memory_space<vmem>> -> memref<1x1x1x128xi32, #tpu.memory_space<vmem>>
    %dma_start3A_24 = tpu.memref_squeeze %dma_start3A_23 : memref<1x1x1x128xi32, #tpu.memory_space<vmem>> -> memref<128xi32, #tpu.memory_space<vmem>>
    %dma_start3A_25 = arith.constant 0 : i32
    %dma_start3A_26 = arith.constant 0 : i32
    %dma_start3A_27 = tpu.memref_slice %arg9[%dma_start3A_25, %dma_start3A_26] : memref<10240x48xf32, #tpu.memory_space<vmem_shared>> -> memref<10240x48xf32, #tpu.memory_space<vmem_shared>>
    %dma_start3A_28 = tpu.memref_slice %arg11[%dma_start3A_17] : memref<5x!tpu.dma_semaphore, #tpu.memory_space<semaphore_mem>> -> memref<1x!tpu.dma_semaphore, #tpu.memory_space<semaphore_mem>>
    %dma_start3A_29 = tpu.memref_squeeze %dma_start3A_28 : memref<1x!tpu.dma_semaphore, #tpu.memory_space<semaphore_mem>> -> memref<!tpu.dma_semaphore, #tpu.memory_space<semaphore_mem>>
    tpu.enqueue_indirect_dma source(%dma_start3A_27 : memref<10240x48xf32, #tpu.memory_space<vmem_shared>>) target(%dma_start3A_21 : memref<128x48xf32, #tpu.memory_space<vmem>>) offsets(%dma_start3A_24 : memref<128xi32, #tpu.memory_space<vmem>>) semaphore(%dma_start3A_29 : memref<!tpu.dma_semaphore, #tpu.memory_space<semaphore_mem>>)
    %dma_start3A_30 = arith.constant 0 : i32
    %dma_start3A_31 = arith.constant 0 : i32
    %dma_start3A_32 = arith.constant 1 : i32
    %dma_start3A_33 = arith.constant 1 : i32
    %dma_start3A_34 = arith.constant 1 : i32
    %dma_start3A_35 = arith.constant 0 : i32
    %dma_start3A_36 = arith.constant 0 : i32
    %dma_start3A_37 = tpu.memref_slice %arg8[%dma_start3A_33, %dma_start3A_35, %dma_start3A_36] : memref<5x128x48xf32, #tpu.memory_space<vmem>> -> memref<1x128x48xf32, #tpu.memory_space<vmem>>
    %dma_start3A_38 = tpu.memref_squeeze %dma_start3A_37 : memref<1x128x48xf32, #tpu.memory_space<vmem>> -> memref<128x48xf32, #tpu.memory_space<vmem>>
    %dma_start3A_39 = arith.constant 0 : i32
    %dma_start3A_40 = tpu.memref_slice %arg7[%dma_start3A_30, %dma_start3A_31, %dma_start3A_32, %dma_start3A_39] : memref<2x2x5x128xi32, #tpu.memory_space<vmem>> -> memref<1x1x1x128xi32, #tpu.memory_space<vmem>>
    %dma_start3A_41 = tpu.memref_squeeze %dma_start3A_40 : memref<1x1x1x128xi32, #tpu.memory_space<vmem>> -> memref<128xi32, #tpu.memory_space<vmem>>
    %dma_start3A_42 = arith.constant 0 : i32
    %dma_start3A_43 = arith.constant 0 : i32
    %dma_start3A_44 = tpu.memref_slice %arg9[%dma_start3A_42, %dma_start3A_43] : memref<10240x48xf32, #tpu.memory_space<vmem_shared>> -> memref<10240x48xf32, #tpu.memory_space<vmem_shared>>
    %dma_start3A_45 = tpu.memref_slice %arg11[%dma_start3A_34] : memref<5x!tpu.dma_semaphore, #tpu.memory_space<semaphore_mem>> -> memref<1x!tpu.dma_semaphore, #tpu.memory_space<semaphore_mem>>
    %dma_start3A_46 = tpu.memref_squeeze %dma_start3A_45 : memref<1x!tpu.dma_semaphore, #tpu.memory_space<semaphore_mem>> -> memref<!tpu.dma_semaphore, #tpu.memory_space<semaphore_mem>>
    tpu.enqueue_indirect_dma source(%dma_start3A_44 : memref<10240x48xf32, #tpu.memory_space<vmem_shared>>) target(%dma_start3A_38 : memref<128x48xf32, #tpu.memory_space<vmem>>) offsets(%dma_start3A_41 : memref<128xi32, #tpu.memory_space<vmem>>) semaphore(%dma_start3A_46 : memref<!tpu.dma_semaphore, #tpu.memory_space<semaphore_mem>>)
    %dma_start3A_47 = arith.constant 0 : i32
    %dma_start3A_48 = arith.constant 0 : i32
    %dma_start3A_49 = arith.constant 2 : i32
    %dma_start3A_50 = arith.constant 2 : i32
    %dma_start3A_51 = arith.constant 2 : i32
    %dma_start3A_52 = arith.constant 0 : i32
    %dma_start3A_53 = arith.constant 0 : i32
    %dma_start3A_54 = tpu.memref_slice %arg8[%dma_start3A_50, %dma_start3A_52, %dma_start3A_53] : memref<5x128x48xf32, #tpu.memory_space<vmem>> -> memref<1x128x48xf32, #tpu.memory_space<vmem>>
    %dma_start3A_55 = tpu.memref_squeeze %dma_start3A_54 : memref<1x128x48xf32, #tpu.memory_space<vmem>> -> memref<128x48xf32, #tpu.memory_space<vmem>>
    %dma_start3A_56 = arith.constant 0 : i32
    %dma_start3A_57 = tpu.memref_slice %arg7[%dma_start3A_47, %dma_start3A_48, %dma_start3A_49, %dma_start3A_56] : memref<2x2x5x128xi32, #tpu.memory_space<vmem>> -> memref<1x1x1x128xi32, #tpu.memory_space<vmem>>
    %dma_start3A_58 = tpu.memref_squeeze %dma_start3A_57 : memref<1x1x1x128xi32, #tpu.memory_space<vmem>> -> memref<128xi32, #tpu.memory_space<vmem>>
    %dma_start3A_59 = arith.constant 0 : i32
    %dma_start3A_60 = arith.constant 0 : i32
    %dma_start3A_61 = tpu.memref_slice %arg9[%dma_start3A_59, %dma_start3A_60] : memref<10240x48xf32, #tpu.memory_space<vmem_shared>> -> memref<10240x48xf32, #tpu.memory_space<vmem_shared>>
    %dma_start3A_62 = tpu.memref_slice %arg11[%dma_start3A_51] : memref<5x!tpu.dma_semaphore, #tpu.memory_space<semaphore_mem>> -> memref<1x!tpu.dma_semaphore, #tpu.memory_space<semaphore_mem>>
    %dma_start3A_63 = tpu.memref_squeeze %dma_start3A_62 : memref<1x!tpu.dma_semaphore, #tpu.memory_space<semaphore_mem>> -> memref<!tpu.dma_semaphore, #tpu.memory_space<semaphore_mem>>
    tpu.enqueue_indirect_dma source(%dma_start3A_61 : memref<10240x48xf32, #tpu.memory_space<vmem_shared>>) target(%dma_start3A_55 : memref<128x48xf32, #tpu.memory_space<vmem>>) offsets(%dma_start3A_58 : memref<128xi32, #tpu.memory_space<vmem>>) semaphore(%dma_start3A_63 : memref<!tpu.dma_semaphore, #tpu.memory_space<semaphore_mem>>)
    %dma_start3A_64 = arith.constant 0 : i32
    %dma_start3A_65 = arith.constant 0 : i32
    %dma_start3A_66 = arith.constant 3 : i32
    %dma_start3A_67 = arith.constant 3 : i32
    %dma_start3A_68 = arith.constant 3 : i32
    %dma_start3A_69 = arith.constant 0 : i32
    %dma_start3A_70 = arith.constant 0 : i32
    %dma_start3A_71 = tpu.memref_slice %arg8[%dma_start3A_67, %dma_start3A_69, %dma_start3A_70] : memref<5x128x48xf32, #tpu.memory_space<vmem>> -> memref<1x128x48xf32, #tpu.memory_space<vmem>>
    %dma_start3A_72 = tpu.memref_squeeze %dma_start3A_71 : memref<1x128x48xf32, #tpu.memory_space<vmem>> -> memref<128x48xf32, #tpu.memory_space<vmem>>
    %dma_start3A_73 = arith.constant 0 : i32
    %dma_start3A_74 = tpu.memref_slice %arg7[%dma_start3A_64, %dma_start3A_65, %dma_start3A_66, %dma_start3A_73] : memref<2x2x5x128xi32, #tpu.memory_space<vmem>> -> memref<1x1x1x128xi32, #tpu.memory_space<vmem>>
    %dma_start3A_75 = tpu.memref_squeeze %dma_start3A_74 : memref<1x1x1x128xi32, #tpu.memory_space<vmem>> -> memref<128xi32, #tpu.memory_space<vmem>>
    %dma_start3A_76 = arith.constant 0 : i32
    %dma_start3A_77 = arith.constant 0 : i32
    %dma_start3A_78 = tpu.memref_slice %arg9[%dma_start3A_76, %dma_start3A_77] : memref<10240x48xf32, #tpu.memory_space<vmem_shared>> -> memref<10240x48xf32, #tpu.memory_space<vmem_shared>>
    %dma_start3A_79 = tpu.memref_slice %arg11[%dma_start3A_68] : memref<5x!tpu.dma_semaphore, #tpu.memory_space<semaphore_mem>> -> memref<1x!tpu.dma_semaphore, #tpu.memory_space<semaphore_mem>>
    %dma_start3A_80 = tpu.memref_squeeze %dma_start3A_79 : memref<1x!tpu.dma_semaphore, #tpu.memory_space<semaphore_mem>> -> memref<!tpu.dma_semaphore, #tpu.memory_space<semaphore_mem>>
    tpu.enqueue_indirect_dma source(%dma_start3A_78 : memref<10240x48xf32, #tpu.memory_space<vmem_shared>>) target(%dma_start3A_72 : memref<128x48xf32, #tpu.memory_space<vmem>>) offsets(%dma_start3A_75 : memref<128xi32, #tpu.memory_space<vmem>>) semaphore(%dma_start3A_80 : memref<!tpu.dma_semaphore, #tpu.memory_space<semaphore_mem>>)
    %dma_start3A_81 = arith.constant 0 : i32
    %dma_start3A_82 = arith.constant 0 : i32
    %dma_start3A_83 = arith.constant 4 : i32
    %dma_start3A_84 = arith.constant 4 : i32
    %dma_start3A_85 = arith.constant 4 : i32
    %dma_start3A_86 = arith.constant 0 : i32
    %dma_start3A_87 = arith.constant 0 : i32
    %dma_start3A_88 = tpu.memref_slice %arg8[%dma_start3A_84, %dma_start3A_86, %dma_start3A_87] : memref<5x128x48xf32, #tpu.memory_space<vmem>> -> memref<1x128x48xf32, #tpu.memory_space<vmem>>
    %dma_start3A_89 = tpu.memref_squeeze %dma_start3A_88 : memref<1x128x48xf32, #tpu.memory_space<vmem>> -> memref<128x48xf32, #tpu.memory_space<vmem>>
    %dma_start3A_90 = arith.constant 0 : i32
    %dma_start3A_91 = tpu.memref_slice %arg7[%dma_start3A_81, %dma_start3A_82, %dma_start3A_83, %dma_start3A_90] : memref<2x2x5x128xi32, #tpu.memory_space<vmem>> -> memref<1x1x1x128xi32, #tpu.memory_space<vmem>>
    %dma_start3A_92 = tpu.memref_squeeze %dma_start3A_91 : memref<1x1x1x128xi32, #tpu.memory_space<vmem>> -> memref<128xi32, #tpu.memory_space<vmem>>
    %dma_start3A_93 = arith.constant 0 : i32
    %dma_start3A_94 = arith.constant 0 : i32
    %dma_start3A_95 = tpu.memref_slice %arg9[%dma_start3A_93, %dma_start3A_94] : memref<10240x48xf32, #tpu.memory_space<vmem_shared>> -> memref<10240x48xf32, #tpu.memory_space<vmem_shared>>
    %dma_start3A_96 = tpu.memref_slice %arg11[%dma_start3A_85] : memref<5x!tpu.dma_semaphore, #tpu.memory_space<semaphore_mem>> -> memref<1x!tpu.dma_semaphore, #tpu.memory_space<semaphore_mem>>
    %dma_start3A_97 = tpu.memref_squeeze %dma_start3A_96 : memref<1x!tpu.dma_semaphore, #tpu.memory_space<semaphore_mem>> -> memref<!tpu.dma_semaphore, #tpu.memory_space<semaphore_mem>>
    tpu.enqueue_indirect_dma source(%dma_start3A_95 : memref<10240x48xf32, #tpu.memory_space<vmem_shared>>) target(%dma_start3A_89 : memref<128x48xf32, #tpu.memory_space<vmem>>) offsets(%dma_start3A_92 : memref<128xi32, #tpu.memory_space<vmem>>) semaphore(%dma_start3A_97 : memref<!tpu.dma_semaphore, #tpu.memory_space<semaphore_mem>>)
    %dma_start3A_98 = arith.constant 1 : i32
    %dma_start3A_99 = arith.constant 1 : i32
    %dma_start3A_100 = arith.constant 0 : i32
    %dma_start3A_101 = arith.constant 0 : i32
    %dma_start3A_102 = arith.constant 0 : i32
    %dma_start3A_103 = tpu.memref_slice %arg7[%dma_start3A_99, %dma_start3A_100, %dma_start3A_101, %dma_start3A_102] : memref<2x2x5x128xi32, #tpu.memory_space<vmem>> -> memref<1x1x5x128xi32, #tpu.memory_space<vmem>>
    %dma_start3A_104 = tpu.memref_squeeze %dma_start3A_103 : memref<1x1x5x128xi32, #tpu.memory_space<vmem>> -> memref<5x128xi32, #tpu.memory_space<vmem>>
    %dma_start3A_105 = arith.constant 0 : i32
    %dma_start3A_106 = arith.constant 0 : i32
    %dma_start3A_107 = arith.constant 0 : i32
    %dma_start3A_108 = tpu.memref_slice %arg3[%add3A, %dma_start3A_105, %dma_start3A_106, %dma_start3A_107] : memref<32x16x5x128xi32, #tpu.memory_space<hbm>> -> memref<1x16x5x128xi32, #tpu.memory_space<hbm>>
    %dma_start3A_109 = tpu.memref_squeeze %dma_start3A_108 : memref<1x16x5x128xi32, #tpu.memory_space<hbm>> -> memref<16x5x128xi32, #tpu.memory_space<hbm>>
    %dma_start3A_110 = arith.constant 0 : i32
    %dma_start3A_111 = arith.constant 0 : i32
    %dma_start3A_112 = tpu.memref_slice %dma_start3A_109[%dma_start3A_98, %dma_start3A_110, %dma_start3A_111] : memref<16x5x128xi32, #tpu.memory_space<hbm>> -> memref<1x5x128xi32, #tpu.memory_space<hbm>>
    %dma_start3A_113 = tpu.memref_squeeze %dma_start3A_112 : memref<1x5x128xi32, #tpu.memory_space<hbm>> -> memref<5x128xi32, #tpu.memory_space<hbm>>
    %dma_start3A_114 = arith.constant 0 : i32
    %dma_start3A_115 = arith.constant 0 : i32
    %dma_start3A_116 = tpu.memref_slice %arg7[%dma_start3A_99, %dma_start3A_100, %dma_start3A_114, %dma_start3A_115] : memref<2x2x5x128xi32, #tpu.memory_space<vmem>> -> memref<1x1x5x128xi32, #tpu.memory_space<vmem>>
    %dma_start3A_117 = tpu.memref_squeeze %dma_start3A_116 : memref<1x1x5x128xi32, #tpu.memory_space<vmem>> -> memref<5x128xi32, #tpu.memory_space<vmem>>
    %dma_start3A_118 = arith.constant 0 : i32
    %dma_start3A_119 = arith.constant 0 : i32
    %dma_start3A_120 = arith.constant 0 : i32
    %dma_start3A_121 = tpu.memref_slice %arg3[%add3A, %dma_start3A_118, %dma_start3A_119, %dma_start3A_120] : memref<32x16x5x128xi32, #tpu.memory_space<hbm>> -> memref<1x16x5x128xi32, #tpu.memory_space<hbm>>
    %dma_start3A_122 = tpu.memref_squeeze %dma_start3A_121 : memref<1x16x5x128xi32, #tpu.memory_space<hbm>> -> memref<16x5x128xi32, #tpu.memory_space<hbm>>
    %dma_start3A_123 = arith.constant 0 : i32
    %dma_start3A_124 = arith.constant 0 : i32
    %dma_start3A_125 = tpu.memref_slice %dma_start3A_122[%dma_start3A_98, %dma_start3A_123, %dma_start3A_124] : memref<16x5x128xi32, #tpu.memory_space<hbm>> -> memref<1x5x128xi32, #tpu.memory_space<hbm>>
    %dma_start3A_126 = tpu.memref_squeeze %dma_start3A_125 : memref<1x5x128xi32, #tpu.memory_space<hbm>> -> memref<5x128xi32, #tpu.memory_space<hbm>>
    tpu.enqueue_dma source(%dma_start3A_126 : memref<5x128xi32, #tpu.memory_space<hbm>>) target(%dma_start3A_117 : memref<5x128xi32, #tpu.memory_space<vmem>>) target_semaphore(%arg13 : memref<!tpu.dma_semaphore, #tpu.memory_space<semaphore_mem>>)
    %dma_start3A_127 = arith.constant 1 : i32
    %dma_start3A_128 = arith.constant 1 : i32
    %dma_start3A_129 = arith.constant 1 : i32
    %dma_start3A_130 = arith.constant 0 : i32
    %dma_start3A_131 = arith.constant 0 : i32
    %dma_start3A_132 = tpu.memref_slice %arg7[%dma_start3A_128, %dma_start3A_129, %dma_start3A_130, %dma_start3A_131] : memref<2x2x5x128xi32, #tpu.memory_space<vmem>> -> memref<1x1x5x128xi32, #tpu.memory_space<vmem>>
    %dma_start3A_133 = tpu.memref_squeeze %dma_start3A_132 : memref<1x1x5x128xi32, #tpu.memory_space<vmem>> -> memref<5x128xi32, #tpu.memory_space<vmem>>
    %dma_start3A_134 = arith.constant 0 : i32
    %dma_start3A_135 = arith.constant 0 : i32
    %dma_start3A_136 = arith.constant 0 : i32
    %dma_start3A_137 = tpu.memref_slice %arg4[%add3A, %dma_start3A_134, %dma_start3A_135, %dma_start3A_136] : memref<32x16x5x128xi32, #tpu.memory_space<hbm>> -> memref<1x16x5x128xi32, #tpu.memory_space<hbm>>
    %dma_start3A_138 = tpu.memref_squeeze %dma_start3A_137 : memref<1x16x5x128xi32, #tpu.memory_space<hbm>> -> memref<16x5x128xi32, #tpu.memory_space<hbm>>
    %dma_start3A_139 = arith.constant 0 : i32
    %dma_start3A_140 = arith.constant 0 : i32
    %dma_start3A_141 = tpu.memref_slice %dma_start3A_138[%dma_start3A_127, %dma_start3A_139, %dma_start3A_140] : memref<16x5x128xi32, #tpu.memory_space<hbm>> -> memref<1x5x128xi32, #tpu.memory_space<hbm>>
    %dma_start3A_142 = tpu.memref_squeeze %dma_start3A_141 : memref<1x5x128xi32, #tpu.memory_space<hbm>> -> memref<5x128xi32, #tpu.memory_space<hbm>>
    %dma_start3A_143 = arith.constant 0 : i32
    %dma_start3A_144 = arith.constant 0 : i32
    %dma_start3A_145 = tpu.memref_slice %arg7[%dma_start3A_128, %dma_start3A_129, %dma_start3A_143, %dma_start3A_144] : memref<2x2x5x128xi32, #tpu.memory_space<vmem>> -> memref<1x1x5x128xi32, #tpu.memory_space<vmem>>
    %dma_start3A_146 = tpu.memref_squeeze %dma_start3A_145 : memref<1x1x5x128xi32, #tpu.memory_space<vmem>> -> memref<5x128xi32, #tpu.memory_space<vmem>>
    %dma_start3A_147 = arith.constant 0 : i32
    %dma_start3A_148 = arith.constant 0 : i32
    %dma_start3A_149 = arith.constant 0 : i32
    %dma_start3A_150 = tpu.memref_slice %arg4[%add3A, %dma_start3A_147, %dma_start3A_148, %dma_start3A_149] : memref<32x16x5x128xi32, #tpu.memory_space<hbm>> -> memref<1x16x5x128xi32, #tpu.memory_space<hbm>>
    %dma_start3A_151 = tpu.memref_squeeze %dma_start3A_150 : memref<1x16x5x128xi32, #tpu.memory_space<hbm>> -> memref<16x5x128xi32, #tpu.memory_space<hbm>>
    %dma_start3A_152 = arith.constant 0 : i32
    %dma_start3A_153 = arith.constant 0 : i32
    %dma_start3A_154 = tpu.memref_slice %dma_start3A_151[%dma_start3A_127, %dma_start3A_152, %dma_start3A_153] : memref<16x5x128xi32, #tpu.memory_space<hbm>> -> memref<1x5x128xi32, #tpu.memory_space<hbm>>
    %dma_start3A_155 = tpu.memref_squeeze %dma_start3A_154 : memref<1x5x128xi32, #tpu.memory_space<hbm>> -> memref<5x128xi32, #tpu.memory_space<hbm>>
    tpu.enqueue_dma source(%dma_start3A_155 : memref<5x128xi32, #tpu.memory_space<hbm>>) target(%dma_start3A_146 : memref<5x128xi32, #tpu.memory_space<vmem>>) target_semaphore(%arg13 : memref<!tpu.dma_semaphore, #tpu.memory_space<semaphore_mem>>)
    %scan3A = arith.constant 0 : i32
    %scan3A_156 = arith.constant 0 : i32
    %scan3A_157 = arith.constant 16 : i32
    %scan3A_158 = arith.addi %scan3A_156, %scan3A_157 : i32
    %scan3A_159 = arith.constant 1 : i32
    scf.for %scan3A_162 = %scan3A_156 to %scan3A_158 step %scan3A_159  : i32 {
      %rem3A = arith.constant 2 : i32
      %rem3A_163 = arith.remsi %scan3A_162, %rem3A : i32
      %dma_wait3A = arith.constant 0 : i32
      %dma_wait3A_164 = arith.constant 0 : i32
      %dma_wait3A_165 = arith.constant 0 : i32
      %dma_wait3A_166 = arith.constant 0 : i32
      %dma_wait3A_167 = arith.constant 0 : i32
      %dma_wait3A_168 = arith.constant 0 : i32
      %dma_wait3A_169 = tpu.memref_slice %arg8[%dma_wait3A_165, %dma_wait3A_167, %dma_wait3A_168] : memref<5x128x48xf32, #tpu.memory_space<vmem>> -> memref<1x128x48xf32, #tpu.memory_space<vmem>>
      %dma_wait3A_170 = tpu.memref_squeeze %dma_wait3A_169 : memref<1x128x48xf32, #tpu.memory_space<vmem>> -> memref<128x48xf32, #tpu.memory_space<vmem>>
      %dma_wait3A_171 = arith.constant 0 : i32
      %dma_wait3A_172 = tpu.memref_slice %arg7[%rem3A_163, %dma_wait3A, %dma_wait3A_164, %dma_wait3A_171] : memref<2x2x5x128xi32, #tpu.memory_space<vmem>> -> memref<1x1x1x128xi32, #tpu.memory_space<vmem>>
      %dma_wait3A_173 = tpu.memref_squeeze %dma_wait3A_172 : memref<1x1x1x128xi32, #tpu.memory_space<vmem>> -> memref<128xi32, #tpu.memory_space<vmem>>
      %dma_wait3A_174 = arith.constant 0 : i32
      %dma_wait3A_175 = arith.constant 0 : i32
      %dma_wait3A_176 = tpu.memref_slice %arg9[%dma_wait3A_174, %dma_wait3A_175] : memref<10240x48xf32, #tpu.memory_space<vmem_shared>> -> memref<10240x48xf32, #tpu.memory_space<vmem_shared>>
      %dma_wait3A_177 = tpu.memref_slice %arg11[%dma_wait3A_166] : memref<5x!tpu.dma_semaphore, #tpu.memory_space<semaphore_mem>> -> memref<1x!tpu.dma_semaphore, #tpu.memory_space<semaphore_mem>>
      %dma_wait3A_178 = tpu.memref_squeeze %dma_wait3A_177 : memref<1x!tpu.dma_semaphore, #tpu.memory_space<semaphore_mem>> -> memref<!tpu.dma_semaphore, #tpu.memory_space<semaphore_mem>>
      tpu.wait_indirect_dma semaphore(%dma_wait3A_178 : memref<!tpu.dma_semaphore, #tpu.memory_space<semaphore_mem>>) src(%dma_wait3A_176 : memref<10240x48xf32, #tpu.memory_space<vmem_shared>>) dst(%dma_wait3A_170 : memref<128x48xf32, #tpu.memory_space<vmem>>)
      %dma_start3A_179 = arith.constant 0 : i32
      %dma_start3A_180 = arith.constant 1 : i32
      %dma_start3A_181 = arith.constant 0 : i32
      %dma_start3A_182 = arith.constant 0 : i32
      %dma_start3A_183 = arith.constant 0 : i32
      %dma_start3A_184 = arith.constant 0 : i32
      %dma_start3A_185 = tpu.memref_slice %arg8[%dma_start3A_179, %dma_start3A_183, %dma_start3A_184] : memref<5x128x48xf32, #tpu.memory_space<vmem>> -> memref<1x128x48xf32, #tpu.memory_space<vmem>>
      %dma_start3A_186 = tpu.memref_squeeze %dma_start3A_185 : memref<1x128x48xf32, #tpu.memory_space<vmem>> -> memref<128x48xf32, #tpu.memory_space<vmem>>
      %dma_start3A_187 = arith.constant 0 : i32
      %dma_start3A_188 = tpu.memref_slice %arg7[%rem3A_163, %dma_start3A_180, %dma_start3A_181, %dma_start3A_187] : memref<2x2x5x128xi32, #tpu.memory_space<vmem>> -> memref<1x1x1x128xi32, #tpu.memory_space<vmem>>
      %dma_start3A_189 = tpu.memref_squeeze %dma_start3A_188 : memref<1x1x1x128xi32, #tpu.memory_space<vmem>> -> memref<128xi32, #tpu.memory_space<vmem>>
      %dma_start3A_190 = arith.constant 0 : i32
      %dma_start3A_191 = arith.constant 0 : i32
      %dma_start3A_192 = tpu.memref_slice %arg10[%dma_start3A_190, %dma_start3A_191] : memref<10240x48xf32, #tpu.memory_space<vmem_shared>> -> memref<10240x48xf32, #tpu.memory_space<vmem_shared>>
      %dma_start3A_193 = tpu.memref_slice %arg12[%dma_start3A_182] : memref<5x!tpu.dma_semaphore, #tpu.memory_space<semaphore_mem>> -> memref<1x!tpu.dma_semaphore, #tpu.memory_space<semaphore_mem>>
      %dma_start3A_194 = tpu.memref_squeeze %dma_start3A_193 : memref<1x!tpu.dma_semaphore, #tpu.memory_space<semaphore_mem>> -> memref<!tpu.dma_semaphore, #tpu.memory_space<semaphore_mem>>
      tpu.enqueue_indirect_dma source(%dma_start3A_186 : memref<128x48xf32, #tpu.memory_space<vmem>>) target(%dma_start3A_192 : memref<10240x48xf32, #tpu.memory_space<vmem_shared>>) offsets(%dma_start3A_189 : memref<128xi32, #tpu.memory_space<vmem>>) semaphore(%dma_start3A_194 : memref<!tpu.dma_semaphore, #tpu.memory_space<semaphore_mem>>) {add = true}
      %dma_wait3A_195 = arith.constant 0 : i32
      %dma_wait3A_196 = arith.constant 1 : i32
      %dma_wait3A_197 = arith.constant 1 : i32
      %dma_wait3A_198 = arith.constant 1 : i32
      %dma_wait3A_199 = arith.constant 0 : i32
      %dma_wait3A_200 = arith.constant 0 : i32
      %dma_wait3A_201 = tpu.memref_slice %arg8[%dma_wait3A_197, %dma_wait3A_199, %dma_wait3A_200] : memref<5x128x48xf32, #tpu.memory_space<vmem>> -> memref<1x128x48xf32, #tpu.memory_space<vmem>>
      %dma_wait3A_202 = tpu.memref_squeeze %dma_wait3A_201 : memref<1x128x48xf32, #tpu.memory_space<vmem>> -> memref<128x48xf32, #tpu.memory_space<vmem>>
      %dma_wait3A_203 = arith.constant 0 : i32
      %dma_wait3A_204 = tpu.memref_slice %arg7[%rem3A_163, %dma_wait3A_195, %dma_wait3A_196, %dma_wait3A_203] : memref<2x2x5x128xi32, #tpu.memory_space<vmem>> -> memref<1x1x1x128xi32, #tpu.memory_space<vmem>>
      %dma_wait3A_205 = tpu.memref_squeeze %dma_wait3A_204 : memref<1x1x1x128xi32, #tpu.memory_space<vmem>> -> memref<128xi32, #tpu.memory_space<vmem>>
      %dma_wait3A_206 = arith.constant 0 : i32
      %dma_wait3A_207 = arith.constant 0 : i32
      %dma_wait3A_208 = tpu.memref_slice %arg9[%dma_wait3A_206, %dma_wait3A_207] : memref<10240x48xf32, #tpu.memory_space<vmem_shared>> -> memref<10240x48xf32, #tpu.memory_space<vmem_shared>>
      %dma_wait3A_209 = tpu.memref_slice %arg11[%dma_wait3A_198] : memref<5x!tpu.dma_semaphore, #tpu.memory_space<semaphore_mem>> -> memref<1x!tpu.dma_semaphore, #tpu.memory_space<semaphore_mem>>
      %dma_wait3A_210 = tpu.memref_squeeze %dma_wait3A_209 : memref<1x!tpu.dma_semaphore, #tpu.memory_space<semaphore_mem>> -> memref<!tpu.dma_semaphore, #tpu.memory_space<semaphore_mem>>
      tpu.wait_indirect_dma semaphore(%dma_wait3A_210 : memref<!tpu.dma_semaphore, #tpu.memory_space<semaphore_mem>>) src(%dma_wait3A_208 : memref<10240x48xf32, #tpu.memory_space<vmem_shared>>) dst(%dma_wait3A_202 : memref<128x48xf32, #tpu.memory_space<vmem>>)
      %dma_start3A_211 = arith.constant 1 : i32
      %dma_start3A_212 = arith.constant 1 : i32
      %dma_start3A_213 = arith.constant 1 : i32
      %dma_start3A_214 = arith.constant 1 : i32
      %dma_start3A_215 = arith.constant 0 : i32
      %dma_start3A_216 = arith.constant 0 : i32
      %dma_start3A_217 = tpu.memref_slice %arg8[%dma_start3A_211, %dma_start3A_215, %dma_start3A_216] : memref<5x128x48xf32, #tpu.memory_space<vmem>> -> memref<1x128x48xf32, #tpu.memory_space<vmem>>
      %dma_start3A_218 = tpu.memref_squeeze %dma_start3A_217 : memref<1x128x48xf32, #tpu.memory_space<vmem>> -> memref<128x48xf32, #tpu.memory_space<vmem>>
      %dma_start3A_219 = arith.constant 0 : i32
      %dma_start3A_220 = tpu.memref_slice %arg7[%rem3A_163, %dma_start3A_212, %dma_start3A_213, %dma_start3A_219] : memref<2x2x5x128xi32, #tpu.memory_space<vmem>> -> memref<1x1x1x128xi32, #tpu.memory_space<vmem>>
      %dma_start3A_221 = tpu.memref_squeeze %dma_start3A_220 : memref<1x1x1x128xi32, #tpu.memory_space<vmem>> -> memref<128xi32, #tpu.memory_space<vmem>>
      %dma_start3A_222 = arith.constant 0 : i32
      %dma_start3A_223 = arith.constant 0 : i32
      %dma_start3A_224 = tpu.memref_slice %arg10[%dma_start3A_222, %dma_start3A_223] : memref<10240x48xf32, #tpu.memory_space<vmem_shared>> -> memref<10240x48xf32, #tpu.memory_space<vmem_shared>>
      %dma_start3A_225 = tpu.memref_slice %arg12[%dma_start3A_214] : memref<5x!tpu.dma_semaphore, #tpu.memory_space<semaphore_mem>> -> memref<1x!tpu.dma_semaphore, #tpu.memory_space<semaphore_mem>>
      %dma_start3A_226 = tpu.memref_squeeze %dma_start3A_225 : memref<1x!tpu.dma_semaphore, #tpu.memory_space<semaphore_mem>> -> memref<!tpu.dma_semaphore, #tpu.memory_space<semaphore_mem>>
      tpu.enqueue_indirect_dma source(%dma_start3A_218 : memref<128x48xf32, #tpu.memory_space<vmem>>) target(%dma_start3A_224 : memref<10240x48xf32, #tpu.memory_space<vmem_shared>>) offsets(%dma_start3A_221 : memref<128xi32, #tpu.memory_space<vmem>>) semaphore(%dma_start3A_226 : memref<!tpu.dma_semaphore, #tpu.memory_space<semaphore_mem>>) {add = true}
      %dma_wait3A_227 = arith.constant 0 : i32
      %dma_wait3A_228 = arith.constant 2 : i32
      %dma_wait3A_229 = arith.constant 2 : i32
      %dma_wait3A_230 = arith.constant 2 : i32
      %dma_wait3A_231 = arith.constant 0 : i32
      %dma_wait3A_232 = arith.constant 0 : i32
      %dma_wait3A_233 = tpu.memref_slice %arg8[%dma_wait3A_229, %dma_wait3A_231, %dma_wait3A_232] : memref<5x128x48xf32, #tpu.memory_space<vmem>> -> memref<1x128x48xf32, #tpu.memory_space<vmem>>
      %dma_wait3A_234 = tpu.memref_squeeze %dma_wait3A_233 : memref<1x128x48xf32, #tpu.memory_space<vmem>> -> memref<128x48xf32, #tpu.memory_space<vmem>>
      %dma_wait3A_235 = arith.constant 0 : i32
      %dma_wait3A_236 = tpu.memref_slice %arg7[%rem3A_163, %dma_wait3A_227, %dma_wait3A_228, %dma_wait3A_235] : memref<2x2x5x128xi32, #tpu.memory_space<vmem>> -> memref<1x1x1x128xi32, #tpu.memory_space<vmem>>
      %dma_wait3A_237 = tpu.memref_squeeze %dma_wait3A_236 : memref<1x1x1x128xi32, #tpu.memory_space<vmem>> -> memref<128xi32, #tpu.memory_space<vmem>>
      %dma_wait3A_238 = arith.constant 0 : i32
      %dma_wait3A_239 = arith.constant 0 : i32
      %dma_wait3A_240 = tpu.memref_slice %arg9[%dma_wait3A_238, %dma_wait3A_239] : memref<10240x48xf32, #tpu.memory_space<vmem_shared>> -> memref<10240x48xf32, #tpu.memory_space<vmem_shared>>
      %dma_wait3A_241 = tpu.memref_slice %arg11[%dma_wait3A_230] : memref<5x!tpu.dma_semaphore, #tpu.memory_space<semaphore_mem>> -> memref<1x!tpu.dma_semaphore, #tpu.memory_space<semaphore_mem>>
      %dma_wait3A_242 = tpu.memref_squeeze %dma_wait3A_241 : memref<1x!tpu.dma_semaphore, #tpu.memory_space<semaphore_mem>> -> memref<!tpu.dma_semaphore, #tpu.memory_space<semaphore_mem>>
      tpu.wait_indirect_dma semaphore(%dma_wait3A_242 : memref<!tpu.dma_semaphore, #tpu.memory_space<semaphore_mem>>) src(%dma_wait3A_240 : memref<10240x48xf32, #tpu.memory_space<vmem_shared>>) dst(%dma_wait3A_234 : memref<128x48xf32, #tpu.memory_space<vmem>>)
      %dma_start3A_243 = arith.constant 2 : i32
      %dma_start3A_244 = arith.constant 1 : i32
      %dma_start3A_245 = arith.constant 2 : i32
      %dma_start3A_246 = arith.constant 2 : i32
      %dma_start3A_247 = arith.constant 0 : i32
      %dma_start3A_248 = arith.constant 0 : i32
      %dma_start3A_249 = tpu.memref_slice %arg8[%dma_start3A_243, %dma_start3A_247, %dma_start3A_248] : memref<5x128x48xf32, #tpu.memory_space<vmem>> -> memref<1x128x48xf32, #tpu.memory_space<vmem>>
      %dma_start3A_250 = tpu.memref_squeeze %dma_start3A_249 : memref<1x128x48xf32, #tpu.memory_space<vmem>> -> memref<128x48xf32, #tpu.memory_space<vmem>>
      %dma_start3A_251 = arith.constant 0 : i32
      %dma_start3A_252 = tpu.memref_slice %arg7[%rem3A_163, %dma_start3A_244, %dma_start3A_245, %dma_start3A_251] : memref<2x2x5x128xi32, #tpu.memory_space<vmem>> -> memref<1x1x1x128xi32, #tpu.memory_space<vmem>>
      %dma_start3A_253 = tpu.memref_squeeze %dma_start3A_252 : memref<1x1x1x128xi32, #tpu.memory_space<vmem>> -> memref<128xi32, #tpu.memory_space<vmem>>
      %dma_start3A_254 = arith.constant 0 : i32
      %dma_start3A_255 = arith.constant 0 : i32
      %dma_start3A_256 = tpu.memref_slice %arg10[%dma_start3A_254, %dma_start3A_255] : memref<10240x48xf32, #tpu.memory_space<vmem_shared>> -> memref<10240x48xf32, #tpu.memory_space<vmem_shared>>
      %dma_start3A_257 = tpu.memref_slice %arg12[%dma_start3A_246] : memref<5x!tpu.dma_semaphore, #tpu.memory_space<semaphore_mem>> -> memref<1x!tpu.dma_semaphore, #tpu.memory_space<semaphore_mem>>
      %dma_start3A_258 = tpu.memref_squeeze %dma_start3A_257 : memref<1x!tpu.dma_semaphore, #tpu.memory_space<semaphore_mem>> -> memref<!tpu.dma_semaphore, #tpu.memory_space<semaphore_mem>>
      tpu.enqueue_indirect_dma source(%dma_start3A_250 : memref<128x48xf32, #tpu.memory_space<vmem>>) target(%dma_start3A_256 : memref<10240x48xf32, #tpu.memory_space<vmem_shared>>) offsets(%dma_start3A_253 : memref<128xi32, #tpu.memory_space<vmem>>) semaphore(%dma_start3A_258 : memref<!tpu.dma_semaphore, #tpu.memory_space<semaphore_mem>>) {add = true}
      %dma_wait3A_259 = arith.constant 0 : i32
      %dma_wait3A_260 = arith.constant 3 : i32
      %dma_wait3A_261 = arith.constant 3 : i32
      %dma_wait3A_262 = arith.constant 3 : i32
      %dma_wait3A_263 = arith.constant 0 : i32
      %dma_wait3A_264 = arith.constant 0 : i32
      %dma_wait3A_265 = tpu.memref_slice %arg8[%dma_wait3A_261, %dma_wait3A_263, %dma_wait3A_264] : memref<5x128x48xf32, #tpu.memory_space<vmem>> -> memref<1x128x48xf32, #tpu.memory_space<vmem>>
      %dma_wait3A_266 = tpu.memref_squeeze %dma_wait3A_265 : memref<1x128x48xf32, #tpu.memory_space<vmem>> -> memref<128x48xf32, #tpu.memory_space<vmem>>
      %dma_wait3A_267 = arith.constant 0 : i32
      %dma_wait3A_268 = tpu.memref_slice %arg7[%rem3A_163, %dma_wait3A_259, %dma_wait3A_260, %dma_wait3A_267] : memref<2x2x5x128xi32, #tpu.memory_space<vmem>> -> memref<1x1x1x128xi32, #tpu.memory_space<vmem>>
      %dma_wait3A_269 = tpu.memref_squeeze %dma_wait3A_268 : memref<1x1x1x128xi32, #tpu.memory_space<vmem>> -> memref<128xi32, #tpu.memory_space<vmem>>
      %dma_wait3A_270 = arith.constant 0 : i32
      %dma_wait3A_271 = arith.constant 0 : i32
      %dma_wait3A_272 = tpu.memref_slice %arg9[%dma_wait3A_270, %dma_wait3A_271] : memref<10240x48xf32, #tpu.memory_space<vmem_shared>> -> memref<10240x48xf32, #tpu.memory_space<vmem_shared>>
      %dma_wait3A_273 = tpu.memref_slice %arg11[%dma_wait3A_262] : memref<5x!tpu.dma_semaphore, #tpu.memory_space<semaphore_mem>> -> memref<1x!tpu.dma_semaphore, #tpu.memory_space<semaphore_mem>>
      %dma_wait3A_274 = tpu.memref_squeeze %dma_wait3A_273 : memref<1x!tpu.dma_semaphore, #tpu.memory_space<semaphore_mem>> -> memref<!tpu.dma_semaphore, #tpu.memory_space<semaphore_mem>>
      tpu.wait_indirect_dma semaphore(%dma_wait3A_274 : memref<!tpu.dma_semaphore, #tpu.memory_space<semaphore_mem>>) src(%dma_wait3A_272 : memref<10240x48xf32, #tpu.memory_space<vmem_shared>>) dst(%dma_wait3A_266 : memref<128x48xf32, #tpu.memory_space<vmem>>)
      %dma_start3A_275 = arith.constant 3 : i32
      %dma_start3A_276 = arith.constant 1 : i32
      %dma_start3A_277 = arith.constant 3 : i32
      %dma_start3A_278 = arith.constant 3 : i32
      %dma_start3A_279 = arith.constant 0 : i32
      %dma_start3A_280 = arith.constant 0 : i32
      %dma_start3A_281 = tpu.memref_slice %arg8[%dma_start3A_275, %dma_start3A_279, %dma_start3A_280] : memref<5x128x48xf32, #tpu.memory_space<vmem>> -> memref<1x128x48xf32, #tpu.memory_space<vmem>>
      %dma_start3A_282 = tpu.memref_squeeze %dma_start3A_281 : memref<1x128x48xf32, #tpu.memory_space<vmem>> -> memref<128x48xf32, #tpu.memory_space<vmem>>
      %dma_start3A_283 = arith.constant 0 : i32
      %dma_start3A_284 = tpu.memref_slice %arg7[%rem3A_163, %dma_start3A_276, %dma_start3A_277, %dma_start3A_283] : memref<2x2x5x128xi32, #tpu.memory_space<vmem>> -> memref<1x1x1x128xi32, #tpu.memory_space<vmem>>
      %dma_start3A_285 = tpu.memref_squeeze %dma_start3A_284 : memref<1x1x1x128xi32, #tpu.memory_space<vmem>> -> memref<128xi32, #tpu.memory_space<vmem>>
      %dma_start3A_286 = arith.constant 0 : i32
      %dma_start3A_287 = arith.constant 0 : i32
      %dma_start3A_288 = tpu.memref_slice %arg10[%dma_start3A_286, %dma_start3A_287] : memref<10240x48xf32, #tpu.memory_space<vmem_shared>> -> memref<10240x48xf32, #tpu.memory_space<vmem_shared>>
      %dma_start3A_289 = tpu.memref_slice %arg12[%dma_start3A_278] : memref<5x!tpu.dma_semaphore, #tpu.memory_space<semaphore_mem>> -> memref<1x!tpu.dma_semaphore, #tpu.memory_space<semaphore_mem>>
      %dma_start3A_290 = tpu.memref_squeeze %dma_start3A_289 : memref<1x!tpu.dma_semaphore, #tpu.memory_space<semaphore_mem>> -> memref<!tpu.dma_semaphore, #tpu.memory_space<semaphore_mem>>
      tpu.enqueue_indirect_dma source(%dma_start3A_282 : memref<128x48xf32, #tpu.memory_space<vmem>>) target(%dma_start3A_288 : memref<10240x48xf32, #tpu.memory_space<vmem_shared>>) offsets(%dma_start3A_285 : memref<128xi32, #tpu.memory_space<vmem>>) semaphore(%dma_start3A_290 : memref<!tpu.dma_semaphore, #tpu.memory_space<semaphore_mem>>) {add = true}
      %dma_wait3A_291 = arith.constant 0 : i32
      %dma_wait3A_292 = arith.constant 4 : i32
      %dma_wait3A_293 = arith.constant 4 : i32
      %dma_wait3A_294 = arith.constant 4 : i32
      %dma_wait3A_295 = arith.constant 0 : i32
      %dma_wait3A_296 = arith.constant 0 : i32
      %dma_wait3A_297 = tpu.memref_slice %arg8[%dma_wait3A_293, %dma_wait3A_295, %dma_wait3A_296] : memref<5x128x48xf32, #tpu.memory_space<vmem>> -> memref<1x128x48xf32, #tpu.memory_space<vmem>>
      %dma_wait3A_298 = tpu.memref_squeeze %dma_wait3A_297 : memref<1x128x48xf32, #tpu.memory_space<vmem>> -> memref<128x48xf32, #tpu.memory_space<vmem>>
      %dma_wait3A_299 = arith.constant 0 : i32
      %dma_wait3A_300 = tpu.memref_slice %arg7[%rem3A_163, %dma_wait3A_291, %dma_wait3A_292, %dma_wait3A_299] : memref<2x2x5x128xi32, #tpu.memory_space<vmem>> -> memref<1x1x1x128xi32, #tpu.memory_space<vmem>>
      %dma_wait3A_301 = tpu.memref_squeeze %dma_wait3A_300 : memref<1x1x1x128xi32, #tpu.memory_space<vmem>> -> memref<128xi32, #tpu.memory_space<vmem>>
      %dma_wait3A_302 = arith.constant 0 : i32
      %dma_wait3A_303 = arith.constant 0 : i32
      %dma_wait3A_304 = tpu.memref_slice %arg9[%dma_wait3A_302, %dma_wait3A_303] : memref<10240x48xf32, #tpu.memory_space<vmem_shared>> -> memref<10240x48xf32, #tpu.memory_space<vmem_shared>>
      %dma_wait3A_305 = tpu.memref_slice %arg11[%dma_wait3A_294] : memref<5x!tpu.dma_semaphore, #tpu.memory_space<semaphore_mem>> -> memref<1x!tpu.dma_semaphore, #tpu.memory_space<semaphore_mem>>
      %dma_wait3A_306 = tpu.memref_squeeze %dma_wait3A_305 : memref<1x!tpu.dma_semaphore, #tpu.memory_space<semaphore_mem>> -> memref<!tpu.dma_semaphore, #tpu.memory_space<semaphore_mem>>
      tpu.wait_indirect_dma semaphore(%dma_wait3A_306 : memref<!tpu.dma_semaphore, #tpu.memory_space<semaphore_mem>>) src(%dma_wait3A_304 : memref<10240x48xf32, #tpu.memory_space<vmem_shared>>) dst(%dma_wait3A_298 : memref<128x48xf32, #tpu.memory_space<vmem>>)
      %dma_start3A_307 = arith.constant 4 : i32
      %dma_start3A_308 = arith.constant 1 : i32
      %dma_start3A_309 = arith.constant 4 : i32
      %dma_start3A_310 = arith.constant 4 : i32
      %dma_start3A_311 = arith.constant 0 : i32
      %dma_start3A_312 = arith.constant 0 : i32
      %dma_start3A_313 = tpu.memref_slice %arg8[%dma_start3A_307, %dma_start3A_311, %dma_start3A_312] : memref<5x128x48xf32, #tpu.memory_space<vmem>> -> memref<1x128x48xf32, #tpu.memory_space<vmem>>
      %dma_start3A_314 = tpu.memref_squeeze %dma_start3A_313 : memref<1x128x48xf32, #tpu.memory_space<vmem>> -> memref<128x48xf32, #tpu.memory_space<vmem>>
      %dma_start3A_315 = arith.constant 0 : i32
      %dma_start3A_316 = tpu.memref_slice %arg7[%rem3A_163, %dma_start3A_308, %dma_start3A_309, %dma_start3A_315] : memref<2x2x5x128xi32, #tpu.memory_space<vmem>> -> memref<1x1x1x128xi32, #tpu.memory_space<vmem>>
      %dma_start3A_317 = tpu.memref_squeeze %dma_start3A_316 : memref<1x1x1x128xi32, #tpu.memory_space<vmem>> -> memref<128xi32, #tpu.memory_space<vmem>>
      %dma_start3A_318 = arith.constant 0 : i32
      %dma_start3A_319 = arith.constant 0 : i32
      %dma_start3A_320 = tpu.memref_slice %arg10[%dma_start3A_318, %dma_start3A_319] : memref<10240x48xf32, #tpu.memory_space<vmem_shared>> -> memref<10240x48xf32, #tpu.memory_space<vmem_shared>>
      %dma_start3A_321 = tpu.memref_slice %arg12[%dma_start3A_310] : memref<5x!tpu.dma_semaphore, #tpu.memory_space<semaphore_mem>> -> memref<1x!tpu.dma_semaphore, #tpu.memory_space<semaphore_mem>>
      %dma_start3A_322 = tpu.memref_squeeze %dma_start3A_321 : memref<1x!tpu.dma_semaphore, #tpu.memory_space<semaphore_mem>> -> memref<!tpu.dma_semaphore, #tpu.memory_space<semaphore_mem>>
      tpu.enqueue_indirect_dma source(%dma_start3A_314 : memref<128x48xf32, #tpu.memory_space<vmem>>) target(%dma_start3A_320 : memref<10240x48xf32, #tpu.memory_space<vmem_shared>>) offsets(%dma_start3A_317 : memref<128xi32, #tpu.memory_space<vmem>>) semaphore(%dma_start3A_322 : memref<!tpu.dma_semaphore, #tpu.memory_space<semaphore_mem>>) {add = true}
      %lt3A = arith.constant 15 : i32
      %lt3A_323 = arith.cmpi slt, %scan3A_162, %lt3A : i32
      %convert_element_type3A_324 = arith.extui %lt3A_323 : i1 to i32
      %cond3A_325 = arith.constant 0 : i32
      %cond3A_326 = arith.cmpi ne, %convert_element_type3A_324, %cond3A_325 : i32
      scf.if %cond3A_326 {
        %add3A_437 = arith.constant 1 : i32
        %add3A_438 = arith.addi %scan3A_162, %add3A_437 : i32
        %sub3A = arith.constant 1 : i32
        %sub3A_439 = arith.subi %sub3A, %rem3A_163 : i32
        %dma_wait3A_440 = arith.constant 0 : i32
        %dma_wait3A_441 = arith.constant 0 : i32
        %dma_wait3A_442 = arith.constant 0 : i32
        %dma_wait3A_443 = tpu.memref_slice %arg7[%sub3A_439, %dma_wait3A_440, %dma_wait3A_441, %dma_wait3A_442] : memref<2x2x5x128xi32, #tpu.memory_space<vmem>> -> memref<1x1x5x128xi32, #tpu.memory_space<vmem>>
        %dma_wait3A_444 = tpu.memref_squeeze %dma_wait3A_443 : memref<1x1x5x128xi32, #tpu.memory_space<vmem>> -> memref<5x128xi32, #tpu.memory_space<vmem>>
        %dma_wait3A_445 = arith.constant 0 : i32
        %dma_wait3A_446 = arith.constant 0 : i32
        %dma_wait3A_447 = arith.constant 0 : i32
        %dma_wait3A_448 = tpu.memref_slice %arg3[%add3A, %dma_wait3A_445, %dma_wait3A_446, %dma_wait3A_447] : memref<32x16x5x128xi32, #tpu.memory_space<hbm>> -> memref<1x16x5x128xi32, #tpu.memory_space<hbm>>
        %dma_wait3A_449 = tpu.memref_squeeze %dma_wait3A_448 : memref<1x16x5x128xi32, #tpu.memory_space<hbm>> -> memref<16x5x128xi32, #tpu.memory_space<hbm>>
        %dma_wait3A_450 = arith.constant 0 : i32
        %dma_wait3A_451 = arith.constant 0 : i32
        %dma_wait3A_452 = tpu.memref_slice %dma_wait3A_449[%add3A_438, %dma_wait3A_450, %dma_wait3A_451] : memref<16x5x128xi32, #tpu.memory_space<hbm>> -> memref<1x5x128xi32, #tpu.memory_space<hbm>>
        %dma_wait3A_453 = tpu.memref_squeeze %dma_wait3A_452 : memref<1x5x128xi32, #tpu.memory_space<hbm>> -> memref<5x128xi32, #tpu.memory_space<hbm>>
        %dma_wait3A_454 = arith.constant 0 : i32
        %dma_wait3A_455 = arith.constant 0 : i32
        %dma_wait3A_456 = tpu.memref_slice %arg7[%sub3A_439, %dma_wait3A_440, %dma_wait3A_454, %dma_wait3A_455] : memref<2x2x5x128xi32, #tpu.memory_space<vmem>> -> memref<1x1x5x128xi32, #tpu.memory_space<vmem>>
        %dma_wait3A_457 = tpu.memref_squeeze %dma_wait3A_456 : memref<1x1x5x128xi32, #tpu.memory_space<vmem>> -> memref<5x128xi32, #tpu.memory_space<vmem>>
        %dma_wait3A_458 = arith.constant 0 : i32
        %dma_wait3A_459 = arith.constant 0 : i32
        %dma_wait3A_460 = arith.constant 0 : i32
        %dma_wait3A_461 = tpu.memref_slice %arg3[%add3A, %dma_wait3A_458, %dma_wait3A_459, %dma_wait3A_460] : memref<32x16x5x128xi32, #tpu.memory_space<hbm>> -> memref<1x16x5x128xi32, #tpu.memory_space<hbm>>
        %dma_wait3A_462 = tpu.memref_squeeze %dma_wait3A_461 : memref<1x16x5x128xi32, #tpu.memory_space<hbm>> -> memref<16x5x128xi32, #tpu.memory_space<hbm>>
        %dma_wait3A_463 = arith.constant 0 : i32
        %dma_wait3A_464 = arith.constant 0 : i32
        %dma_wait3A_465 = tpu.memref_slice %dma_wait3A_462[%add3A_438, %dma_wait3A_463, %dma_wait3A_464] : memref<16x5x128xi32, #tpu.memory_space<hbm>> -> memref<1x5x128xi32, #tpu.memory_space<hbm>>
        %dma_wait3A_466 = tpu.memref_squeeze %dma_wait3A_465 : memref<1x5x128xi32, #tpu.memory_space<hbm>> -> memref<5x128xi32, #tpu.memory_space<hbm>>
        tpu.wait_dma2 semaphore(%arg13 : memref<!tpu.dma_semaphore, #tpu.memory_space<semaphore_mem>>) src(%dma_wait3A_466 : memref<5x128xi32, #tpu.memory_space<hbm>>) dst(%dma_wait3A_457 : memref<5x128xi32, #tpu.memory_space<vmem>>)
        %add3A_467 = arith.constant 1 : i32
        %add3A_468 = arith.addi %scan3A_162, %add3A_467 : i32
        %sub3A_469 = arith.constant 1 : i32
        %sub3A_470 = arith.subi %sub3A_469, %rem3A_163 : i32
        %dma_wait3A_471 = arith.constant 1 : i32
        %dma_wait3A_472 = arith.constant 0 : i32
        %dma_wait3A_473 = arith.constant 0 : i32
        %dma_wait3A_474 = tpu.memref_slice %arg7[%sub3A_470, %dma_wait3A_471, %dma_wait3A_472, %dma_wait3A_473] : memref<2x2x5x128xi32, #tpu.memory_space<vmem>> -> memref<1x1x5x128xi32, #tpu.memory_space<vmem>>
        %dma_wait3A_475 = tpu.memref_squeeze %dma_wait3A_474 : memref<1x1x5x128xi32, #tpu.memory_space<vmem>> -> memref<5x128xi32, #tpu.memory_space<vmem>>
        %dma_wait3A_476 = arith.constant 0 : i32
        %dma_wait3A_477 = arith.constant 0 : i32
        %dma_wait3A_478 = arith.constant 0 : i32
        %dma_wait3A_479 = tpu.memref_slice %arg4[%add3A, %dma_wait3A_476, %dma_wait3A_477, %dma_wait3A_478] : memref<32x16x5x128xi32, #tpu.memory_space<hbm>> -> memref<1x16x5x128xi32, #tpu.memory_space<hbm>>
        %dma_wait3A_480 = tpu.memref_squeeze %dma_wait3A_479 : memref<1x16x5x128xi32, #tpu.memory_space<hbm>> -> memref<16x5x128xi32, #tpu.memory_space<hbm>>
        %dma_wait3A_481 = arith.constant 0 : i32
        %dma_wait3A_482 = arith.constant 0 : i32
        %dma_wait3A_483 = tpu.memref_slice %dma_wait3A_480[%add3A_468, %dma_wait3A_481, %dma_wait3A_482] : memref<16x5x128xi32, #tpu.memory_space<hbm>> -> memref<1x5x128xi32, #tpu.memory_space<hbm>>
        %dma_wait3A_484 = tpu.memref_squeeze %dma_wait3A_483 : memref<1x5x128xi32, #tpu.memory_space<hbm>> -> memref<5x128xi32, #tpu.memory_space<hbm>>
        %dma_wait3A_485 = arith.constant 0 : i32
        %dma_wait3A_486 = arith.constant 0 : i32
        %dma_wait3A_487 = tpu.memref_slice %arg7[%sub3A_470, %dma_wait3A_471, %dma_wait3A_485, %dma_wait3A_486] : memref<2x2x5x128xi32, #tpu.memory_space<vmem>> -> memref<1x1x5x128xi32, #tpu.memory_space<vmem>>
        %dma_wait3A_488 = tpu.memref_squeeze %dma_wait3A_487 : memref<1x1x5x128xi32, #tpu.memory_space<vmem>> -> memref<5x128xi32, #tpu.memory_space<vmem>>
        %dma_wait3A_489 = arith.constant 0 : i32
        %dma_wait3A_490 = arith.constant 0 : i32
        %dma_wait3A_491 = arith.constant 0 : i32
        %dma_wait3A_492 = tpu.memref_slice %arg4[%add3A, %dma_wait3A_489, %dma_wait3A_490, %dma_wait3A_491] : memref<32x16x5x128xi32, #tpu.memory_space<hbm>> -> memref<1x16x5x128xi32, #tpu.memory_space<hbm>>
        %dma_wait3A_493 = tpu.memref_squeeze %dma_wait3A_492 : memref<1x16x5x128xi32, #tpu.memory_space<hbm>> -> memref<16x5x128xi32, #tpu.memory_space<hbm>>
        %dma_wait3A_494 = arith.constant 0 : i32
        %dma_wait3A_495 = arith.constant 0 : i32
        %dma_wait3A_496 = tpu.memref_slice %dma_wait3A_493[%add3A_468, %dma_wait3A_494, %dma_wait3A_495] : memref<16x5x128xi32, #tpu.memory_space<hbm>> -> memref<1x5x128xi32, #tpu.memory_space<hbm>>
        %dma_wait3A_497 = tpu.memref_squeeze %dma_wait3A_496 : memref<1x5x128xi32, #tpu.memory_space<hbm>> -> memref<5x128xi32, #tpu.memory_space<hbm>>
        tpu.wait_dma2 semaphore(%arg13 : memref<!tpu.dma_semaphore, #tpu.memory_space<semaphore_mem>>) src(%dma_wait3A_497 : memref<5x128xi32, #tpu.memory_space<hbm>>) dst(%dma_wait3A_488 : memref<5x128xi32, #tpu.memory_space<vmem>>)
      } else {
      }
      %dma_wait3A_327 = arith.constant 0 : i32
      %dma_wait3A_328 = arith.constant 1 : i32
      %dma_wait3A_329 = arith.constant 0 : i32
      %dma_wait3A_330 = arith.constant 0 : i32
      %dma_wait3A_331 = arith.constant 0 : i32
      %dma_wait3A_332 = arith.constant 0 : i32
      %dma_wait3A_333 = tpu.memref_slice %arg8[%dma_wait3A_327, %dma_wait3A_331, %dma_wait3A_332] : memref<5x128x48xf32, #tpu.memory_space<vmem>> -> memref<1x128x48xf32, #tpu.memory_space<vmem>>
      %dma_wait3A_334 = tpu.memref_squeeze %dma_wait3A_333 : memref<1x128x48xf32, #tpu.memory_space<vmem>> -> memref<128x48xf32, #tpu.memory_space<vmem>>
      %dma_wait3A_335 = arith.constant 0 : i32
      %dma_wait3A_336 = tpu.memref_slice %arg7[%rem3A_163, %dma_wait3A_328, %dma_wait3A_329, %dma_wait3A_335] : memref<2x2x5x128xi32, #tpu.memory_space<vmem>> -> memref<1x1x1x128xi32, #tpu.memory_space<vmem>>
      %dma_wait3A_337 = tpu.memref_squeeze %dma_wait3A_336 : memref<1x1x1x128xi32, #tpu.memory_space<vmem>> -> memref<128xi32, #tpu.memory_space<vmem>>
      %dma_wait3A_338 = arith.constant 0 : i32
      %dma_wait3A_339 = arith.constant 0 : i32
      %dma_wait3A_340 = tpu.memref_slice %arg10[%dma_wait3A_338, %dma_wait3A_339] : memref<10240x48xf32, #tpu.memory_space<vmem_shared>> -> memref<10240x48xf32, #tpu.memory_space<vmem_shared>>
      %dma_wait3A_341 = tpu.memref_slice %arg12[%dma_wait3A_330] : memref<5x!tpu.dma_semaphore, #tpu.memory_space<semaphore_mem>> -> memref<1x!tpu.dma_semaphore, #tpu.memory_space<semaphore_mem>>
      %dma_wait3A_342 = tpu.memref_squeeze %dma_wait3A_341 : memref<1x!tpu.dma_semaphore, #tpu.memory_space<semaphore_mem>> -> memref<!tpu.dma_semaphore, #tpu.memory_space<semaphore_mem>>
      tpu.wait_indirect_dma semaphore(%dma_wait3A_342 : memref<!tpu.dma_semaphore, #tpu.memory_space<semaphore_mem>>) src(%dma_wait3A_334 : memref<128x48xf32, #tpu.memory_space<vmem>>) dst(%dma_wait3A_340 : memref<10240x48xf32, #tpu.memory_space<vmem_shared>>)
      %lt3A_343 = arith.constant 15 : i32
      %lt3A_344 = arith.cmpi slt, %scan3A_162, %lt3A_343 : i32
      %convert_element_type3A_345 = arith.extui %lt3A_344 : i1 to i32
      %cond3A_346 = arith.constant 0 : i32
      %cond3A_347 = arith.cmpi ne, %convert_element_type3A_345, %cond3A_346 : i32
      scf.if %cond3A_347 {
        %sub3A = arith.constant 1 : i32
        %sub3A_437 = arith.subi %sub3A, %rem3A_163 : i32
        %dma_start3A_438 = arith.constant 0 : i32
        %dma_start3A_439 = arith.constant 0 : i32
        %dma_start3A_440 = arith.constant 0 : i32
        %dma_start3A_441 = arith.constant 0 : i32
        %dma_start3A_442 = arith.constant 0 : i32
        %dma_start3A_443 = arith.constant 0 : i32
        %dma_start3A_444 = tpu.memref_slice %arg8[%dma_start3A_440, %dma_start3A_442, %dma_start3A_443] : memref<5x128x48xf32, #tpu.memory_space<vmem>> -> memref<1x128x48xf32, #tpu.memory_space<vmem>>
        %dma_start3A_445 = tpu.memref_squeeze %dma_start3A_444 : memref<1x128x48xf32, #tpu.memory_space<vmem>> -> memref<128x48xf32, #tpu.memory_space<vmem>>
        %dma_start3A_446 = arith.constant 0 : i32
        %dma_start3A_447 = tpu.memref_slice %arg7[%sub3A_437, %dma_start3A_438, %dma_start3A_439, %dma_start3A_446] : memref<2x2x5x128xi32, #tpu.memory_space<vmem>> -> memref<1x1x1x128xi32, #tpu.memory_space<vmem>>
        %dma_start3A_448 = tpu.memref_squeeze %dma_start3A_447 : memref<1x1x1x128xi32, #tpu.memory_space<vmem>> -> memref<128xi32, #tpu.memory_space<vmem>>
        %dma_start3A_449 = arith.constant 0 : i32
        %dma_start3A_450 = arith.constant 0 : i32
        %dma_start3A_451 = tpu.memref_slice %arg9[%dma_start3A_449, %dma_start3A_450] : memref<10240x48xf32, #tpu.memory_space<vmem_shared>> -> memref<10240x48xf32, #tpu.memory_space<vmem_shared>>
        %dma_start3A_452 = tpu.memref_slice %arg11[%dma_start3A_441] : memref<5x!tpu.dma_semaphore, #tpu.memory_space<semaphore_mem>> -> memref<1x!tpu.dma_semaphore, #tpu.memory_space<semaphore_mem>>
        %dma_start3A_453 = tpu.memref_squeeze %dma_start3A_452 : memref<1x!tpu.dma_semaphore, #tpu.memory_space<semaphore_mem>> -> memref<!tpu.dma_semaphore, #tpu.memory_space<semaphore_mem>>
        tpu.enqueue_indirect_dma source(%dma_start3A_451 : memref<10240x48xf32, #tpu.memory_space<vmem_shared>>) target(%dma_start3A_445 : memref<128x48xf32, #tpu.memory_space<vmem>>) offsets(%dma_start3A_448 : memref<128xi32, #tpu.memory_space<vmem>>) semaphore(%dma_start3A_453 : memref<!tpu.dma_semaphore, #tpu.memory_space<semaphore_mem>>)
      } else {
      }
      %dma_wait3A_348 = arith.constant 1 : i32
      %dma_wait3A_349 = arith.constant 1 : i32
      %dma_wait3A_350 = arith.constant 1 : i32
      %dma_wait3A_351 = arith.constant 1 : i32
      %dma_wait3A_352 = arith.constant 0 : i32
      %dma_wait3A_353 = arith.constant 0 : i32
      %dma_wait3A_354 = tpu.memref_slice %arg8[%dma_wait3A_348, %dma_wait3A_352, %dma_wait3A_353] : memref<5x128x48xf32, #tpu.memory_space<vmem>> -> memref<1x128x48xf32, #tpu.memory_space<vmem>>
      %dma_wait3A_355 = tpu.memref_squeeze %dma_wait3A_354 : memref<1x128x48xf32, #tpu.memory_space<vmem>> -> memref<128x48xf32, #tpu.memory_space<vmem>>
      %dma_wait3A_356 = arith.constant 0 : i32
      %dma_wait3A_357 = tpu.memref_slice %arg7[%rem3A_163, %dma_wait3A_349, %dma_wait3A_350, %dma_wait3A_356] : memref<2x2x5x128xi32, #tpu.memory_space<vmem>> -> memref<1x1x1x128xi32, #tpu.memory_space<vmem>>
      %dma_wait3A_358 = tpu.memref_squeeze %dma_wait3A_357 : memref<1x1x1x128xi32, #tpu.memory_space<vmem>> -> memref<128xi32, #tpu.memory_space<vmem>>
      %dma_wait3A_359 = arith.constant 0 : i32
      %dma_wait3A_360 = arith.constant 0 : i32
      %dma_wait3A_361 = tpu.memref_slice %arg10[%dma_wait3A_359, %dma_wait3A_360] : memref<10240x48xf32, #tpu.memory_space<vmem_shared>> -> memref<10240x48xf32, #tpu.memory_space<vmem_shared>>
      %dma_wait3A_362 = tpu.memref_slice %arg12[%dma_wait3A_351] : memref<5x!tpu.dma_semaphore, #tpu.memory_space<semaphore_mem>> -> memref<1x!tpu.dma_semaphore, #tpu.memory_space<semaphore_mem>>
      %dma_wait3A_363 = tpu.memref_squeeze %dma_wait3A_362 : memref<1x!tpu.dma_semaphore, #tpu.memory_space<semaphore_mem>> -> memref<!tpu.dma_semaphore, #tpu.memory_space<semaphore_mem>>
      tpu.wait_indirect_dma semaphore(%dma_wait3A_363 : memref<!tpu.dma_semaphore, #tpu.memory_space<semaphore_mem>>) src(%dma_wait3A_355 : memref<128x48xf32, #tpu.memory_space<vmem>>) dst(%dma_wait3A_361 : memref<10240x48xf32, #tpu.memory_space<vmem_shared>>)
      %lt3A_364 = arith.constant 15 : i32
      %lt3A_365 = arith.cmpi slt, %scan3A_162, %lt3A_364 : i32
      %convert_element_type3A_366 = arith.extui %lt3A_365 : i1 to i32
      %cond3A_367 = arith.constant 0 : i32
      %cond3A_368 = arith.cmpi ne, %convert_element_type3A_366, %cond3A_367 : i32
      scf.if %cond3A_368 {
        %sub3A = arith.constant 1 : i32
        %sub3A_437 = arith.subi %sub3A, %rem3A_163 : i32
        %dma_start3A_438 = arith.constant 0 : i32
        %dma_start3A_439 = arith.constant 1 : i32
        %dma_start3A_440 = arith.constant 1 : i32
        %dma_start3A_441 = arith.constant 1 : i32
        %dma_start3A_442 = arith.constant 0 : i32
        %dma_start3A_443 = arith.constant 0 : i32
        %dma_start3A_444 = tpu.memref_slice %arg8[%dma_start3A_440, %dma_start3A_442, %dma_start3A_443] : memref<5x128x48xf32, #tpu.memory_space<vmem>> -> memref<1x128x48xf32, #tpu.memory_space<vmem>>
        %dma_start3A_445 = tpu.memref_squeeze %dma_start3A_444 : memref<1x128x48xf32, #tpu.memory_space<vmem>> -> memref<128x48xf32, #tpu.memory_space<vmem>>
        %dma_start3A_446 = arith.constant 0 : i32
        %dma_start3A_447 = tpu.memref_slice %arg7[%sub3A_437, %dma_start3A_438, %dma_start3A_439, %dma_start3A_446] : memref<2x2x5x128xi32, #tpu.memory_space<vmem>> -> memref<1x1x1x128xi32, #tpu.memory_space<vmem>>
        %dma_start3A_448 = tpu.memref_squeeze %dma_start3A_447 : memref<1x1x1x128xi32, #tpu.memory_space<vmem>> -> memref<128xi32, #tpu.memory_space<vmem>>
        %dma_start3A_449 = arith.constant 0 : i32
        %dma_start3A_450 = arith.constant 0 : i32
        %dma_start3A_451 = tpu.memref_slice %arg9[%dma_start3A_449, %dma_start3A_450] : memref<10240x48xf32, #tpu.memory_space<vmem_shared>> -> memref<10240x48xf32, #tpu.memory_space<vmem_shared>>
        %dma_start3A_452 = tpu.memref_slice %arg11[%dma_start3A_441] : memref<5x!tpu.dma_semaphore, #tpu.memory_space<semaphore_mem>> -> memref<1x!tpu.dma_semaphore, #tpu.memory_space<semaphore_mem>>
        %dma_start3A_453 = tpu.memref_squeeze %dma_start3A_452 : memref<1x!tpu.dma_semaphore, #tpu.memory_space<semaphore_mem>> -> memref<!tpu.dma_semaphore, #tpu.memory_space<semaphore_mem>>
        tpu.enqueue_indirect_dma source(%dma_start3A_451 : memref<10240x48xf32, #tpu.memory_space<vmem_shared>>) target(%dma_start3A_445 : memref<128x48xf32, #tpu.memory_space<vmem>>) offsets(%dma_start3A_448 : memref<128xi32, #tpu.memory_space<vmem>>) semaphore(%dma_start3A_453 : memref<!tpu.dma_semaphore, #tpu.memory_space<semaphore_mem>>)
      } else {
      }
      %dma_wait3A_369 = arith.constant 2 : i32
      %dma_wait3A_370 = arith.constant 1 : i32
      %dma_wait3A_371 = arith.constant 2 : i32
      %dma_wait3A_372 = arith.constant 2 : i32
      %dma_wait3A_373 = arith.constant 0 : i32
      %dma_wait3A_374 = arith.constant 0 : i32
      %dma_wait3A_375 = tpu.memref_slice %arg8[%dma_wait3A_369, %dma_wait3A_373, %dma_wait3A_374] : memref<5x128x48xf32, #tpu.memory_space<vmem>> -> memref<1x128x48xf32, #tpu.memory_space<vmem>>
      %dma_wait3A_376 = tpu.memref_squeeze %dma_wait3A_375 : memref<1x128x48xf32, #tpu.memory_space<vmem>> -> memref<128x48xf32, #tpu.memory_space<vmem>>
      %dma_wait3A_377 = arith.constant 0 : i32
      %dma_wait3A_378 = tpu.memref_slice %arg7[%rem3A_163, %dma_wait3A_370, %dma_wait3A_371, %dma_wait3A_377] : memref<2x2x5x128xi32, #tpu.memory_space<vmem>> -> memref<1x1x1x128xi32, #tpu.memory_space<vmem>>
      %dma_wait3A_379 = tpu.memref_squeeze %dma_wait3A_378 : memref<1x1x1x128xi32, #tpu.memory_space<vmem>> -> memref<128xi32, #tpu.memory_space<vmem>>
      %dma_wait3A_380 = arith.constant 0 : i32
      %dma_wait3A_381 = arith.constant 0 : i32
      %dma_wait3A_382 = tpu.memref_slice %arg10[%dma_wait3A_380, %dma_wait3A_381] : memref<10240x48xf32, #tpu.memory_space<vmem_shared>> -> memref<10240x48xf32, #tpu.memory_space<vmem_shared>>
      %dma_wait3A_383 = tpu.memref_slice %arg12[%dma_wait3A_372] : memref<5x!tpu.dma_semaphore, #tpu.memory_space<semaphore_mem>> -> memref<1x!tpu.dma_semaphore, #tpu.memory_space<semaphore_mem>>
      %dma_wait3A_384 = tpu.memref_squeeze %dma_wait3A_383 : memref<1x!tpu.dma_semaphore, #tpu.memory_space<semaphore_mem>> -> memref<!tpu.dma_semaphore, #tpu.memory_space<semaphore_mem>>
      tpu.wait_indirect_dma semaphore(%dma_wait3A_384 : memref<!tpu.dma_semaphore, #tpu.memory_space<semaphore_mem>>) src(%dma_wait3A_376 : memref<128x48xf32, #tpu.memory_space<vmem>>) dst(%dma_wait3A_382 : memref<10240x48xf32, #tpu.memory_space<vmem_shared>>)
      %lt3A_385 = arith.constant 15 : i32
      %lt3A_386 = arith.cmpi slt, %scan3A_162, %lt3A_385 : i32
      %convert_element_type3A_387 = arith.extui %lt3A_386 : i1 to i32
      %cond3A_388 = arith.constant 0 : i32
      %cond3A_389 = arith.cmpi ne, %convert_element_type3A_387, %cond3A_388 : i32
      scf.if %cond3A_389 {
        %sub3A = arith.constant 1 : i32
        %sub3A_437 = arith.subi %sub3A, %rem3A_163 : i32
        %dma_start3A_438 = arith.constant 0 : i32
        %dma_start3A_439 = arith.constant 2 : i32
        %dma_start3A_440 = arith.constant 2 : i32
        %dma_start3A_441 = arith.constant 2 : i32
        %dma_start3A_442 = arith.constant 0 : i32
        %dma_start3A_443 = arith.constant 0 : i32
        %dma_start3A_444 = tpu.memref_slice %arg8[%dma_start3A_440, %dma_start3A_442, %dma_start3A_443] : memref<5x128x48xf32, #tpu.memory_space<vmem>> -> memref<1x128x48xf32, #tpu.memory_space<vmem>>
        %dma_start3A_445 = tpu.memref_squeeze %dma_start3A_444 : memref<1x128x48xf32, #tpu.memory_space<vmem>> -> memref<128x48xf32, #tpu.memory_space<vmem>>
        %dma_start3A_446 = arith.constant 0 : i32
        %dma_start3A_447 = tpu.memref_slice %arg7[%sub3A_437, %dma_start3A_438, %dma_start3A_439, %dma_start3A_446] : memref<2x2x5x128xi32, #tpu.memory_space<vmem>> -> memref<1x1x1x128xi32, #tpu.memory_space<vmem>>
        %dma_start3A_448 = tpu.memref_squeeze %dma_start3A_447 : memref<1x1x1x128xi32, #tpu.memory_space<vmem>> -> memref<128xi32, #tpu.memory_space<vmem>>
        %dma_start3A_449 = arith.constant 0 : i32
        %dma_start3A_450 = arith.constant 0 : i32
        %dma_start3A_451 = tpu.memref_slice %arg9[%dma_start3A_449, %dma_start3A_450] : memref<10240x48xf32, #tpu.memory_space<vmem_shared>> -> memref<10240x48xf32, #tpu.memory_space<vmem_shared>>
        %dma_start3A_452 = tpu.memref_slice %arg11[%dma_start3A_441] : memref<5x!tpu.dma_semaphore, #tpu.memory_space<semaphore_mem>> -> memref<1x!tpu.dma_semaphore, #tpu.memory_space<semaphore_mem>>
        %dma_start3A_453 = tpu.memref_squeeze %dma_start3A_452 : memref<1x!tpu.dma_semaphore, #tpu.memory_space<semaphore_mem>> -> memref<!tpu.dma_semaphore, #tpu.memory_space<semaphore_mem>>
        tpu.enqueue_indirect_dma source(%dma_start3A_451 : memref<10240x48xf32, #tpu.memory_space<vmem_shared>>) target(%dma_start3A_445 : memref<128x48xf32, #tpu.memory_space<vmem>>) offsets(%dma_start3A_448 : memref<128xi32, #tpu.memory_space<vmem>>) semaphore(%dma_start3A_453 : memref<!tpu.dma_semaphore, #tpu.memory_space<semaphore_mem>>)
      } else {
      }
      %dma_wait3A_390 = arith.constant 3 : i32
      %dma_wait3A_391 = arith.constant 1 : i32
      %dma_wait3A_392 = arith.constant 3 : i32
      %dma_wait3A_393 = arith.constant 3 : i32
      %dma_wait3A_394 = arith.constant 0 : i32
      %dma_wait3A_395 = arith.constant 0 : i32
      %dma_wait3A_396 = tpu.memref_slice %arg8[%dma_wait3A_390, %dma_wait3A_394, %dma_wait3A_395] : memref<5x128x48xf32, #tpu.memory_space<vmem>> -> memref<1x128x48xf32, #tpu.memory_space<vmem>>
      %dma_wait3A_397 = tpu.memref_squeeze %dma_wait3A_396 : memref<1x128x48xf32, #tpu.memory_space<vmem>> -> memref<128x48xf32, #tpu.memory_space<vmem>>
      %dma_wait3A_398 = arith.constant 0 : i32
      %dma_wait3A_399 = tpu.memref_slice %arg7[%rem3A_163, %dma_wait3A_391, %dma_wait3A_392, %dma_wait3A_398] : memref<2x2x5x128xi32, #tpu.memory_space<vmem>> -> memref<1x1x1x128xi32, #tpu.memory_space<vmem>>
      %dma_wait3A_400 = tpu.memref_squeeze %dma_wait3A_399 : memref<1x1x1x128xi32, #tpu.memory_space<vmem>> -> memref<128xi32, #tpu.memory_space<vmem>>
      %dma_wait3A_401 = arith.constant 0 : i32
      %dma_wait3A_402 = arith.constant 0 : i32
      %dma_wait3A_403 = tpu.memref_slice %arg10[%dma_wait3A_401, %dma_wait3A_402] : memref<10240x48xf32, #tpu.memory_space<vmem_shared>> -> memref<10240x48xf32, #tpu.memory_space<vmem_shared>>
      %dma_wait3A_404 = tpu.memref_slice %arg12[%dma_wait3A_393] : memref<5x!tpu.dma_semaphore, #tpu.memory_space<semaphore_mem>> -> memref<1x!tpu.dma_semaphore, #tpu.memory_space<semaphore_mem>>
      %dma_wait3A_405 = tpu.memref_squeeze %dma_wait3A_404 : memref<1x!tpu.dma_semaphore, #tpu.memory_space<semaphore_mem>> -> memref<!tpu.dma_semaphore, #tpu.memory_space<semaphore_mem>>
      tpu.wait_indirect_dma semaphore(%dma_wait3A_405 : memref<!tpu.dma_semaphore, #tpu.memory_space<semaphore_mem>>) src(%dma_wait3A_397 : memref<128x48xf32, #tpu.memory_space<vmem>>) dst(%dma_wait3A_403 : memref<10240x48xf32, #tpu.memory_space<vmem_shared>>)
      %lt3A_406 = arith.constant 15 : i32
      %lt3A_407 = arith.cmpi slt, %scan3A_162, %lt3A_406 : i32
      %convert_element_type3A_408 = arith.extui %lt3A_407 : i1 to i32
      %cond3A_409 = arith.constant 0 : i32
      %cond3A_410 = arith.cmpi ne, %convert_element_type3A_408, %cond3A_409 : i32
      scf.if %cond3A_410 {
        %sub3A = arith.constant 1 : i32
        %sub3A_437 = arith.subi %sub3A, %rem3A_163 : i32
        %dma_start3A_438 = arith.constant 0 : i32
        %dma_start3A_439 = arith.constant 3 : i32
        %dma_start3A_440 = arith.constant 3 : i32
        %dma_start3A_441 = arith.constant 3 : i32
        %dma_start3A_442 = arith.constant 0 : i32
        %dma_start3A_443 = arith.constant 0 : i32
        %dma_start3A_444 = tpu.memref_slice %arg8[%dma_start3A_440, %dma_start3A_442, %dma_start3A_443] : memref<5x128x48xf32, #tpu.memory_space<vmem>> -> memref<1x128x48xf32, #tpu.memory_space<vmem>>
        %dma_start3A_445 = tpu.memref_squeeze %dma_start3A_444 : memref<1x128x48xf32, #tpu.memory_space<vmem>> -> memref<128x48xf32, #tpu.memory_space<vmem>>
        %dma_start3A_446 = arith.constant 0 : i32
        %dma_start3A_447 = tpu.memref_slice %arg7[%sub3A_437, %dma_start3A_438, %dma_start3A_439, %dma_start3A_446] : memref<2x2x5x128xi32, #tpu.memory_space<vmem>> -> memref<1x1x1x128xi32, #tpu.memory_space<vmem>>
        %dma_start3A_448 = tpu.memref_squeeze %dma_start3A_447 : memref<1x1x1x128xi32, #tpu.memory_space<vmem>> -> memref<128xi32, #tpu.memory_space<vmem>>
        %dma_start3A_449 = arith.constant 0 : i32
        %dma_start3A_450 = arith.constant 0 : i32
        %dma_start3A_451 = tpu.memref_slice %arg9[%dma_start3A_449, %dma_start3A_450] : memref<10240x48xf32, #tpu.memory_space<vmem_shared>> -> memref<10240x48xf32, #tpu.memory_space<vmem_shared>>
        %dma_start3A_452 = tpu.memref_slice %arg11[%dma_start3A_441] : memref<5x!tpu.dma_semaphore, #tpu.memory_space<semaphore_mem>> -> memref<1x!tpu.dma_semaphore, #tpu.memory_space<semaphore_mem>>
        %dma_start3A_453 = tpu.memref_squeeze %dma_start3A_452 : memref<1x!tpu.dma_semaphore, #tpu.memory_space<semaphore_mem>> -> memref<!tpu.dma_semaphore, #tpu.memory_space<semaphore_mem>>
        tpu.enqueue_indirect_dma source(%dma_start3A_451 : memref<10240x48xf32, #tpu.memory_space<vmem_shared>>) target(%dma_start3A_445 : memref<128x48xf32, #tpu.memory_space<vmem>>) offsets(%dma_start3A_448 : memref<128xi32, #tpu.memory_space<vmem>>) semaphore(%dma_start3A_453 : memref<!tpu.dma_semaphore, #tpu.memory_space<semaphore_mem>>)
      } else {
      }
      %dma_wait3A_411 = arith.constant 4 : i32
      %dma_wait3A_412 = arith.constant 1 : i32
      %dma_wait3A_413 = arith.constant 4 : i32
      %dma_wait3A_414 = arith.constant 4 : i32
      %dma_wait3A_415 = arith.constant 0 : i32
      %dma_wait3A_416 = arith.constant 0 : i32
      %dma_wait3A_417 = tpu.memref_slice %arg8[%dma_wait3A_411, %dma_wait3A_415, %dma_wait3A_416] : memref<5x128x48xf32, #tpu.memory_space<vmem>> -> memref<1x128x48xf32, #tpu.memory_space<vmem>>
      %dma_wait3A_418 = tpu.memref_squeeze %dma_wait3A_417 : memref<1x128x48xf32, #tpu.memory_space<vmem>> -> memref<128x48xf32, #tpu.memory_space<vmem>>
      %dma_wait3A_419 = arith.constant 0 : i32
      %dma_wait3A_420 = tpu.memref_slice %arg7[%rem3A_163, %dma_wait3A_412, %dma_wait3A_413, %dma_wait3A_419] : memref<2x2x5x128xi32, #tpu.memory_space<vmem>> -> memref<1x1x1x128xi32, #tpu.memory_space<vmem>>
      %dma_wait3A_421 = tpu.memref_squeeze %dma_wait3A_420 : memref<1x1x1x128xi32, #tpu.memory_space<vmem>> -> memref<128xi32, #tpu.memory_space<vmem>>
      %dma_wait3A_422 = arith.constant 0 : i32
      %dma_wait3A_423 = arith.constant 0 : i32
      %dma_wait3A_424 = tpu.memref_slice %arg10[%dma_wait3A_422, %dma_wait3A_423] : memref<10240x48xf32, #tpu.memory_space<vmem_shared>> -> memref<10240x48xf32, #tpu.memory_space<vmem_shared>>
      %dma_wait3A_425 = tpu.memref_slice %arg12[%dma_wait3A_414] : memref<5x!tpu.dma_semaphore, #tpu.memory_space<semaphore_mem>> -> memref<1x!tpu.dma_semaphore, #tpu.memory_space<semaphore_mem>>
      %dma_wait3A_426 = tpu.memref_squeeze %dma_wait3A_425 : memref<1x!tpu.dma_semaphore, #tpu.memory_space<semaphore_mem>> -> memref<!tpu.dma_semaphore, #tpu.memory_space<semaphore_mem>>
      tpu.wait_indirect_dma semaphore(%dma_wait3A_426 : memref<!tpu.dma_semaphore, #tpu.memory_space<semaphore_mem>>) src(%dma_wait3A_418 : memref<128x48xf32, #tpu.memory_space<vmem>>) dst(%dma_wait3A_424 : memref<10240x48xf32, #tpu.memory_space<vmem_shared>>)
      %lt3A_427 = arith.constant 15 : i32
      %lt3A_428 = arith.cmpi slt, %scan3A_162, %lt3A_427 : i32
      %convert_element_type3A_429 = arith.extui %lt3A_428 : i1 to i32
      %cond3A_430 = arith.constant 0 : i32
      %cond3A_431 = arith.cmpi ne, %convert_element_type3A_429, %cond3A_430 : i32
      scf.if %cond3A_431 {
        %sub3A = arith.constant 1 : i32
        %sub3A_437 = arith.subi %sub3A, %rem3A_163 : i32
        %dma_start3A_438 = arith.constant 0 : i32
        %dma_start3A_439 = arith.constant 4 : i32
        %dma_start3A_440 = arith.constant 4 : i32
        %dma_start3A_441 = arith.constant 4 : i32
        %dma_start3A_442 = arith.constant 0 : i32
        %dma_start3A_443 = arith.constant 0 : i32
        %dma_start3A_444 = tpu.memref_slice %arg8[%dma_start3A_440, %dma_start3A_442, %dma_start3A_443] : memref<5x128x48xf32, #tpu.memory_space<vmem>> -> memref<1x128x48xf32, #tpu.memory_space<vmem>>
        %dma_start3A_445 = tpu.memref_squeeze %dma_start3A_444 : memref<1x128x48xf32, #tpu.memory_space<vmem>> -> memref<128x48xf32, #tpu.memory_space<vmem>>
        %dma_start3A_446 = arith.constant 0 : i32
        %dma_start3A_447 = tpu.memref_slice %arg7[%sub3A_437, %dma_start3A_438, %dma_start3A_439, %dma_start3A_446] : memref<2x2x5x128xi32, #tpu.memory_space<vmem>> -> memref<1x1x1x128xi32, #tpu.memory_space<vmem>>
        %dma_start3A_448 = tpu.memref_squeeze %dma_start3A_447 : memref<1x1x1x128xi32, #tpu.memory_space<vmem>> -> memref<128xi32, #tpu.memory_space<vmem>>
        %dma_start3A_449 = arith.constant 0 : i32
        %dma_start3A_450 = arith.constant 0 : i32
        %dma_start3A_451 = tpu.memref_slice %arg9[%dma_start3A_449, %dma_start3A_450] : memref<10240x48xf32, #tpu.memory_space<vmem_shared>> -> memref<10240x48xf32, #tpu.memory_space<vmem_shared>>
        %dma_start3A_452 = tpu.memref_slice %arg11[%dma_start3A_441] : memref<5x!tpu.dma_semaphore, #tpu.memory_space<semaphore_mem>> -> memref<1x!tpu.dma_semaphore, #tpu.memory_space<semaphore_mem>>
        %dma_start3A_453 = tpu.memref_squeeze %dma_start3A_452 : memref<1x!tpu.dma_semaphore, #tpu.memory_space<semaphore_mem>> -> memref<!tpu.dma_semaphore, #tpu.memory_space<semaphore_mem>>
        tpu.enqueue_indirect_dma source(%dma_start3A_451 : memref<10240x48xf32, #tpu.memory_space<vmem_shared>>) target(%dma_start3A_445 : memref<128x48xf32, #tpu.memory_space<vmem>>) offsets(%dma_start3A_448 : memref<128xi32, #tpu.memory_space<vmem>>) semaphore(%dma_start3A_453 : memref<!tpu.dma_semaphore, #tpu.memory_space<semaphore_mem>>)
      } else {
      }
      %lt3A_432 = arith.constant 14 : i32
      %lt3A_433 = arith.cmpi slt, %scan3A_162, %lt3A_432 : i32
      %convert_element_type3A_434 = arith.extui %lt3A_433 : i1 to i32
      %cond3A_435 = arith.constant 0 : i32
      %cond3A_436 = arith.cmpi ne, %convert_element_type3A_434, %cond3A_435 : i32
      scf.if %cond3A_436 {
        %add3A_437 = arith.constant 2 : i32
        %add3A_438 = arith.addi %scan3A_162, %add3A_437 : i32
        %dma_start3A_439 = arith.constant 0 : i32
        %dma_start3A_440 = arith.constant 0 : i32
        %dma_start3A_441 = arith.constant 0 : i32
        %dma_start3A_442 = tpu.memref_slice %arg7[%rem3A_163, %dma_start3A_439, %dma_start3A_440, %dma_start3A_441] : memref<2x2x5x128xi32, #tpu.memory_space<vmem>> -> memref<1x1x5x128xi32, #tpu.memory_space<vmem>>
        %dma_start3A_443 = tpu.memref_squeeze %dma_start3A_442 : memref<1x1x5x128xi32, #tpu.memory_space<vmem>> -> memref<5x128xi32, #tpu.memory_space<vmem>>
        %dma_start3A_444 = arith.constant 0 : i32
        %dma_start3A_445 = arith.constant 0 : i32
        %dma_start3A_446 = arith.constant 0 : i32
        %dma_start3A_447 = tpu.memref_slice %arg3[%add3A, %dma_start3A_444, %dma_start3A_445, %dma_start3A_446] : memref<32x16x5x128xi32, #tpu.memory_space<hbm>> -> memref<1x16x5x128xi32, #tpu.memory_space<hbm>>
        %dma_start3A_448 = tpu.memref_squeeze %dma_start3A_447 : memref<1x16x5x128xi32, #tpu.memory_space<hbm>> -> memref<16x5x128xi32, #tpu.memory_space<hbm>>
        %dma_start3A_449 = arith.constant 0 : i32
        %dma_start3A_450 = arith.constant 0 : i32
        %dma_start3A_451 = tpu.memref_slice %dma_start3A_448[%add3A_438, %dma_start3A_449, %dma_start3A_450] : memref<16x5x128xi32, #tpu.memory_space<hbm>> -> memref<1x5x128xi32, #tpu.memory_space<hbm>>
        %dma_start3A_452 = tpu.memref_squeeze %dma_start3A_451 : memref<1x5x128xi32, #tpu.memory_space<hbm>> -> memref<5x128xi32, #tpu.memory_space<hbm>>
        %dma_start3A_453 = arith.constant 0 : i32
        %dma_start3A_454 = arith.constant 0 : i32
        %dma_start3A_455 = tpu.memref_slice %arg7[%rem3A_163, %dma_start3A_439, %dma_start3A_453, %dma_start3A_454] : memref<2x2x5x128xi32, #tpu.memory_space<vmem>> -> memref<1x1x5x128xi32, #tpu.memory_space<vmem>>
        %dma_start3A_456 = tpu.memref_squeeze %dma_start3A_455 : memref<1x1x5x128xi32, #tpu.memory_space<vmem>> -> memref<5x128xi32, #tpu.memory_space<vmem>>
        %dma_start3A_457 = arith.constant 0 : i32
        %dma_start3A_458 = arith.constant 0 : i32
        %dma_start3A_459 = arith.constant 0 : i32
        %dma_start3A_460 = tpu.memref_slice %arg3[%add3A, %dma_start3A_457, %dma_start3A_458, %dma_start3A_459] : memref<32x16x5x128xi32, #tpu.memory_space<hbm>> -> memref<1x16x5x128xi32, #tpu.memory_space<hbm>>
        %dma_start3A_461 = tpu.memref_squeeze %dma_start3A_460 : memref<1x16x5x128xi32, #tpu.memory_space<hbm>> -> memref<16x5x128xi32, #tpu.memory_space<hbm>>
        %dma_start3A_462 = arith.constant 0 : i32
        %dma_start3A_463 = arith.constant 0 : i32
        %dma_start3A_464 = tpu.memref_slice %dma_start3A_461[%add3A_438, %dma_start3A_462, %dma_start3A_463] : memref<16x5x128xi32, #tpu.memory_space<hbm>> -> memref<1x5x128xi32, #tpu.memory_space<hbm>>
        %dma_start3A_465 = tpu.memref_squeeze %dma_start3A_464 : memref<1x5x128xi32, #tpu.memory_space<hbm>> -> memref<5x128xi32, #tpu.memory_space<hbm>>
        tpu.enqueue_dma source(%dma_start3A_465 : memref<5x128xi32, #tpu.memory_space<hbm>>) target(%dma_start3A_456 : memref<5x128xi32, #tpu.memory_space<vmem>>) target_semaphore(%arg13 : memref<!tpu.dma_semaphore, #tpu.memory_space<semaphore_mem>>)
        %add3A_466 = arith.constant 2 : i32
        %add3A_467 = arith.addi %scan3A_162, %add3A_466 : i32
        %dma_start3A_468 = arith.constant 1 : i32
        %dma_start3A_469 = arith.constant 0 : i32
        %dma_start3A_470 = arith.constant 0 : i32
        %dma_start3A_471 = tpu.memref_slice %arg7[%rem3A_163, %dma_start3A_468, %dma_start3A_469, %dma_start3A_470] : memref<2x2x5x128xi32, #tpu.memory_space<vmem>> -> memref<1x1x5x128xi32, #tpu.memory_space<vmem>>
        %dma_start3A_472 = tpu.memref_squeeze %dma_start3A_471 : memref<1x1x5x128xi32, #tpu.memory_space<vmem>> -> memref<5x128xi32, #tpu.memory_space<vmem>>
        %dma_start3A_473 = arith.constant 0 : i32
        %dma_start3A_474 = arith.constant 0 : i32
        %dma_start3A_475 = arith.constant 0 : i32
        %dma_start3A_476 = tpu.memref_slice %arg4[%add3A, %dma_start3A_473, %dma_start3A_474, %dma_start3A_475] : memref<32x16x5x128xi32, #tpu.memory_space<hbm>> -> memref<1x16x5x128xi32, #tpu.memory_space<hbm>>
        %dma_start3A_477 = tpu.memref_squeeze %dma_start3A_476 : memref<1x16x5x128xi32, #tpu.memory_space<hbm>> -> memref<16x5x128xi32, #tpu.memory_space<hbm>>
        %dma_start3A_478 = arith.constant 0 : i32
        %dma_start3A_479 = arith.constant 0 : i32
        %dma_start3A_480 = tpu.memref_slice %dma_start3A_477[%add3A_467, %dma_start3A_478, %dma_start3A_479] : memref<16x5x128xi32, #tpu.memory_space<hbm>> -> memref<1x5x128xi32, #tpu.memory_space<hbm>>
        %dma_start3A_481 = tpu.memref_squeeze %dma_start3A_480 : memref<1x5x128xi32, #tpu.memory_space<hbm>> -> memref<5x128xi32, #tpu.memory_space<hbm>>
        %dma_start3A_482 = arith.constant 0 : i32
        %dma_start3A_483 = arith.constant 0 : i32
        %dma_start3A_484 = tpu.memref_slice %arg7[%rem3A_163, %dma_start3A_468, %dma_start3A_482, %dma_start3A_483] : memref<2x2x5x128xi32, #tpu.memory_space<vmem>> -> memref<1x1x5x128xi32, #tpu.memory_space<vmem>>
        %dma_start3A_485 = tpu.memref_squeeze %dma_start3A_484 : memref<1x1x5x128xi32, #tpu.memory_space<vmem>> -> memref<5x128xi32, #tpu.memory_space<vmem>>
        %dma_start3A_486 = arith.constant 0 : i32
        %dma_start3A_487 = arith.constant 0 : i32
        %dma_start3A_488 = arith.constant 0 : i32
        %dma_start3A_489 = tpu.memref_slice %arg4[%add3A, %dma_start3A_486, %dma_start3A_487, %dma_start3A_488] : memref<32x16x5x128xi32, #tpu.memory_space<hbm>> -> memref<1x16x5x128xi32, #tpu.memory_space<hbm>>
        %dma_start3A_490 = tpu.memref_squeeze %dma_start3A_489 : memref<1x16x5x128xi32, #tpu.memory_space<hbm>> -> memref<16x5x128xi32, #tpu.memory_space<hbm>>
        %dma_start3A_491 = arith.constant 0 : i32
        %dma_start3A_492 = arith.constant 0 : i32
        %dma_start3A_493 = tpu.memref_slice %dma_start3A_490[%add3A_467, %dma_start3A_491, %dma_start3A_492] : memref<16x5x128xi32, #tpu.memory_space<hbm>> -> memref<1x5x128xi32, #tpu.memory_space<hbm>>
        %dma_start3A_494 = tpu.memref_squeeze %dma_start3A_493 : memref<1x5x128xi32, #tpu.memory_space<hbm>> -> memref<5x128xi32, #tpu.memory_space<hbm>>
        tpu.enqueue_dma source(%dma_start3A_494 : memref<5x128xi32, #tpu.memory_space<hbm>>) target(%dma_start3A_485 : memref<5x128xi32, #tpu.memory_space<vmem>>) target_semaphore(%arg13 : memref<!tpu.dma_semaphore, #tpu.memory_space<semaphore_mem>>)
      } else {
      }
    }
    %scan3A_160 = arith.constant 16 : i32
    %barrier3A_161 = arith.constant 0 : index
    tpu.barrier barrier_id(%barrier3A_161)
    "tpu.region"() ({
      %run_scoped3A_162 = tpu.sem_alloc : memref<!tpu.dma_semaphore, #tpu.memory_space<semaphore_mem>>
      %dma_start3A_163 = arith.constant 0 : i32
      %dma_start3A_164 = tpu.memref_slice %arg6[%arg0, %mul3A_2, %dma_start3A_163] : memref<2x10240x48xf32, #tpu.memory_space<hbm>> -> memref<1x640x48xf32, #tpu.memory_space<hbm>>
      %dma_start3A_165 = tpu.memref_squeeze %dma_start3A_164 : memref<1x640x48xf32, #tpu.memory_space<hbm>> -> memref<640x48xf32, #tpu.memory_space<hbm>>
      %dma_start3A_166 = arith.constant 0 : i32
      %dma_start3A_167 = tpu.memref_slice %arg10[%mul3A_2, %dma_start3A_166] : memref<10240x48xf32, #tpu.memory_space<vmem_shared>> -> memref<640x48xf32, #tpu.memory_space<vmem_shared>>
      tpu.enqueue_dma source(%dma_start3A_167 : memref<640x48xf32, #tpu.memory_space<vmem_shared>>) target(%dma_start3A_165 : memref<640x48xf32, #tpu.memory_space<hbm>>) target_semaphore(%run_scoped3A_162 : memref<!tpu.dma_semaphore, #tpu.memory_space<semaphore_mem>>)
      %dma_wait3A = arith.constant 0 : i32
      %dma_wait3A_168 = tpu.memref_slice %arg6[%arg0, %mul3A_2, %dma_wait3A] : memref<2x10240x48xf32, #tpu.memory_space<hbm>> -> memref<1x640x48xf32, #tpu.memory_space<hbm>>
      %dma_wait3A_169 = tpu.memref_squeeze %dma_wait3A_168 : memref<1x640x48xf32, #tpu.memory_space<hbm>> -> memref<640x48xf32, #tpu.memory_space<hbm>>
      %dma_wait3A_170 = arith.constant 0 : i32
      %dma_wait3A_171 = tpu.memref_slice %arg10[%mul3A_2, %dma_wait3A_170] : memref<10240x48xf32, #tpu.memory_space<vmem_shared>> -> memref<640x48xf32, #tpu.memory_space<vmem_shared>>
      tpu.wait_dma2 semaphore(%run_scoped3A_162 : memref<!tpu.dma_semaphore, #tpu.memory_space<semaphore_mem>>) src(%dma_wait3A_171 : memref<640x48xf32, #tpu.memory_space<vmem_shared>>) dst(%dma_wait3A_169 : memref<640x48xf32, #tpu.memory_space<hbm>>)
      tpu.yield
    }) : () -> ()
    return
  }
}

#map = affine_map<(d0, d1) -> (0, 0)>
#map1 = affine_map<(d0, d1) -> (0, 0, 0, 0)>
module attributes {stable_mosaic.version = 14 : i64} {
  func.func @agg_kernel(%arg0: i32, %arg1: i32, %arg2: memref<10240x128xf32, #tpu.memory_space<hbm>>, %arg3: memref<16x32x5x128xi32, #tpu.memory_space<hbm>>, %arg4: memref<16x32x5x128xi32, #tpu.memory_space<hbm>>, %arg5: memref<10240x128xf32, #tpu.memory_space<hbm>>, %arg6: memref<2x2x5x128xi32, #tpu.memory_space<vmem>>, %arg7: memref<5x128x64xf32, #tpu.memory_space<vmem>>, %arg8: memref<10240x64xf32, #tpu.memory_space<vmem_shared>>, %arg9: memref<10240x64xf32, #tpu.memory_space<vmem_shared>>, %arg10: memref<5x!tpu.dma_semaphore, #tpu.memory_space<semaphore_mem>>, %arg11: memref<5x!tpu.dma_semaphore, #tpu.memory_space<semaphore_mem>>, %arg12: memref<!tpu.dma_semaphore, #tpu.memory_space<semaphore_mem>>) attributes {dimension_semantics = [#tpu.dimension_semantics<core_parallel>, #tpu.dimension_semantics<subcore_parallel>], iteration_bounds = array<i64: 2, 16>, scalar_prefetch = 0 : i64, scratch_operands = 7 : i64, tpu.core_type = #tpu.core_type<sc_vector_subcore>, window_params = [{transform_indices = #map}, {transform_indices = #map1}, {transform_indices = #map1}, {transform_indices = #map}]} {
    %mul3A = arith.constant 640 : i32
    %mul3A_0 = arith.muli %arg1, %mul3A : i32
    %mul3A_1 = arith.constant 64 : i32
    %mul3A_2 = arith.muli %arg0, %mul3A_1 : i32
    "tpu.region"() ({
      %run_scoped3A_156 = tpu.sem_alloc : memref<!tpu.dma_semaphore, #tpu.memory_space<semaphore_mem>>
      %dma_start3A_157 = arith.constant 0 : i32
      %dma_start3A_158 = tpu.memref_slice %arg8[%mul3A_0, %dma_start3A_157] : memref<10240x64xf32, #tpu.memory_space<vmem_shared>> -> memref<640x64xf32, #tpu.memory_space<vmem_shared>>
      %dma_start3A_159 = tpu.memref_slice %arg2[%mul3A_0, %mul3A_2] : memref<10240x128xf32, #tpu.memory_space<hbm>> -> memref<640x64xf32, #tpu.memory_space<hbm>>
      tpu.enqueue_dma source(%dma_start3A_159 : memref<640x64xf32, #tpu.memory_space<hbm>>) target(%dma_start3A_158 : memref<640x64xf32, #tpu.memory_space<vmem_shared>>) target_semaphore(%run_scoped3A_156 : memref<!tpu.dma_semaphore, #tpu.memory_space<semaphore_mem>>)
      %dma_wait3A = arith.constant 0 : i32
      %dma_wait3A_160 = tpu.memref_slice %arg8[%mul3A_0, %dma_wait3A] : memref<10240x64xf32, #tpu.memory_space<vmem_shared>> -> memref<640x64xf32, #tpu.memory_space<vmem_shared>>
      %dma_wait3A_161 = tpu.memref_slice %arg2[%mul3A_0, %mul3A_2] : memref<10240x128xf32, #tpu.memory_space<hbm>> -> memref<640x64xf32, #tpu.memory_space<hbm>>
      tpu.wait_dma2 semaphore(%run_scoped3A_156 : memref<!tpu.dma_semaphore, #tpu.memory_space<semaphore_mem>>) src(%dma_wait3A_161 : memref<640x64xf32, #tpu.memory_space<hbm>>) dst(%dma_wait3A_160 : memref<640x64xf32, #tpu.memory_space<vmem_shared>>)
      tpu.yield
    }) : () -> ()
    "tpu.region"() ({
      %run_scoped3A_156 = tpu.sem_alloc : memref<!tpu.dma_semaphore, #tpu.memory_space<semaphore_mem>>
      %dma_start3A_157 = arith.constant 0 : i32
      %dma_start3A_158 = tpu.memref_slice %arg9[%mul3A_0, %dma_start3A_157] : memref<10240x64xf32, #tpu.memory_space<vmem_shared>> -> memref<640x64xf32, #tpu.memory_space<vmem_shared>>
      %dma_start3A_159 = tpu.memref_slice %arg2[%mul3A_0, %mul3A_2] : memref<10240x128xf32, #tpu.memory_space<hbm>> -> memref<640x64xf32, #tpu.memory_space<hbm>>
      tpu.enqueue_dma source(%dma_start3A_159 : memref<640x64xf32, #tpu.memory_space<hbm>>) target(%dma_start3A_158 : memref<640x64xf32, #tpu.memory_space<vmem_shared>>) target_semaphore(%run_scoped3A_156 : memref<!tpu.dma_semaphore, #tpu.memory_space<semaphore_mem>>)
      %dma_wait3A = arith.constant 0 : i32
      %dma_wait3A_160 = tpu.memref_slice %arg9[%mul3A_0, %dma_wait3A] : memref<10240x64xf32, #tpu.memory_space<vmem_shared>> -> memref<640x64xf32, #tpu.memory_space<vmem_shared>>
      %dma_wait3A_161 = tpu.memref_slice %arg2[%mul3A_0, %mul3A_2] : memref<10240x128xf32, #tpu.memory_space<hbm>> -> memref<640x64xf32, #tpu.memory_space<hbm>>
      tpu.wait_dma2 semaphore(%run_scoped3A_156 : memref<!tpu.dma_semaphore, #tpu.memory_space<semaphore_mem>>) src(%dma_wait3A_161 : memref<640x64xf32, #tpu.memory_space<hbm>>) dst(%dma_wait3A_160 : memref<640x64xf32, #tpu.memory_space<vmem_shared>>)
      tpu.yield
    }) : () -> ()
    %barrier3A = arith.constant 0 : index
    tpu.barrier barrier_id(%barrier3A)
    %run_scoped3A = arith.constant 0 : i32
    %run_scoped3A_3 = arith.constant 0 : i32
    %run_scoped3A_4 = arith.constant 0 : i32
    "tpu.region"() ({
      %run_scoped3A_156 = tpu.sem_alloc : memref<!tpu.dma_semaphore, #tpu.memory_space<semaphore_mem>>
      %dma_start3A_157 = arith.constant 0 : i32
      %dma_start3A_158 = arith.constant 0 : i32
      %dma_start3A_159 = tpu.memref_slice %arg6[%run_scoped3A_3, %run_scoped3A_4, %dma_start3A_157, %dma_start3A_158] : memref<2x2x5x128xi32, #tpu.memory_space<vmem>> -> memref<1x1x5x128xi32, #tpu.memory_space<vmem>>
      %dma_start3A_160 = tpu.memref_squeeze %dma_start3A_159 : memref<1x1x5x128xi32, #tpu.memory_space<vmem>> -> memref<5x128xi32, #tpu.memory_space<vmem>>
      %dma_start3A_161 = arith.constant 0 : i32
      %dma_start3A_162 = arith.constant 0 : i32
      %dma_start3A_163 = arith.constant 0 : i32
      %dma_start3A_164 = tpu.memref_slice %arg3[%arg1, %dma_start3A_161, %dma_start3A_162, %dma_start3A_163] : memref<16x32x5x128xi32, #tpu.memory_space<hbm>> -> memref<1x32x5x128xi32, #tpu.memory_space<hbm>>
      %dma_start3A_165 = tpu.memref_squeeze %dma_start3A_164 : memref<1x32x5x128xi32, #tpu.memory_space<hbm>> -> memref<32x5x128xi32, #tpu.memory_space<hbm>>
      %dma_start3A_166 = arith.constant 0 : i32
      %dma_start3A_167 = arith.constant 0 : i32
      %dma_start3A_168 = tpu.memref_slice %dma_start3A_165[%run_scoped3A, %dma_start3A_166, %dma_start3A_167] : memref<32x5x128xi32, #tpu.memory_space<hbm>> -> memref<1x5x128xi32, #tpu.memory_space<hbm>>
      %dma_start3A_169 = tpu.memref_squeeze %dma_start3A_168 : memref<1x5x128xi32, #tpu.memory_space<hbm>> -> memref<5x128xi32, #tpu.memory_space<hbm>>
      %dma_start3A_170 = arith.constant 0 : i32
      %dma_start3A_171 = arith.constant 0 : i32
      %dma_start3A_172 = tpu.memref_slice %arg6[%run_scoped3A_3, %run_scoped3A_4, %dma_start3A_170, %dma_start3A_171] : memref<2x2x5x128xi32, #tpu.memory_space<vmem>> -> memref<1x1x5x128xi32, #tpu.memory_space<vmem>>
      %dma_start3A_173 = tpu.memref_squeeze %dma_start3A_172 : memref<1x1x5x128xi32, #tpu.memory_space<vmem>> -> memref<5x128xi32, #tpu.memory_space<vmem>>
      %dma_start3A_174 = arith.constant 0 : i32
      %dma_start3A_175 = arith.constant 0 : i32
      %dma_start3A_176 = arith.constant 0 : i32
      %dma_start3A_177 = tpu.memref_slice %arg3[%arg1, %dma_start3A_174, %dma_start3A_175, %dma_start3A_176] : memref<16x32x5x128xi32, #tpu.memory_space<hbm>> -> memref<1x32x5x128xi32, #tpu.memory_space<hbm>>
      %dma_start3A_178 = tpu.memref_squeeze %dma_start3A_177 : memref<1x32x5x128xi32, #tpu.memory_space<hbm>> -> memref<32x5x128xi32, #tpu.memory_space<hbm>>
      %dma_start3A_179 = arith.constant 0 : i32
      %dma_start3A_180 = arith.constant 0 : i32
      %dma_start3A_181 = tpu.memref_slice %dma_start3A_178[%run_scoped3A, %dma_start3A_179, %dma_start3A_180] : memref<32x5x128xi32, #tpu.memory_space<hbm>> -> memref<1x5x128xi32, #tpu.memory_space<hbm>>
      %dma_start3A_182 = tpu.memref_squeeze %dma_start3A_181 : memref<1x5x128xi32, #tpu.memory_space<hbm>> -> memref<5x128xi32, #tpu.memory_space<hbm>>
      tpu.enqueue_dma source(%dma_start3A_182 : memref<5x128xi32, #tpu.memory_space<hbm>>) target(%dma_start3A_173 : memref<5x128xi32, #tpu.memory_space<vmem>>) target_semaphore(%run_scoped3A_156 : memref<!tpu.dma_semaphore, #tpu.memory_space<semaphore_mem>>)
      %dma_wait3A = arith.constant 0 : i32
      %dma_wait3A_183 = arith.constant 0 : i32
      %dma_wait3A_184 = tpu.memref_slice %arg6[%run_scoped3A_3, %run_scoped3A_4, %dma_wait3A, %dma_wait3A_183] : memref<2x2x5x128xi32, #tpu.memory_space<vmem>> -> memref<1x1x5x128xi32, #tpu.memory_space<vmem>>
      %dma_wait3A_185 = tpu.memref_squeeze %dma_wait3A_184 : memref<1x1x5x128xi32, #tpu.memory_space<vmem>> -> memref<5x128xi32, #tpu.memory_space<vmem>>
      %dma_wait3A_186 = arith.constant 0 : i32
      %dma_wait3A_187 = arith.constant 0 : i32
      %dma_wait3A_188 = arith.constant 0 : i32
      %dma_wait3A_189 = tpu.memref_slice %arg3[%arg1, %dma_wait3A_186, %dma_wait3A_187, %dma_wait3A_188] : memref<16x32x5x128xi32, #tpu.memory_space<hbm>> -> memref<1x32x5x128xi32, #tpu.memory_space<hbm>>
      %dma_wait3A_190 = tpu.memref_squeeze %dma_wait3A_189 : memref<1x32x5x128xi32, #tpu.memory_space<hbm>> -> memref<32x5x128xi32, #tpu.memory_space<hbm>>
      %dma_wait3A_191 = arith.constant 0 : i32
      %dma_wait3A_192 = arith.constant 0 : i32
      %dma_wait3A_193 = tpu.memref_slice %dma_wait3A_190[%run_scoped3A, %dma_wait3A_191, %dma_wait3A_192] : memref<32x5x128xi32, #tpu.memory_space<hbm>> -> memref<1x5x128xi32, #tpu.memory_space<hbm>>
      %dma_wait3A_194 = tpu.memref_squeeze %dma_wait3A_193 : memref<1x5x128xi32, #tpu.memory_space<hbm>> -> memref<5x128xi32, #tpu.memory_space<hbm>>
      %dma_wait3A_195 = arith.constant 0 : i32
      %dma_wait3A_196 = arith.constant 0 : i32
      %dma_wait3A_197 = tpu.memref_slice %arg6[%run_scoped3A_3, %run_scoped3A_4, %dma_wait3A_195, %dma_wait3A_196] : memref<2x2x5x128xi32, #tpu.memory_space<vmem>> -> memref<1x1x5x128xi32, #tpu.memory_space<vmem>>
      %dma_wait3A_198 = tpu.memref_squeeze %dma_wait3A_197 : memref<1x1x5x128xi32, #tpu.memory_space<vmem>> -> memref<5x128xi32, #tpu.memory_space<vmem>>
      %dma_wait3A_199 = arith.constant 0 : i32
      %dma_wait3A_200 = arith.constant 0 : i32
      %dma_wait3A_201 = arith.constant 0 : i32
      %dma_wait3A_202 = tpu.memref_slice %arg3[%arg1, %dma_wait3A_199, %dma_wait3A_200, %dma_wait3A_201] : memref<16x32x5x128xi32, #tpu.memory_space<hbm>> -> memref<1x32x5x128xi32, #tpu.memory_space<hbm>>
      %dma_wait3A_203 = tpu.memref_squeeze %dma_wait3A_202 : memref<1x32x5x128xi32, #tpu.memory_space<hbm>> -> memref<32x5x128xi32, #tpu.memory_space<hbm>>
      %dma_wait3A_204 = arith.constant 0 : i32
      %dma_wait3A_205 = arith.constant 0 : i32
      %dma_wait3A_206 = tpu.memref_slice %dma_wait3A_203[%run_scoped3A, %dma_wait3A_204, %dma_wait3A_205] : memref<32x5x128xi32, #tpu.memory_space<hbm>> -> memref<1x5x128xi32, #tpu.memory_space<hbm>>
      %dma_wait3A_207 = tpu.memref_squeeze %dma_wait3A_206 : memref<1x5x128xi32, #tpu.memory_space<hbm>> -> memref<5x128xi32, #tpu.memory_space<hbm>>
      tpu.wait_dma2 semaphore(%run_scoped3A_156 : memref<!tpu.dma_semaphore, #tpu.memory_space<semaphore_mem>>) src(%dma_wait3A_207 : memref<5x128xi32, #tpu.memory_space<hbm>>) dst(%dma_wait3A_198 : memref<5x128xi32, #tpu.memory_space<vmem>>)
      tpu.yield
    }) : () -> ()
    %run_scoped3A_5 = arith.constant 0 : i32
    %run_scoped3A_6 = arith.constant 0 : i32
    %run_scoped3A_7 = arith.constant 1 : i32
    "tpu.region"() ({
      %run_scoped3A_156 = tpu.sem_alloc : memref<!tpu.dma_semaphore, #tpu.memory_space<semaphore_mem>>
      %dma_start3A_157 = arith.constant 0 : i32
      %dma_start3A_158 = arith.constant 0 : i32
      %dma_start3A_159 = tpu.memref_slice %arg6[%run_scoped3A_6, %run_scoped3A_7, %dma_start3A_157, %dma_start3A_158] : memref<2x2x5x128xi32, #tpu.memory_space<vmem>> -> memref<1x1x5x128xi32, #tpu.memory_space<vmem>>
      %dma_start3A_160 = tpu.memref_squeeze %dma_start3A_159 : memref<1x1x5x128xi32, #tpu.memory_space<vmem>> -> memref<5x128xi32, #tpu.memory_space<vmem>>
      %dma_start3A_161 = arith.constant 0 : i32
      %dma_start3A_162 = arith.constant 0 : i32
      %dma_start3A_163 = arith.constant 0 : i32
      %dma_start3A_164 = tpu.memref_slice %arg4[%arg1, %dma_start3A_161, %dma_start3A_162, %dma_start3A_163] : memref<16x32x5x128xi32, #tpu.memory_space<hbm>> -> memref<1x32x5x128xi32, #tpu.memory_space<hbm>>
      %dma_start3A_165 = tpu.memref_squeeze %dma_start3A_164 : memref<1x32x5x128xi32, #tpu.memory_space<hbm>> -> memref<32x5x128xi32, #tpu.memory_space<hbm>>
      %dma_start3A_166 = arith.constant 0 : i32
      %dma_start3A_167 = arith.constant 0 : i32
      %dma_start3A_168 = tpu.memref_slice %dma_start3A_165[%run_scoped3A_5, %dma_start3A_166, %dma_start3A_167] : memref<32x5x128xi32, #tpu.memory_space<hbm>> -> memref<1x5x128xi32, #tpu.memory_space<hbm>>
      %dma_start3A_169 = tpu.memref_squeeze %dma_start3A_168 : memref<1x5x128xi32, #tpu.memory_space<hbm>> -> memref<5x128xi32, #tpu.memory_space<hbm>>
      %dma_start3A_170 = arith.constant 0 : i32
      %dma_start3A_171 = arith.constant 0 : i32
      %dma_start3A_172 = tpu.memref_slice %arg6[%run_scoped3A_6, %run_scoped3A_7, %dma_start3A_170, %dma_start3A_171] : memref<2x2x5x128xi32, #tpu.memory_space<vmem>> -> memref<1x1x5x128xi32, #tpu.memory_space<vmem>>
      %dma_start3A_173 = tpu.memref_squeeze %dma_start3A_172 : memref<1x1x5x128xi32, #tpu.memory_space<vmem>> -> memref<5x128xi32, #tpu.memory_space<vmem>>
      %dma_start3A_174 = arith.constant 0 : i32
      %dma_start3A_175 = arith.constant 0 : i32
      %dma_start3A_176 = arith.constant 0 : i32
      %dma_start3A_177 = tpu.memref_slice %arg4[%arg1, %dma_start3A_174, %dma_start3A_175, %dma_start3A_176] : memref<16x32x5x128xi32, #tpu.memory_space<hbm>> -> memref<1x32x5x128xi32, #tpu.memory_space<hbm>>
      %dma_start3A_178 = tpu.memref_squeeze %dma_start3A_177 : memref<1x32x5x128xi32, #tpu.memory_space<hbm>> -> memref<32x5x128xi32, #tpu.memory_space<hbm>>
      %dma_start3A_179 = arith.constant 0 : i32
      %dma_start3A_180 = arith.constant 0 : i32
      %dma_start3A_181 = tpu.memref_slice %dma_start3A_178[%run_scoped3A_5, %dma_start3A_179, %dma_start3A_180] : memref<32x5x128xi32, #tpu.memory_space<hbm>> -> memref<1x5x128xi32, #tpu.memory_space<hbm>>
      %dma_start3A_182 = tpu.memref_squeeze %dma_start3A_181 : memref<1x5x128xi32, #tpu.memory_space<hbm>> -> memref<5x128xi32, #tpu.memory_space<hbm>>
      tpu.enqueue_dma source(%dma_start3A_182 : memref<5x128xi32, #tpu.memory_space<hbm>>) target(%dma_start3A_173 : memref<5x128xi32, #tpu.memory_space<vmem>>) target_semaphore(%run_scoped3A_156 : memref<!tpu.dma_semaphore, #tpu.memory_space<semaphore_mem>>)
      %dma_wait3A = arith.constant 0 : i32
      %dma_wait3A_183 = arith.constant 0 : i32
      %dma_wait3A_184 = tpu.memref_slice %arg6[%run_scoped3A_6, %run_scoped3A_7, %dma_wait3A, %dma_wait3A_183] : memref<2x2x5x128xi32, #tpu.memory_space<vmem>> -> memref<1x1x5x128xi32, #tpu.memory_space<vmem>>
      %dma_wait3A_185 = tpu.memref_squeeze %dma_wait3A_184 : memref<1x1x5x128xi32, #tpu.memory_space<vmem>> -> memref<5x128xi32, #tpu.memory_space<vmem>>
      %dma_wait3A_186 = arith.constant 0 : i32
      %dma_wait3A_187 = arith.constant 0 : i32
      %dma_wait3A_188 = arith.constant 0 : i32
      %dma_wait3A_189 = tpu.memref_slice %arg4[%arg1, %dma_wait3A_186, %dma_wait3A_187, %dma_wait3A_188] : memref<16x32x5x128xi32, #tpu.memory_space<hbm>> -> memref<1x32x5x128xi32, #tpu.memory_space<hbm>>
      %dma_wait3A_190 = tpu.memref_squeeze %dma_wait3A_189 : memref<1x32x5x128xi32, #tpu.memory_space<hbm>> -> memref<32x5x128xi32, #tpu.memory_space<hbm>>
      %dma_wait3A_191 = arith.constant 0 : i32
      %dma_wait3A_192 = arith.constant 0 : i32
      %dma_wait3A_193 = tpu.memref_slice %dma_wait3A_190[%run_scoped3A_5, %dma_wait3A_191, %dma_wait3A_192] : memref<32x5x128xi32, #tpu.memory_space<hbm>> -> memref<1x5x128xi32, #tpu.memory_space<hbm>>
      %dma_wait3A_194 = tpu.memref_squeeze %dma_wait3A_193 : memref<1x5x128xi32, #tpu.memory_space<hbm>> -> memref<5x128xi32, #tpu.memory_space<hbm>>
      %dma_wait3A_195 = arith.constant 0 : i32
      %dma_wait3A_196 = arith.constant 0 : i32
      %dma_wait3A_197 = tpu.memref_slice %arg6[%run_scoped3A_6, %run_scoped3A_7, %dma_wait3A_195, %dma_wait3A_196] : memref<2x2x5x128xi32, #tpu.memory_space<vmem>> -> memref<1x1x5x128xi32, #tpu.memory_space<vmem>>
      %dma_wait3A_198 = tpu.memref_squeeze %dma_wait3A_197 : memref<1x1x5x128xi32, #tpu.memory_space<vmem>> -> memref<5x128xi32, #tpu.memory_space<vmem>>
      %dma_wait3A_199 = arith.constant 0 : i32
      %dma_wait3A_200 = arith.constant 0 : i32
      %dma_wait3A_201 = arith.constant 0 : i32
      %dma_wait3A_202 = tpu.memref_slice %arg4[%arg1, %dma_wait3A_199, %dma_wait3A_200, %dma_wait3A_201] : memref<16x32x5x128xi32, #tpu.memory_space<hbm>> -> memref<1x32x5x128xi32, #tpu.memory_space<hbm>>
      %dma_wait3A_203 = tpu.memref_squeeze %dma_wait3A_202 : memref<1x32x5x128xi32, #tpu.memory_space<hbm>> -> memref<32x5x128xi32, #tpu.memory_space<hbm>>
      %dma_wait3A_204 = arith.constant 0 : i32
      %dma_wait3A_205 = arith.constant 0 : i32
      %dma_wait3A_206 = tpu.memref_slice %dma_wait3A_203[%run_scoped3A_5, %dma_wait3A_204, %dma_wait3A_205] : memref<32x5x128xi32, #tpu.memory_space<hbm>> -> memref<1x5x128xi32, #tpu.memory_space<hbm>>
      %dma_wait3A_207 = tpu.memref_squeeze %dma_wait3A_206 : memref<1x5x128xi32, #tpu.memory_space<hbm>> -> memref<5x128xi32, #tpu.memory_space<hbm>>
      tpu.wait_dma2 semaphore(%run_scoped3A_156 : memref<!tpu.dma_semaphore, #tpu.memory_space<semaphore_mem>>) src(%dma_wait3A_207 : memref<5x128xi32, #tpu.memory_space<hbm>>) dst(%dma_wait3A_198 : memref<5x128xi32, #tpu.memory_space<vmem>>)
      tpu.yield
    }) : () -> ()
    %dma_start3A = arith.constant 0 : i32
    %dma_start3A_8 = arith.constant 0 : i32
    %dma_start3A_9 = arith.constant 0 : i32
    %dma_start3A_10 = arith.constant 0 : i32
    %dma_start3A_11 = arith.constant 0 : i32
    %dma_start3A_12 = arith.constant 0 : i32
    %dma_start3A_13 = arith.constant 0 : i32
    %dma_start3A_14 = tpu.memref_slice %arg7[%dma_start3A_10, %dma_start3A_12, %dma_start3A_13] : memref<5x128x64xf32, #tpu.memory_space<vmem>> -> memref<1x128x64xf32, #tpu.memory_space<vmem>>
    %dma_start3A_15 = tpu.memref_squeeze %dma_start3A_14 : memref<1x128x64xf32, #tpu.memory_space<vmem>> -> memref<128x64xf32, #tpu.memory_space<vmem>>
    %dma_start3A_16 = arith.constant 0 : i32
    %dma_start3A_17 = tpu.memref_slice %arg6[%dma_start3A, %dma_start3A_8, %dma_start3A_9, %dma_start3A_16] : memref<2x2x5x128xi32, #tpu.memory_space<vmem>> -> memref<1x1x1x128xi32, #tpu.memory_space<vmem>>
    %dma_start3A_18 = tpu.memref_squeeze %dma_start3A_17 : memref<1x1x1x128xi32, #tpu.memory_space<vmem>> -> memref<128xi32, #tpu.memory_space<vmem>>
    %dma_start3A_19 = arith.constant 0 : i32
    %dma_start3A_20 = arith.constant 0 : i32
    %dma_start3A_21 = tpu.memref_slice %arg8[%dma_start3A_19, %dma_start3A_20] : memref<10240x64xf32, #tpu.memory_space<vmem_shared>> -> memref<10240x64xf32, #tpu.memory_space<vmem_shared>>
    %dma_start3A_22 = tpu.memref_slice %arg10[%dma_start3A_11] : memref<5x!tpu.dma_semaphore, #tpu.memory_space<semaphore_mem>> -> memref<1x!tpu.dma_semaphore, #tpu.memory_space<semaphore_mem>>
    %dma_start3A_23 = tpu.memref_squeeze %dma_start3A_22 : memref<1x!tpu.dma_semaphore, #tpu.memory_space<semaphore_mem>> -> memref<!tpu.dma_semaphore, #tpu.memory_space<semaphore_mem>>
    tpu.enqueue_indirect_dma source(%dma_start3A_21 : memref<10240x64xf32, #tpu.memory_space<vmem_shared>>) target(%dma_start3A_15 : memref<128x64xf32, #tpu.memory_space<vmem>>) offsets(%dma_start3A_18 : memref<128xi32, #tpu.memory_space<vmem>>) semaphore(%dma_start3A_23 : memref<!tpu.dma_semaphore, #tpu.memory_space<semaphore_mem>>)
    %dma_start3A_24 = arith.constant 0 : i32
    %dma_start3A_25 = arith.constant 0 : i32
    %dma_start3A_26 = arith.constant 1 : i32
    %dma_start3A_27 = arith.constant 1 : i32
    %dma_start3A_28 = arith.constant 1 : i32
    %dma_start3A_29 = arith.constant 0 : i32
    %dma_start3A_30 = arith.constant 0 : i32
    %dma_start3A_31 = tpu.memref_slice %arg7[%dma_start3A_27, %dma_start3A_29, %dma_start3A_30] : memref<5x128x64xf32, #tpu.memory_space<vmem>> -> memref<1x128x64xf32, #tpu.memory_space<vmem>>
    %dma_start3A_32 = tpu.memref_squeeze %dma_start3A_31 : memref<1x128x64xf32, #tpu.memory_space<vmem>> -> memref<128x64xf32, #tpu.memory_space<vmem>>
    %dma_start3A_33 = arith.constant 0 : i32
    %dma_start3A_34 = tpu.memref_slice %arg6[%dma_start3A_24, %dma_start3A_25, %dma_start3A_26, %dma_start3A_33] : memref<2x2x5x128xi32, #tpu.memory_space<vmem>> -> memref<1x1x1x128xi32, #tpu.memory_space<vmem>>
    %dma_start3A_35 = tpu.memref_squeeze %dma_start3A_34 : memref<1x1x1x128xi32, #tpu.memory_space<vmem>> -> memref<128xi32, #tpu.memory_space<vmem>>
    %dma_start3A_36 = arith.constant 0 : i32
    %dma_start3A_37 = arith.constant 0 : i32
    %dma_start3A_38 = tpu.memref_slice %arg8[%dma_start3A_36, %dma_start3A_37] : memref<10240x64xf32, #tpu.memory_space<vmem_shared>> -> memref<10240x64xf32, #tpu.memory_space<vmem_shared>>
    %dma_start3A_39 = tpu.memref_slice %arg10[%dma_start3A_28] : memref<5x!tpu.dma_semaphore, #tpu.memory_space<semaphore_mem>> -> memref<1x!tpu.dma_semaphore, #tpu.memory_space<semaphore_mem>>
    %dma_start3A_40 = tpu.memref_squeeze %dma_start3A_39 : memref<1x!tpu.dma_semaphore, #tpu.memory_space<semaphore_mem>> -> memref<!tpu.dma_semaphore, #tpu.memory_space<semaphore_mem>>
    tpu.enqueue_indirect_dma source(%dma_start3A_38 : memref<10240x64xf32, #tpu.memory_space<vmem_shared>>) target(%dma_start3A_32 : memref<128x64xf32, #tpu.memory_space<vmem>>) offsets(%dma_start3A_35 : memref<128xi32, #tpu.memory_space<vmem>>) semaphore(%dma_start3A_40 : memref<!tpu.dma_semaphore, #tpu.memory_space<semaphore_mem>>)
    %dma_start3A_41 = arith.constant 0 : i32
    %dma_start3A_42 = arith.constant 0 : i32
    %dma_start3A_43 = arith.constant 2 : i32
    %dma_start3A_44 = arith.constant 2 : i32
    %dma_start3A_45 = arith.constant 2 : i32
    %dma_start3A_46 = arith.constant 0 : i32
    %dma_start3A_47 = arith.constant 0 : i32
    %dma_start3A_48 = tpu.memref_slice %arg7[%dma_start3A_44, %dma_start3A_46, %dma_start3A_47] : memref<5x128x64xf32, #tpu.memory_space<vmem>> -> memref<1x128x64xf32, #tpu.memory_space<vmem>>
    %dma_start3A_49 = tpu.memref_squeeze %dma_start3A_48 : memref<1x128x64xf32, #tpu.memory_space<vmem>> -> memref<128x64xf32, #tpu.memory_space<vmem>>
    %dma_start3A_50 = arith.constant 0 : i32
    %dma_start3A_51 = tpu.memref_slice %arg6[%dma_start3A_41, %dma_start3A_42, %dma_start3A_43, %dma_start3A_50] : memref<2x2x5x128xi32, #tpu.memory_space<vmem>> -> memref<1x1x1x128xi32, #tpu.memory_space<vmem>>
    %dma_start3A_52 = tpu.memref_squeeze %dma_start3A_51 : memref<1x1x1x128xi32, #tpu.memory_space<vmem>> -> memref<128xi32, #tpu.memory_space<vmem>>
    %dma_start3A_53 = arith.constant 0 : i32
    %dma_start3A_54 = arith.constant 0 : i32
    %dma_start3A_55 = tpu.memref_slice %arg8[%dma_start3A_53, %dma_start3A_54] : memref<10240x64xf32, #tpu.memory_space<vmem_shared>> -> memref<10240x64xf32, #tpu.memory_space<vmem_shared>>
    %dma_start3A_56 = tpu.memref_slice %arg10[%dma_start3A_45] : memref<5x!tpu.dma_semaphore, #tpu.memory_space<semaphore_mem>> -> memref<1x!tpu.dma_semaphore, #tpu.memory_space<semaphore_mem>>
    %dma_start3A_57 = tpu.memref_squeeze %dma_start3A_56 : memref<1x!tpu.dma_semaphore, #tpu.memory_space<semaphore_mem>> -> memref<!tpu.dma_semaphore, #tpu.memory_space<semaphore_mem>>
    tpu.enqueue_indirect_dma source(%dma_start3A_55 : memref<10240x64xf32, #tpu.memory_space<vmem_shared>>) target(%dma_start3A_49 : memref<128x64xf32, #tpu.memory_space<vmem>>) offsets(%dma_start3A_52 : memref<128xi32, #tpu.memory_space<vmem>>) semaphore(%dma_start3A_57 : memref<!tpu.dma_semaphore, #tpu.memory_space<semaphore_mem>>)
    %dma_start3A_58 = arith.constant 0 : i32
    %dma_start3A_59 = arith.constant 0 : i32
    %dma_start3A_60 = arith.constant 3 : i32
    %dma_start3A_61 = arith.constant 3 : i32
    %dma_start3A_62 = arith.constant 3 : i32
    %dma_start3A_63 = arith.constant 0 : i32
    %dma_start3A_64 = arith.constant 0 : i32
    %dma_start3A_65 = tpu.memref_slice %arg7[%dma_start3A_61, %dma_start3A_63, %dma_start3A_64] : memref<5x128x64xf32, #tpu.memory_space<vmem>> -> memref<1x128x64xf32, #tpu.memory_space<vmem>>
    %dma_start3A_66 = tpu.memref_squeeze %dma_start3A_65 : memref<1x128x64xf32, #tpu.memory_space<vmem>> -> memref<128x64xf32, #tpu.memory_space<vmem>>
    %dma_start3A_67 = arith.constant 0 : i32
    %dma_start3A_68 = tpu.memref_slice %arg6[%dma_start3A_58, %dma_start3A_59, %dma_start3A_60, %dma_start3A_67] : memref<2x2x5x128xi32, #tpu.memory_space<vmem>> -> memref<1x1x1x128xi32, #tpu.memory_space<vmem>>
    %dma_start3A_69 = tpu.memref_squeeze %dma_start3A_68 : memref<1x1x1x128xi32, #tpu.memory_space<vmem>> -> memref<128xi32, #tpu.memory_space<vmem>>
    %dma_start3A_70 = arith.constant 0 : i32
    %dma_start3A_71 = arith.constant 0 : i32
    %dma_start3A_72 = tpu.memref_slice %arg8[%dma_start3A_70, %dma_start3A_71] : memref<10240x64xf32, #tpu.memory_space<vmem_shared>> -> memref<10240x64xf32, #tpu.memory_space<vmem_shared>>
    %dma_start3A_73 = tpu.memref_slice %arg10[%dma_start3A_62] : memref<5x!tpu.dma_semaphore, #tpu.memory_space<semaphore_mem>> -> memref<1x!tpu.dma_semaphore, #tpu.memory_space<semaphore_mem>>
    %dma_start3A_74 = tpu.memref_squeeze %dma_start3A_73 : memref<1x!tpu.dma_semaphore, #tpu.memory_space<semaphore_mem>> -> memref<!tpu.dma_semaphore, #tpu.memory_space<semaphore_mem>>
    tpu.enqueue_indirect_dma source(%dma_start3A_72 : memref<10240x64xf32, #tpu.memory_space<vmem_shared>>) target(%dma_start3A_66 : memref<128x64xf32, #tpu.memory_space<vmem>>) offsets(%dma_start3A_69 : memref<128xi32, #tpu.memory_space<vmem>>) semaphore(%dma_start3A_74 : memref<!tpu.dma_semaphore, #tpu.memory_space<semaphore_mem>>)
    %dma_start3A_75 = arith.constant 0 : i32
    %dma_start3A_76 = arith.constant 0 : i32
    %dma_start3A_77 = arith.constant 4 : i32
    %dma_start3A_78 = arith.constant 4 : i32
    %dma_start3A_79 = arith.constant 4 : i32
    %dma_start3A_80 = arith.constant 0 : i32
    %dma_start3A_81 = arith.constant 0 : i32
    %dma_start3A_82 = tpu.memref_slice %arg7[%dma_start3A_78, %dma_start3A_80, %dma_start3A_81] : memref<5x128x64xf32, #tpu.memory_space<vmem>> -> memref<1x128x64xf32, #tpu.memory_space<vmem>>
    %dma_start3A_83 = tpu.memref_squeeze %dma_start3A_82 : memref<1x128x64xf32, #tpu.memory_space<vmem>> -> memref<128x64xf32, #tpu.memory_space<vmem>>
    %dma_start3A_84 = arith.constant 0 : i32
    %dma_start3A_85 = tpu.memref_slice %arg6[%dma_start3A_75, %dma_start3A_76, %dma_start3A_77, %dma_start3A_84] : memref<2x2x5x128xi32, #tpu.memory_space<vmem>> -> memref<1x1x1x128xi32, #tpu.memory_space<vmem>>
    %dma_start3A_86 = tpu.memref_squeeze %dma_start3A_85 : memref<1x1x1x128xi32, #tpu.memory_space<vmem>> -> memref<128xi32, #tpu.memory_space<vmem>>
    %dma_start3A_87 = arith.constant 0 : i32
    %dma_start3A_88 = arith.constant 0 : i32
    %dma_start3A_89 = tpu.memref_slice %arg8[%dma_start3A_87, %dma_start3A_88] : memref<10240x64xf32, #tpu.memory_space<vmem_shared>> -> memref<10240x64xf32, #tpu.memory_space<vmem_shared>>
    %dma_start3A_90 = tpu.memref_slice %arg10[%dma_start3A_79] : memref<5x!tpu.dma_semaphore, #tpu.memory_space<semaphore_mem>> -> memref<1x!tpu.dma_semaphore, #tpu.memory_space<semaphore_mem>>
    %dma_start3A_91 = tpu.memref_squeeze %dma_start3A_90 : memref<1x!tpu.dma_semaphore, #tpu.memory_space<semaphore_mem>> -> memref<!tpu.dma_semaphore, #tpu.memory_space<semaphore_mem>>
    tpu.enqueue_indirect_dma source(%dma_start3A_89 : memref<10240x64xf32, #tpu.memory_space<vmem_shared>>) target(%dma_start3A_83 : memref<128x64xf32, #tpu.memory_space<vmem>>) offsets(%dma_start3A_86 : memref<128xi32, #tpu.memory_space<vmem>>) semaphore(%dma_start3A_91 : memref<!tpu.dma_semaphore, #tpu.memory_space<semaphore_mem>>)
    %dma_start3A_92 = arith.constant 1 : i32
    %dma_start3A_93 = arith.constant 1 : i32
    %dma_start3A_94 = arith.constant 0 : i32
    %dma_start3A_95 = arith.constant 0 : i32
    %dma_start3A_96 = arith.constant 0 : i32
    %dma_start3A_97 = tpu.memref_slice %arg6[%dma_start3A_93, %dma_start3A_94, %dma_start3A_95, %dma_start3A_96] : memref<2x2x5x128xi32, #tpu.memory_space<vmem>> -> memref<1x1x5x128xi32, #tpu.memory_space<vmem>>
    %dma_start3A_98 = tpu.memref_squeeze %dma_start3A_97 : memref<1x1x5x128xi32, #tpu.memory_space<vmem>> -> memref<5x128xi32, #tpu.memory_space<vmem>>
    %dma_start3A_99 = arith.constant 0 : i32
    %dma_start3A_100 = arith.constant 0 : i32
    %dma_start3A_101 = arith.constant 0 : i32
    %dma_start3A_102 = tpu.memref_slice %arg3[%arg1, %dma_start3A_99, %dma_start3A_100, %dma_start3A_101] : memref<16x32x5x128xi32, #tpu.memory_space<hbm>> -> memref<1x32x5x128xi32, #tpu.memory_space<hbm>>
    %dma_start3A_103 = tpu.memref_squeeze %dma_start3A_102 : memref<1x32x5x128xi32, #tpu.memory_space<hbm>> -> memref<32x5x128xi32, #tpu.memory_space<hbm>>
    %dma_start3A_104 = arith.constant 0 : i32
    %dma_start3A_105 = arith.constant 0 : i32
    %dma_start3A_106 = tpu.memref_slice %dma_start3A_103[%dma_start3A_92, %dma_start3A_104, %dma_start3A_105] : memref<32x5x128xi32, #tpu.memory_space<hbm>> -> memref<1x5x128xi32, #tpu.memory_space<hbm>>
    %dma_start3A_107 = tpu.memref_squeeze %dma_start3A_106 : memref<1x5x128xi32, #tpu.memory_space<hbm>> -> memref<5x128xi32, #tpu.memory_space<hbm>>
    %dma_start3A_108 = arith.constant 0 : i32
    %dma_start3A_109 = arith.constant 0 : i32
    %dma_start3A_110 = tpu.memref_slice %arg6[%dma_start3A_93, %dma_start3A_94, %dma_start3A_108, %dma_start3A_109] : memref<2x2x5x128xi32, #tpu.memory_space<vmem>> -> memref<1x1x5x128xi32, #tpu.memory_space<vmem>>
    %dma_start3A_111 = tpu.memref_squeeze %dma_start3A_110 : memref<1x1x5x128xi32, #tpu.memory_space<vmem>> -> memref<5x128xi32, #tpu.memory_space<vmem>>
    %dma_start3A_112 = arith.constant 0 : i32
    %dma_start3A_113 = arith.constant 0 : i32
    %dma_start3A_114 = arith.constant 0 : i32
    %dma_start3A_115 = tpu.memref_slice %arg3[%arg1, %dma_start3A_112, %dma_start3A_113, %dma_start3A_114] : memref<16x32x5x128xi32, #tpu.memory_space<hbm>> -> memref<1x32x5x128xi32, #tpu.memory_space<hbm>>
    %dma_start3A_116 = tpu.memref_squeeze %dma_start3A_115 : memref<1x32x5x128xi32, #tpu.memory_space<hbm>> -> memref<32x5x128xi32, #tpu.memory_space<hbm>>
    %dma_start3A_117 = arith.constant 0 : i32
    %dma_start3A_118 = arith.constant 0 : i32
    %dma_start3A_119 = tpu.memref_slice %dma_start3A_116[%dma_start3A_92, %dma_start3A_117, %dma_start3A_118] : memref<32x5x128xi32, #tpu.memory_space<hbm>> -> memref<1x5x128xi32, #tpu.memory_space<hbm>>
    %dma_start3A_120 = tpu.memref_squeeze %dma_start3A_119 : memref<1x5x128xi32, #tpu.memory_space<hbm>> -> memref<5x128xi32, #tpu.memory_space<hbm>>
    tpu.enqueue_dma source(%dma_start3A_120 : memref<5x128xi32, #tpu.memory_space<hbm>>) target(%dma_start3A_111 : memref<5x128xi32, #tpu.memory_space<vmem>>) target_semaphore(%arg12 : memref<!tpu.dma_semaphore, #tpu.memory_space<semaphore_mem>>)
    %dma_start3A_121 = arith.constant 1 : i32
    %dma_start3A_122 = arith.constant 1 : i32
    %dma_start3A_123 = arith.constant 1 : i32
    %dma_start3A_124 = arith.constant 0 : i32
    %dma_start3A_125 = arith.constant 0 : i32
    %dma_start3A_126 = tpu.memref_slice %arg6[%dma_start3A_122, %dma_start3A_123, %dma_start3A_124, %dma_start3A_125] : memref<2x2x5x128xi32, #tpu.memory_space<vmem>> -> memref<1x1x5x128xi32, #tpu.memory_space<vmem>>
    %dma_start3A_127 = tpu.memref_squeeze %dma_start3A_126 : memref<1x1x5x128xi32, #tpu.memory_space<vmem>> -> memref<5x128xi32, #tpu.memory_space<vmem>>
    %dma_start3A_128 = arith.constant 0 : i32
    %dma_start3A_129 = arith.constant 0 : i32
    %dma_start3A_130 = arith.constant 0 : i32
    %dma_start3A_131 = tpu.memref_slice %arg4[%arg1, %dma_start3A_128, %dma_start3A_129, %dma_start3A_130] : memref<16x32x5x128xi32, #tpu.memory_space<hbm>> -> memref<1x32x5x128xi32, #tpu.memory_space<hbm>>
    %dma_start3A_132 = tpu.memref_squeeze %dma_start3A_131 : memref<1x32x5x128xi32, #tpu.memory_space<hbm>> -> memref<32x5x128xi32, #tpu.memory_space<hbm>>
    %dma_start3A_133 = arith.constant 0 : i32
    %dma_start3A_134 = arith.constant 0 : i32
    %dma_start3A_135 = tpu.memref_slice %dma_start3A_132[%dma_start3A_121, %dma_start3A_133, %dma_start3A_134] : memref<32x5x128xi32, #tpu.memory_space<hbm>> -> memref<1x5x128xi32, #tpu.memory_space<hbm>>
    %dma_start3A_136 = tpu.memref_squeeze %dma_start3A_135 : memref<1x5x128xi32, #tpu.memory_space<hbm>> -> memref<5x128xi32, #tpu.memory_space<hbm>>
    %dma_start3A_137 = arith.constant 0 : i32
    %dma_start3A_138 = arith.constant 0 : i32
    %dma_start3A_139 = tpu.memref_slice %arg6[%dma_start3A_122, %dma_start3A_123, %dma_start3A_137, %dma_start3A_138] : memref<2x2x5x128xi32, #tpu.memory_space<vmem>> -> memref<1x1x5x128xi32, #tpu.memory_space<vmem>>
    %dma_start3A_140 = tpu.memref_squeeze %dma_start3A_139 : memref<1x1x5x128xi32, #tpu.memory_space<vmem>> -> memref<5x128xi32, #tpu.memory_space<vmem>>
    %dma_start3A_141 = arith.constant 0 : i32
    %dma_start3A_142 = arith.constant 0 : i32
    %dma_start3A_143 = arith.constant 0 : i32
    %dma_start3A_144 = tpu.memref_slice %arg4[%arg1, %dma_start3A_141, %dma_start3A_142, %dma_start3A_143] : memref<16x32x5x128xi32, #tpu.memory_space<hbm>> -> memref<1x32x5x128xi32, #tpu.memory_space<hbm>>
    %dma_start3A_145 = tpu.memref_squeeze %dma_start3A_144 : memref<1x32x5x128xi32, #tpu.memory_space<hbm>> -> memref<32x5x128xi32, #tpu.memory_space<hbm>>
    %dma_start3A_146 = arith.constant 0 : i32
    %dma_start3A_147 = arith.constant 0 : i32
    %dma_start3A_148 = tpu.memref_slice %dma_start3A_145[%dma_start3A_121, %dma_start3A_146, %dma_start3A_147] : memref<32x5x128xi32, #tpu.memory_space<hbm>> -> memref<1x5x128xi32, #tpu.memory_space<hbm>>
    %dma_start3A_149 = tpu.memref_squeeze %dma_start3A_148 : memref<1x5x128xi32, #tpu.memory_space<hbm>> -> memref<5x128xi32, #tpu.memory_space<hbm>>
    tpu.enqueue_dma source(%dma_start3A_149 : memref<5x128xi32, #tpu.memory_space<hbm>>) target(%dma_start3A_140 : memref<5x128xi32, #tpu.memory_space<vmem>>) target_semaphore(%arg12 : memref<!tpu.dma_semaphore, #tpu.memory_space<semaphore_mem>>)
    %scan3A = arith.constant 0 : i32
    %scan3A_150 = arith.constant 0 : i32
    %scan3A_151 = arith.constant 32 : i32
    %scan3A_152 = arith.addi %scan3A_150, %scan3A_151 : i32
    %scan3A_153 = arith.constant 1 : i32
    scf.for %scan3A_156 = %scan3A_150 to %scan3A_152 step %scan3A_153  : i32 {
      %rem3A = arith.constant 2 : i32
      %rem3A_157 = arith.remsi %scan3A_156, %rem3A : i32
      %dma_wait3A = arith.constant 0 : i32
      %dma_wait3A_158 = arith.constant 0 : i32
      %dma_wait3A_159 = arith.constant 0 : i32
      %dma_wait3A_160 = arith.constant 0 : i32
      %dma_wait3A_161 = arith.constant 0 : i32
      %dma_wait3A_162 = arith.constant 0 : i32
      %dma_wait3A_163 = tpu.memref_slice %arg7[%dma_wait3A_159, %dma_wait3A_161, %dma_wait3A_162] : memref<5x128x64xf32, #tpu.memory_space<vmem>> -> memref<1x128x64xf32, #tpu.memory_space<vmem>>
      %dma_wait3A_164 = tpu.memref_squeeze %dma_wait3A_163 : memref<1x128x64xf32, #tpu.memory_space<vmem>> -> memref<128x64xf32, #tpu.memory_space<vmem>>
      %dma_wait3A_165 = arith.constant 0 : i32
      %dma_wait3A_166 = tpu.memref_slice %arg6[%rem3A_157, %dma_wait3A, %dma_wait3A_158, %dma_wait3A_165] : memref<2x2x5x128xi32, #tpu.memory_space<vmem>> -> memref<1x1x1x128xi32, #tpu.memory_space<vmem>>
      %dma_wait3A_167 = tpu.memref_squeeze %dma_wait3A_166 : memref<1x1x1x128xi32, #tpu.memory_space<vmem>> -> memref<128xi32, #tpu.memory_space<vmem>>
      %dma_wait3A_168 = arith.constant 0 : i32
      %dma_wait3A_169 = arith.constant 0 : i32
      %dma_wait3A_170 = tpu.memref_slice %arg8[%dma_wait3A_168, %dma_wait3A_169] : memref<10240x64xf32, #tpu.memory_space<vmem_shared>> -> memref<10240x64xf32, #tpu.memory_space<vmem_shared>>
      %dma_wait3A_171 = tpu.memref_slice %arg10[%dma_wait3A_160] : memref<5x!tpu.dma_semaphore, #tpu.memory_space<semaphore_mem>> -> memref<1x!tpu.dma_semaphore, #tpu.memory_space<semaphore_mem>>
      %dma_wait3A_172 = tpu.memref_squeeze %dma_wait3A_171 : memref<1x!tpu.dma_semaphore, #tpu.memory_space<semaphore_mem>> -> memref<!tpu.dma_semaphore, #tpu.memory_space<semaphore_mem>>
      tpu.wait_indirect_dma semaphore(%dma_wait3A_172 : memref<!tpu.dma_semaphore, #tpu.memory_space<semaphore_mem>>) src(%dma_wait3A_170 : memref<10240x64xf32, #tpu.memory_space<vmem_shared>>) dst(%dma_wait3A_164 : memref<128x64xf32, #tpu.memory_space<vmem>>)
      %dma_start3A_173 = arith.constant 0 : i32
      %dma_start3A_174 = arith.constant 1 : i32
      %dma_start3A_175 = arith.constant 0 : i32
      %dma_start3A_176 = arith.constant 0 : i32
      %dma_start3A_177 = arith.constant 0 : i32
      %dma_start3A_178 = arith.constant 0 : i32
      %dma_start3A_179 = tpu.memref_slice %arg7[%dma_start3A_173, %dma_start3A_177, %dma_start3A_178] : memref<5x128x64xf32, #tpu.memory_space<vmem>> -> memref<1x128x64xf32, #tpu.memory_space<vmem>>
      %dma_start3A_180 = tpu.memref_squeeze %dma_start3A_179 : memref<1x128x64xf32, #tpu.memory_space<vmem>> -> memref<128x64xf32, #tpu.memory_space<vmem>>
      %dma_start3A_181 = arith.constant 0 : i32
      %dma_start3A_182 = tpu.memref_slice %arg6[%rem3A_157, %dma_start3A_174, %dma_start3A_175, %dma_start3A_181] : memref<2x2x5x128xi32, #tpu.memory_space<vmem>> -> memref<1x1x1x128xi32, #tpu.memory_space<vmem>>
      %dma_start3A_183 = tpu.memref_squeeze %dma_start3A_182 : memref<1x1x1x128xi32, #tpu.memory_space<vmem>> -> memref<128xi32, #tpu.memory_space<vmem>>
      %dma_start3A_184 = arith.constant 0 : i32
      %dma_start3A_185 = arith.constant 0 : i32
      %dma_start3A_186 = tpu.memref_slice %arg9[%dma_start3A_184, %dma_start3A_185] : memref<10240x64xf32, #tpu.memory_space<vmem_shared>> -> memref<10240x64xf32, #tpu.memory_space<vmem_shared>>
      %dma_start3A_187 = tpu.memref_slice %arg11[%dma_start3A_176] : memref<5x!tpu.dma_semaphore, #tpu.memory_space<semaphore_mem>> -> memref<1x!tpu.dma_semaphore, #tpu.memory_space<semaphore_mem>>
      %dma_start3A_188 = tpu.memref_squeeze %dma_start3A_187 : memref<1x!tpu.dma_semaphore, #tpu.memory_space<semaphore_mem>> -> memref<!tpu.dma_semaphore, #tpu.memory_space<semaphore_mem>>
      tpu.enqueue_indirect_dma source(%dma_start3A_180 : memref<128x64xf32, #tpu.memory_space<vmem>>) target(%dma_start3A_186 : memref<10240x64xf32, #tpu.memory_space<vmem_shared>>) offsets(%dma_start3A_183 : memref<128xi32, #tpu.memory_space<vmem>>) semaphore(%dma_start3A_188 : memref<!tpu.dma_semaphore, #tpu.memory_space<semaphore_mem>>) {add = true}
      %dma_wait3A_189 = arith.constant 0 : i32
      %dma_wait3A_190 = arith.constant 1 : i32
      %dma_wait3A_191 = arith.constant 1 : i32
      %dma_wait3A_192 = arith.constant 1 : i32
      %dma_wait3A_193 = arith.constant 0 : i32
      %dma_wait3A_194 = arith.constant 0 : i32
      %dma_wait3A_195 = tpu.memref_slice %arg7[%dma_wait3A_191, %dma_wait3A_193, %dma_wait3A_194] : memref<5x128x64xf32, #tpu.memory_space<vmem>> -> memref<1x128x64xf32, #tpu.memory_space<vmem>>
      %dma_wait3A_196 = tpu.memref_squeeze %dma_wait3A_195 : memref<1x128x64xf32, #tpu.memory_space<vmem>> -> memref<128x64xf32, #tpu.memory_space<vmem>>
      %dma_wait3A_197 = arith.constant 0 : i32
      %dma_wait3A_198 = tpu.memref_slice %arg6[%rem3A_157, %dma_wait3A_189, %dma_wait3A_190, %dma_wait3A_197] : memref<2x2x5x128xi32, #tpu.memory_space<vmem>> -> memref<1x1x1x128xi32, #tpu.memory_space<vmem>>
      %dma_wait3A_199 = tpu.memref_squeeze %dma_wait3A_198 : memref<1x1x1x128xi32, #tpu.memory_space<vmem>> -> memref<128xi32, #tpu.memory_space<vmem>>
      %dma_wait3A_200 = arith.constant 0 : i32
      %dma_wait3A_201 = arith.constant 0 : i32
      %dma_wait3A_202 = tpu.memref_slice %arg8[%dma_wait3A_200, %dma_wait3A_201] : memref<10240x64xf32, #tpu.memory_space<vmem_shared>> -> memref<10240x64xf32, #tpu.memory_space<vmem_shared>>
      %dma_wait3A_203 = tpu.memref_slice %arg10[%dma_wait3A_192] : memref<5x!tpu.dma_semaphore, #tpu.memory_space<semaphore_mem>> -> memref<1x!tpu.dma_semaphore, #tpu.memory_space<semaphore_mem>>
      %dma_wait3A_204 = tpu.memref_squeeze %dma_wait3A_203 : memref<1x!tpu.dma_semaphore, #tpu.memory_space<semaphore_mem>> -> memref<!tpu.dma_semaphore, #tpu.memory_space<semaphore_mem>>
      tpu.wait_indirect_dma semaphore(%dma_wait3A_204 : memref<!tpu.dma_semaphore, #tpu.memory_space<semaphore_mem>>) src(%dma_wait3A_202 : memref<10240x64xf32, #tpu.memory_space<vmem_shared>>) dst(%dma_wait3A_196 : memref<128x64xf32, #tpu.memory_space<vmem>>)
      %dma_start3A_205 = arith.constant 1 : i32
      %dma_start3A_206 = arith.constant 1 : i32
      %dma_start3A_207 = arith.constant 1 : i32
      %dma_start3A_208 = arith.constant 1 : i32
      %dma_start3A_209 = arith.constant 0 : i32
      %dma_start3A_210 = arith.constant 0 : i32
      %dma_start3A_211 = tpu.memref_slice %arg7[%dma_start3A_205, %dma_start3A_209, %dma_start3A_210] : memref<5x128x64xf32, #tpu.memory_space<vmem>> -> memref<1x128x64xf32, #tpu.memory_space<vmem>>
      %dma_start3A_212 = tpu.memref_squeeze %dma_start3A_211 : memref<1x128x64xf32, #tpu.memory_space<vmem>> -> memref<128x64xf32, #tpu.memory_space<vmem>>
      %dma_start3A_213 = arith.constant 0 : i32
      %dma_start3A_214 = tpu.memref_slice %arg6[%rem3A_157, %dma_start3A_206, %dma_start3A_207, %dma_start3A_213] : memref<2x2x5x128xi32, #tpu.memory_space<vmem>> -> memref<1x1x1x128xi32, #tpu.memory_space<vmem>>
      %dma_start3A_215 = tpu.memref_squeeze %dma_start3A_214 : memref<1x1x1x128xi32, #tpu.memory_space<vmem>> -> memref<128xi32, #tpu.memory_space<vmem>>
      %dma_start3A_216 = arith.constant 0 : i32
      %dma_start3A_217 = arith.constant 0 : i32
      %dma_start3A_218 = tpu.memref_slice %arg9[%dma_start3A_216, %dma_start3A_217] : memref<10240x64xf32, #tpu.memory_space<vmem_shared>> -> memref<10240x64xf32, #tpu.memory_space<vmem_shared>>
      %dma_start3A_219 = tpu.memref_slice %arg11[%dma_start3A_208] : memref<5x!tpu.dma_semaphore, #tpu.memory_space<semaphore_mem>> -> memref<1x!tpu.dma_semaphore, #tpu.memory_space<semaphore_mem>>
      %dma_start3A_220 = tpu.memref_squeeze %dma_start3A_219 : memref<1x!tpu.dma_semaphore, #tpu.memory_space<semaphore_mem>> -> memref<!tpu.dma_semaphore, #tpu.memory_space<semaphore_mem>>
      tpu.enqueue_indirect_dma source(%dma_start3A_212 : memref<128x64xf32, #tpu.memory_space<vmem>>) target(%dma_start3A_218 : memref<10240x64xf32, #tpu.memory_space<vmem_shared>>) offsets(%dma_start3A_215 : memref<128xi32, #tpu.memory_space<vmem>>) semaphore(%dma_start3A_220 : memref<!tpu.dma_semaphore, #tpu.memory_space<semaphore_mem>>) {add = true}
      %dma_wait3A_221 = arith.constant 0 : i32
      %dma_wait3A_222 = arith.constant 2 : i32
      %dma_wait3A_223 = arith.constant 2 : i32
      %dma_wait3A_224 = arith.constant 2 : i32
      %dma_wait3A_225 = arith.constant 0 : i32
      %dma_wait3A_226 = arith.constant 0 : i32
      %dma_wait3A_227 = tpu.memref_slice %arg7[%dma_wait3A_223, %dma_wait3A_225, %dma_wait3A_226] : memref<5x128x64xf32, #tpu.memory_space<vmem>> -> memref<1x128x64xf32, #tpu.memory_space<vmem>>
      %dma_wait3A_228 = tpu.memref_squeeze %dma_wait3A_227 : memref<1x128x64xf32, #tpu.memory_space<vmem>> -> memref<128x64xf32, #tpu.memory_space<vmem>>
      %dma_wait3A_229 = arith.constant 0 : i32
      %dma_wait3A_230 = tpu.memref_slice %arg6[%rem3A_157, %dma_wait3A_221, %dma_wait3A_222, %dma_wait3A_229] : memref<2x2x5x128xi32, #tpu.memory_space<vmem>> -> memref<1x1x1x128xi32, #tpu.memory_space<vmem>>
      %dma_wait3A_231 = tpu.memref_squeeze %dma_wait3A_230 : memref<1x1x1x128xi32, #tpu.memory_space<vmem>> -> memref<128xi32, #tpu.memory_space<vmem>>
      %dma_wait3A_232 = arith.constant 0 : i32
      %dma_wait3A_233 = arith.constant 0 : i32
      %dma_wait3A_234 = tpu.memref_slice %arg8[%dma_wait3A_232, %dma_wait3A_233] : memref<10240x64xf32, #tpu.memory_space<vmem_shared>> -> memref<10240x64xf32, #tpu.memory_space<vmem_shared>>
      %dma_wait3A_235 = tpu.memref_slice %arg10[%dma_wait3A_224] : memref<5x!tpu.dma_semaphore, #tpu.memory_space<semaphore_mem>> -> memref<1x!tpu.dma_semaphore, #tpu.memory_space<semaphore_mem>>
      %dma_wait3A_236 = tpu.memref_squeeze %dma_wait3A_235 : memref<1x!tpu.dma_semaphore, #tpu.memory_space<semaphore_mem>> -> memref<!tpu.dma_semaphore, #tpu.memory_space<semaphore_mem>>
      tpu.wait_indirect_dma semaphore(%dma_wait3A_236 : memref<!tpu.dma_semaphore, #tpu.memory_space<semaphore_mem>>) src(%dma_wait3A_234 : memref<10240x64xf32, #tpu.memory_space<vmem_shared>>) dst(%dma_wait3A_228 : memref<128x64xf32, #tpu.memory_space<vmem>>)
      %dma_start3A_237 = arith.constant 2 : i32
      %dma_start3A_238 = arith.constant 1 : i32
      %dma_start3A_239 = arith.constant 2 : i32
      %dma_start3A_240 = arith.constant 2 : i32
      %dma_start3A_241 = arith.constant 0 : i32
      %dma_start3A_242 = arith.constant 0 : i32
      %dma_start3A_243 = tpu.memref_slice %arg7[%dma_start3A_237, %dma_start3A_241, %dma_start3A_242] : memref<5x128x64xf32, #tpu.memory_space<vmem>> -> memref<1x128x64xf32, #tpu.memory_space<vmem>>
      %dma_start3A_244 = tpu.memref_squeeze %dma_start3A_243 : memref<1x128x64xf32, #tpu.memory_space<vmem>> -> memref<128x64xf32, #tpu.memory_space<vmem>>
      %dma_start3A_245 = arith.constant 0 : i32
      %dma_start3A_246 = tpu.memref_slice %arg6[%rem3A_157, %dma_start3A_238, %dma_start3A_239, %dma_start3A_245] : memref<2x2x5x128xi32, #tpu.memory_space<vmem>> -> memref<1x1x1x128xi32, #tpu.memory_space<vmem>>
      %dma_start3A_247 = tpu.memref_squeeze %dma_start3A_246 : memref<1x1x1x128xi32, #tpu.memory_space<vmem>> -> memref<128xi32, #tpu.memory_space<vmem>>
      %dma_start3A_248 = arith.constant 0 : i32
      %dma_start3A_249 = arith.constant 0 : i32
      %dma_start3A_250 = tpu.memref_slice %arg9[%dma_start3A_248, %dma_start3A_249] : memref<10240x64xf32, #tpu.memory_space<vmem_shared>> -> memref<10240x64xf32, #tpu.memory_space<vmem_shared>>
      %dma_start3A_251 = tpu.memref_slice %arg11[%dma_start3A_240] : memref<5x!tpu.dma_semaphore, #tpu.memory_space<semaphore_mem>> -> memref<1x!tpu.dma_semaphore, #tpu.memory_space<semaphore_mem>>
      %dma_start3A_252 = tpu.memref_squeeze %dma_start3A_251 : memref<1x!tpu.dma_semaphore, #tpu.memory_space<semaphore_mem>> -> memref<!tpu.dma_semaphore, #tpu.memory_space<semaphore_mem>>
      tpu.enqueue_indirect_dma source(%dma_start3A_244 : memref<128x64xf32, #tpu.memory_space<vmem>>) target(%dma_start3A_250 : memref<10240x64xf32, #tpu.memory_space<vmem_shared>>) offsets(%dma_start3A_247 : memref<128xi32, #tpu.memory_space<vmem>>) semaphore(%dma_start3A_252 : memref<!tpu.dma_semaphore, #tpu.memory_space<semaphore_mem>>) {add = true}
      %dma_wait3A_253 = arith.constant 0 : i32
      %dma_wait3A_254 = arith.constant 3 : i32
      %dma_wait3A_255 = arith.constant 3 : i32
      %dma_wait3A_256 = arith.constant 3 : i32
      %dma_wait3A_257 = arith.constant 0 : i32
      %dma_wait3A_258 = arith.constant 0 : i32
      %dma_wait3A_259 = tpu.memref_slice %arg7[%dma_wait3A_255, %dma_wait3A_257, %dma_wait3A_258] : memref<5x128x64xf32, #tpu.memory_space<vmem>> -> memref<1x128x64xf32, #tpu.memory_space<vmem>>
      %dma_wait3A_260 = tpu.memref_squeeze %dma_wait3A_259 : memref<1x128x64xf32, #tpu.memory_space<vmem>> -> memref<128x64xf32, #tpu.memory_space<vmem>>
      %dma_wait3A_261 = arith.constant 0 : i32
      %dma_wait3A_262 = tpu.memref_slice %arg6[%rem3A_157, %dma_wait3A_253, %dma_wait3A_254, %dma_wait3A_261] : memref<2x2x5x128xi32, #tpu.memory_space<vmem>> -> memref<1x1x1x128xi32, #tpu.memory_space<vmem>>
      %dma_wait3A_263 = tpu.memref_squeeze %dma_wait3A_262 : memref<1x1x1x128xi32, #tpu.memory_space<vmem>> -> memref<128xi32, #tpu.memory_space<vmem>>
      %dma_wait3A_264 = arith.constant 0 : i32
      %dma_wait3A_265 = arith.constant 0 : i32
      %dma_wait3A_266 = tpu.memref_slice %arg8[%dma_wait3A_264, %dma_wait3A_265] : memref<10240x64xf32, #tpu.memory_space<vmem_shared>> -> memref<10240x64xf32, #tpu.memory_space<vmem_shared>>
      %dma_wait3A_267 = tpu.memref_slice %arg10[%dma_wait3A_256] : memref<5x!tpu.dma_semaphore, #tpu.memory_space<semaphore_mem>> -> memref<1x!tpu.dma_semaphore, #tpu.memory_space<semaphore_mem>>
      %dma_wait3A_268 = tpu.memref_squeeze %dma_wait3A_267 : memref<1x!tpu.dma_semaphore, #tpu.memory_space<semaphore_mem>> -> memref<!tpu.dma_semaphore, #tpu.memory_space<semaphore_mem>>
      tpu.wait_indirect_dma semaphore(%dma_wait3A_268 : memref<!tpu.dma_semaphore, #tpu.memory_space<semaphore_mem>>) src(%dma_wait3A_266 : memref<10240x64xf32, #tpu.memory_space<vmem_shared>>) dst(%dma_wait3A_260 : memref<128x64xf32, #tpu.memory_space<vmem>>)
      %dma_start3A_269 = arith.constant 3 : i32
      %dma_start3A_270 = arith.constant 1 : i32
      %dma_start3A_271 = arith.constant 3 : i32
      %dma_start3A_272 = arith.constant 3 : i32
      %dma_start3A_273 = arith.constant 0 : i32
      %dma_start3A_274 = arith.constant 0 : i32
      %dma_start3A_275 = tpu.memref_slice %arg7[%dma_start3A_269, %dma_start3A_273, %dma_start3A_274] : memref<5x128x64xf32, #tpu.memory_space<vmem>> -> memref<1x128x64xf32, #tpu.memory_space<vmem>>
      %dma_start3A_276 = tpu.memref_squeeze %dma_start3A_275 : memref<1x128x64xf32, #tpu.memory_space<vmem>> -> memref<128x64xf32, #tpu.memory_space<vmem>>
      %dma_start3A_277 = arith.constant 0 : i32
      %dma_start3A_278 = tpu.memref_slice %arg6[%rem3A_157, %dma_start3A_270, %dma_start3A_271, %dma_start3A_277] : memref<2x2x5x128xi32, #tpu.memory_space<vmem>> -> memref<1x1x1x128xi32, #tpu.memory_space<vmem>>
      %dma_start3A_279 = tpu.memref_squeeze %dma_start3A_278 : memref<1x1x1x128xi32, #tpu.memory_space<vmem>> -> memref<128xi32, #tpu.memory_space<vmem>>
      %dma_start3A_280 = arith.constant 0 : i32
      %dma_start3A_281 = arith.constant 0 : i32
      %dma_start3A_282 = tpu.memref_slice %arg9[%dma_start3A_280, %dma_start3A_281] : memref<10240x64xf32, #tpu.memory_space<vmem_shared>> -> memref<10240x64xf32, #tpu.memory_space<vmem_shared>>
      %dma_start3A_283 = tpu.memref_slice %arg11[%dma_start3A_272] : memref<5x!tpu.dma_semaphore, #tpu.memory_space<semaphore_mem>> -> memref<1x!tpu.dma_semaphore, #tpu.memory_space<semaphore_mem>>
      %dma_start3A_284 = tpu.memref_squeeze %dma_start3A_283 : memref<1x!tpu.dma_semaphore, #tpu.memory_space<semaphore_mem>> -> memref<!tpu.dma_semaphore, #tpu.memory_space<semaphore_mem>>
      tpu.enqueue_indirect_dma source(%dma_start3A_276 : memref<128x64xf32, #tpu.memory_space<vmem>>) target(%dma_start3A_282 : memref<10240x64xf32, #tpu.memory_space<vmem_shared>>) offsets(%dma_start3A_279 : memref<128xi32, #tpu.memory_space<vmem>>) semaphore(%dma_start3A_284 : memref<!tpu.dma_semaphore, #tpu.memory_space<semaphore_mem>>) {add = true}
      %dma_wait3A_285 = arith.constant 0 : i32
      %dma_wait3A_286 = arith.constant 4 : i32
      %dma_wait3A_287 = arith.constant 4 : i32
      %dma_wait3A_288 = arith.constant 4 : i32
      %dma_wait3A_289 = arith.constant 0 : i32
      %dma_wait3A_290 = arith.constant 0 : i32
      %dma_wait3A_291 = tpu.memref_slice %arg7[%dma_wait3A_287, %dma_wait3A_289, %dma_wait3A_290] : memref<5x128x64xf32, #tpu.memory_space<vmem>> -> memref<1x128x64xf32, #tpu.memory_space<vmem>>
      %dma_wait3A_292 = tpu.memref_squeeze %dma_wait3A_291 : memref<1x128x64xf32, #tpu.memory_space<vmem>> -> memref<128x64xf32, #tpu.memory_space<vmem>>
      %dma_wait3A_293 = arith.constant 0 : i32
      %dma_wait3A_294 = tpu.memref_slice %arg6[%rem3A_157, %dma_wait3A_285, %dma_wait3A_286, %dma_wait3A_293] : memref<2x2x5x128xi32, #tpu.memory_space<vmem>> -> memref<1x1x1x128xi32, #tpu.memory_space<vmem>>
      %dma_wait3A_295 = tpu.memref_squeeze %dma_wait3A_294 : memref<1x1x1x128xi32, #tpu.memory_space<vmem>> -> memref<128xi32, #tpu.memory_space<vmem>>
      %dma_wait3A_296 = arith.constant 0 : i32
      %dma_wait3A_297 = arith.constant 0 : i32
      %dma_wait3A_298 = tpu.memref_slice %arg8[%dma_wait3A_296, %dma_wait3A_297] : memref<10240x64xf32, #tpu.memory_space<vmem_shared>> -> memref<10240x64xf32, #tpu.memory_space<vmem_shared>>
      %dma_wait3A_299 = tpu.memref_slice %arg10[%dma_wait3A_288] : memref<5x!tpu.dma_semaphore, #tpu.memory_space<semaphore_mem>> -> memref<1x!tpu.dma_semaphore, #tpu.memory_space<semaphore_mem>>
      %dma_wait3A_300 = tpu.memref_squeeze %dma_wait3A_299 : memref<1x!tpu.dma_semaphore, #tpu.memory_space<semaphore_mem>> -> memref<!tpu.dma_semaphore, #tpu.memory_space<semaphore_mem>>
      tpu.wait_indirect_dma semaphore(%dma_wait3A_300 : memref<!tpu.dma_semaphore, #tpu.memory_space<semaphore_mem>>) src(%dma_wait3A_298 : memref<10240x64xf32, #tpu.memory_space<vmem_shared>>) dst(%dma_wait3A_292 : memref<128x64xf32, #tpu.memory_space<vmem>>)
      %dma_start3A_301 = arith.constant 4 : i32
      %dma_start3A_302 = arith.constant 1 : i32
      %dma_start3A_303 = arith.constant 4 : i32
      %dma_start3A_304 = arith.constant 4 : i32
      %dma_start3A_305 = arith.constant 0 : i32
      %dma_start3A_306 = arith.constant 0 : i32
      %dma_start3A_307 = tpu.memref_slice %arg7[%dma_start3A_301, %dma_start3A_305, %dma_start3A_306] : memref<5x128x64xf32, #tpu.memory_space<vmem>> -> memref<1x128x64xf32, #tpu.memory_space<vmem>>
      %dma_start3A_308 = tpu.memref_squeeze %dma_start3A_307 : memref<1x128x64xf32, #tpu.memory_space<vmem>> -> memref<128x64xf32, #tpu.memory_space<vmem>>
      %dma_start3A_309 = arith.constant 0 : i32
      %dma_start3A_310 = tpu.memref_slice %arg6[%rem3A_157, %dma_start3A_302, %dma_start3A_303, %dma_start3A_309] : memref<2x2x5x128xi32, #tpu.memory_space<vmem>> -> memref<1x1x1x128xi32, #tpu.memory_space<vmem>>
      %dma_start3A_311 = tpu.memref_squeeze %dma_start3A_310 : memref<1x1x1x128xi32, #tpu.memory_space<vmem>> -> memref<128xi32, #tpu.memory_space<vmem>>
      %dma_start3A_312 = arith.constant 0 : i32
      %dma_start3A_313 = arith.constant 0 : i32
      %dma_start3A_314 = tpu.memref_slice %arg9[%dma_start3A_312, %dma_start3A_313] : memref<10240x64xf32, #tpu.memory_space<vmem_shared>> -> memref<10240x64xf32, #tpu.memory_space<vmem_shared>>
      %dma_start3A_315 = tpu.memref_slice %arg11[%dma_start3A_304] : memref<5x!tpu.dma_semaphore, #tpu.memory_space<semaphore_mem>> -> memref<1x!tpu.dma_semaphore, #tpu.memory_space<semaphore_mem>>
      %dma_start3A_316 = tpu.memref_squeeze %dma_start3A_315 : memref<1x!tpu.dma_semaphore, #tpu.memory_space<semaphore_mem>> -> memref<!tpu.dma_semaphore, #tpu.memory_space<semaphore_mem>>
      tpu.enqueue_indirect_dma source(%dma_start3A_308 : memref<128x64xf32, #tpu.memory_space<vmem>>) target(%dma_start3A_314 : memref<10240x64xf32, #tpu.memory_space<vmem_shared>>) offsets(%dma_start3A_311 : memref<128xi32, #tpu.memory_space<vmem>>) semaphore(%dma_start3A_316 : memref<!tpu.dma_semaphore, #tpu.memory_space<semaphore_mem>>) {add = true}
      %lt3A = arith.constant 31 : i32
      %lt3A_317 = arith.cmpi slt, %scan3A_156, %lt3A : i32
      %convert_element_type3A = arith.extui %lt3A_317 : i1 to i32
      %cond3A = arith.constant 0 : i32
      %cond3A_318 = arith.cmpi ne, %convert_element_type3A, %cond3A : i32
      scf.if %cond3A_318 {
        %add3A = arith.constant 1 : i32
        %add3A_429 = arith.addi %scan3A_156, %add3A : i32
        %sub3A = arith.constant 1 : i32
        %sub3A_430 = arith.subi %sub3A, %rem3A_157 : i32
        %dma_wait3A_431 = arith.constant 0 : i32
        %dma_wait3A_432 = arith.constant 0 : i32
        %dma_wait3A_433 = arith.constant 0 : i32
        %dma_wait3A_434 = tpu.memref_slice %arg6[%sub3A_430, %dma_wait3A_431, %dma_wait3A_432, %dma_wait3A_433] : memref<2x2x5x128xi32, #tpu.memory_space<vmem>> -> memref<1x1x5x128xi32, #tpu.memory_space<vmem>>
        %dma_wait3A_435 = tpu.memref_squeeze %dma_wait3A_434 : memref<1x1x5x128xi32, #tpu.memory_space<vmem>> -> memref<5x128xi32, #tpu.memory_space<vmem>>
        %dma_wait3A_436 = arith.constant 0 : i32
        %dma_wait3A_437 = arith.constant 0 : i32
        %dma_wait3A_438 = arith.constant 0 : i32
        %dma_wait3A_439 = tpu.memref_slice %arg3[%arg1, %dma_wait3A_436, %dma_wait3A_437, %dma_wait3A_438] : memref<16x32x5x128xi32, #tpu.memory_space<hbm>> -> memref<1x32x5x128xi32, #tpu.memory_space<hbm>>
        %dma_wait3A_440 = tpu.memref_squeeze %dma_wait3A_439 : memref<1x32x5x128xi32, #tpu.memory_space<hbm>> -> memref<32x5x128xi32, #tpu.memory_space<hbm>>
        %dma_wait3A_441 = arith.constant 0 : i32
        %dma_wait3A_442 = arith.constant 0 : i32
        %dma_wait3A_443 = tpu.memref_slice %dma_wait3A_440[%add3A_429, %dma_wait3A_441, %dma_wait3A_442] : memref<32x5x128xi32, #tpu.memory_space<hbm>> -> memref<1x5x128xi32, #tpu.memory_space<hbm>>
        %dma_wait3A_444 = tpu.memref_squeeze %dma_wait3A_443 : memref<1x5x128xi32, #tpu.memory_space<hbm>> -> memref<5x128xi32, #tpu.memory_space<hbm>>
        %dma_wait3A_445 = arith.constant 0 : i32
        %dma_wait3A_446 = arith.constant 0 : i32
        %dma_wait3A_447 = tpu.memref_slice %arg6[%sub3A_430, %dma_wait3A_431, %dma_wait3A_445, %dma_wait3A_446] : memref<2x2x5x128xi32, #tpu.memory_space<vmem>> -> memref<1x1x5x128xi32, #tpu.memory_space<vmem>>
        %dma_wait3A_448 = tpu.memref_squeeze %dma_wait3A_447 : memref<1x1x5x128xi32, #tpu.memory_space<vmem>> -> memref<5x128xi32, #tpu.memory_space<vmem>>
        %dma_wait3A_449 = arith.constant 0 : i32
        %dma_wait3A_450 = arith.constant 0 : i32
        %dma_wait3A_451 = arith.constant 0 : i32
        %dma_wait3A_452 = tpu.memref_slice %arg3[%arg1, %dma_wait3A_449, %dma_wait3A_450, %dma_wait3A_451] : memref<16x32x5x128xi32, #tpu.memory_space<hbm>> -> memref<1x32x5x128xi32, #tpu.memory_space<hbm>>
        %dma_wait3A_453 = tpu.memref_squeeze %dma_wait3A_452 : memref<1x32x5x128xi32, #tpu.memory_space<hbm>> -> memref<32x5x128xi32, #tpu.memory_space<hbm>>
        %dma_wait3A_454 = arith.constant 0 : i32
        %dma_wait3A_455 = arith.constant 0 : i32
        %dma_wait3A_456 = tpu.memref_slice %dma_wait3A_453[%add3A_429, %dma_wait3A_454, %dma_wait3A_455] : memref<32x5x128xi32, #tpu.memory_space<hbm>> -> memref<1x5x128xi32, #tpu.memory_space<hbm>>
        %dma_wait3A_457 = tpu.memref_squeeze %dma_wait3A_456 : memref<1x5x128xi32, #tpu.memory_space<hbm>> -> memref<5x128xi32, #tpu.memory_space<hbm>>
        tpu.wait_dma2 semaphore(%arg12 : memref<!tpu.dma_semaphore, #tpu.memory_space<semaphore_mem>>) src(%dma_wait3A_457 : memref<5x128xi32, #tpu.memory_space<hbm>>) dst(%dma_wait3A_448 : memref<5x128xi32, #tpu.memory_space<vmem>>)
        %add3A_458 = arith.constant 1 : i32
        %add3A_459 = arith.addi %scan3A_156, %add3A_458 : i32
        %sub3A_460 = arith.constant 1 : i32
        %sub3A_461 = arith.subi %sub3A_460, %rem3A_157 : i32
        %dma_wait3A_462 = arith.constant 1 : i32
        %dma_wait3A_463 = arith.constant 0 : i32
        %dma_wait3A_464 = arith.constant 0 : i32
        %dma_wait3A_465 = tpu.memref_slice %arg6[%sub3A_461, %dma_wait3A_462, %dma_wait3A_463, %dma_wait3A_464] : memref<2x2x5x128xi32, #tpu.memory_space<vmem>> -> memref<1x1x5x128xi32, #tpu.memory_space<vmem>>
        %dma_wait3A_466 = tpu.memref_squeeze %dma_wait3A_465 : memref<1x1x5x128xi32, #tpu.memory_space<vmem>> -> memref<5x128xi32, #tpu.memory_space<vmem>>
        %dma_wait3A_467 = arith.constant 0 : i32
        %dma_wait3A_468 = arith.constant 0 : i32
        %dma_wait3A_469 = arith.constant 0 : i32
        %dma_wait3A_470 = tpu.memref_slice %arg4[%arg1, %dma_wait3A_467, %dma_wait3A_468, %dma_wait3A_469] : memref<16x32x5x128xi32, #tpu.memory_space<hbm>> -> memref<1x32x5x128xi32, #tpu.memory_space<hbm>>
        %dma_wait3A_471 = tpu.memref_squeeze %dma_wait3A_470 : memref<1x32x5x128xi32, #tpu.memory_space<hbm>> -> memref<32x5x128xi32, #tpu.memory_space<hbm>>
        %dma_wait3A_472 = arith.constant 0 : i32
        %dma_wait3A_473 = arith.constant 0 : i32
        %dma_wait3A_474 = tpu.memref_slice %dma_wait3A_471[%add3A_459, %dma_wait3A_472, %dma_wait3A_473] : memref<32x5x128xi32, #tpu.memory_space<hbm>> -> memref<1x5x128xi32, #tpu.memory_space<hbm>>
        %dma_wait3A_475 = tpu.memref_squeeze %dma_wait3A_474 : memref<1x5x128xi32, #tpu.memory_space<hbm>> -> memref<5x128xi32, #tpu.memory_space<hbm>>
        %dma_wait3A_476 = arith.constant 0 : i32
        %dma_wait3A_477 = arith.constant 0 : i32
        %dma_wait3A_478 = tpu.memref_slice %arg6[%sub3A_461, %dma_wait3A_462, %dma_wait3A_476, %dma_wait3A_477] : memref<2x2x5x128xi32, #tpu.memory_space<vmem>> -> memref<1x1x5x128xi32, #tpu.memory_space<vmem>>
        %dma_wait3A_479 = tpu.memref_squeeze %dma_wait3A_478 : memref<1x1x5x128xi32, #tpu.memory_space<vmem>> -> memref<5x128xi32, #tpu.memory_space<vmem>>
        %dma_wait3A_480 = arith.constant 0 : i32
        %dma_wait3A_481 = arith.constant 0 : i32
        %dma_wait3A_482 = arith.constant 0 : i32
        %dma_wait3A_483 = tpu.memref_slice %arg4[%arg1, %dma_wait3A_480, %dma_wait3A_481, %dma_wait3A_482] : memref<16x32x5x128xi32, #tpu.memory_space<hbm>> -> memref<1x32x5x128xi32, #tpu.memory_space<hbm>>
        %dma_wait3A_484 = tpu.memref_squeeze %dma_wait3A_483 : memref<1x32x5x128xi32, #tpu.memory_space<hbm>> -> memref<32x5x128xi32, #tpu.memory_space<hbm>>
        %dma_wait3A_485 = arith.constant 0 : i32
        %dma_wait3A_486 = arith.constant 0 : i32
        %dma_wait3A_487 = tpu.memref_slice %dma_wait3A_484[%add3A_459, %dma_wait3A_485, %dma_wait3A_486] : memref<32x5x128xi32, #tpu.memory_space<hbm>> -> memref<1x5x128xi32, #tpu.memory_space<hbm>>
        %dma_wait3A_488 = tpu.memref_squeeze %dma_wait3A_487 : memref<1x5x128xi32, #tpu.memory_space<hbm>> -> memref<5x128xi32, #tpu.memory_space<hbm>>
        tpu.wait_dma2 semaphore(%arg12 : memref<!tpu.dma_semaphore, #tpu.memory_space<semaphore_mem>>) src(%dma_wait3A_488 : memref<5x128xi32, #tpu.memory_space<hbm>>) dst(%dma_wait3A_479 : memref<5x128xi32, #tpu.memory_space<vmem>>)
      } else {
      }
      %dma_wait3A_319 = arith.constant 0 : i32
      %dma_wait3A_320 = arith.constant 1 : i32
      %dma_wait3A_321 = arith.constant 0 : i32
      %dma_wait3A_322 = arith.constant 0 : i32
      %dma_wait3A_323 = arith.constant 0 : i32
      %dma_wait3A_324 = arith.constant 0 : i32
      %dma_wait3A_325 = tpu.memref_slice %arg7[%dma_wait3A_319, %dma_wait3A_323, %dma_wait3A_324] : memref<5x128x64xf32, #tpu.memory_space<vmem>> -> memref<1x128x64xf32, #tpu.memory_space<vmem>>
      %dma_wait3A_326 = tpu.memref_squeeze %dma_wait3A_325 : memref<1x128x64xf32, #tpu.memory_space<vmem>> -> memref<128x64xf32, #tpu.memory_space<vmem>>
      %dma_wait3A_327 = arith.constant 0 : i32
      %dma_wait3A_328 = tpu.memref_slice %arg6[%rem3A_157, %dma_wait3A_320, %dma_wait3A_321, %dma_wait3A_327] : memref<2x2x5x128xi32, #tpu.memory_space<vmem>> -> memref<1x1x1x128xi32, #tpu.memory_space<vmem>>
      %dma_wait3A_329 = tpu.memref_squeeze %dma_wait3A_328 : memref<1x1x1x128xi32, #tpu.memory_space<vmem>> -> memref<128xi32, #tpu.memory_space<vmem>>
      %dma_wait3A_330 = arith.constant 0 : i32
      %dma_wait3A_331 = arith.constant 0 : i32
      %dma_wait3A_332 = tpu.memref_slice %arg9[%dma_wait3A_330, %dma_wait3A_331] : memref<10240x64xf32, #tpu.memory_space<vmem_shared>> -> memref<10240x64xf32, #tpu.memory_space<vmem_shared>>
      %dma_wait3A_333 = tpu.memref_slice %arg11[%dma_wait3A_322] : memref<5x!tpu.dma_semaphore, #tpu.memory_space<semaphore_mem>> -> memref<1x!tpu.dma_semaphore, #tpu.memory_space<semaphore_mem>>
      %dma_wait3A_334 = tpu.memref_squeeze %dma_wait3A_333 : memref<1x!tpu.dma_semaphore, #tpu.memory_space<semaphore_mem>> -> memref<!tpu.dma_semaphore, #tpu.memory_space<semaphore_mem>>
      tpu.wait_indirect_dma semaphore(%dma_wait3A_334 : memref<!tpu.dma_semaphore, #tpu.memory_space<semaphore_mem>>) src(%dma_wait3A_326 : memref<128x64xf32, #tpu.memory_space<vmem>>) dst(%dma_wait3A_332 : memref<10240x64xf32, #tpu.memory_space<vmem_shared>>)
      %lt3A_335 = arith.constant 31 : i32
      %lt3A_336 = arith.cmpi slt, %scan3A_156, %lt3A_335 : i32
      %convert_element_type3A_337 = arith.extui %lt3A_336 : i1 to i32
      %cond3A_338 = arith.constant 0 : i32
      %cond3A_339 = arith.cmpi ne, %convert_element_type3A_337, %cond3A_338 : i32
      scf.if %cond3A_339 {
        %sub3A = arith.constant 1 : i32
        %sub3A_429 = arith.subi %sub3A, %rem3A_157 : i32
        %dma_start3A_430 = arith.constant 0 : i32
        %dma_start3A_431 = arith.constant 0 : i32
        %dma_start3A_432 = arith.constant 0 : i32
        %dma_start3A_433 = arith.constant 0 : i32
        %dma_start3A_434 = arith.constant 0 : i32
        %dma_start3A_435 = arith.constant 0 : i32
        %dma_start3A_436 = tpu.memref_slice %arg7[%dma_start3A_432, %dma_start3A_434, %dma_start3A_435] : memref<5x128x64xf32, #tpu.memory_space<vmem>> -> memref<1x128x64xf32, #tpu.memory_space<vmem>>
        %dma_start3A_437 = tpu.memref_squeeze %dma_start3A_436 : memref<1x128x64xf32, #tpu.memory_space<vmem>> -> memref<128x64xf32, #tpu.memory_space<vmem>>
        %dma_start3A_438 = arith.constant 0 : i32
        %dma_start3A_439 = tpu.memref_slice %arg6[%sub3A_429, %dma_start3A_430, %dma_start3A_431, %dma_start3A_438] : memref<2x2x5x128xi32, #tpu.memory_space<vmem>> -> memref<1x1x1x128xi32, #tpu.memory_space<vmem>>
        %dma_start3A_440 = tpu.memref_squeeze %dma_start3A_439 : memref<1x1x1x128xi32, #tpu.memory_space<vmem>> -> memref<128xi32, #tpu.memory_space<vmem>>
        %dma_start3A_441 = arith.constant 0 : i32
        %dma_start3A_442 = arith.constant 0 : i32
        %dma_start3A_443 = tpu.memref_slice %arg8[%dma_start3A_441, %dma_start3A_442] : memref<10240x64xf32, #tpu.memory_space<vmem_shared>> -> memref<10240x64xf32, #tpu.memory_space<vmem_shared>>
        %dma_start3A_444 = tpu.memref_slice %arg10[%dma_start3A_433] : memref<5x!tpu.dma_semaphore, #tpu.memory_space<semaphore_mem>> -> memref<1x!tpu.dma_semaphore, #tpu.memory_space<semaphore_mem>>
        %dma_start3A_445 = tpu.memref_squeeze %dma_start3A_444 : memref<1x!tpu.dma_semaphore, #tpu.memory_space<semaphore_mem>> -> memref<!tpu.dma_semaphore, #tpu.memory_space<semaphore_mem>>
        tpu.enqueue_indirect_dma source(%dma_start3A_443 : memref<10240x64xf32, #tpu.memory_space<vmem_shared>>) target(%dma_start3A_437 : memref<128x64xf32, #tpu.memory_space<vmem>>) offsets(%dma_start3A_440 : memref<128xi32, #tpu.memory_space<vmem>>) semaphore(%dma_start3A_445 : memref<!tpu.dma_semaphore, #tpu.memory_space<semaphore_mem>>)
      } else {
      }
      %dma_wait3A_340 = arith.constant 1 : i32
      %dma_wait3A_341 = arith.constant 1 : i32
      %dma_wait3A_342 = arith.constant 1 : i32
      %dma_wait3A_343 = arith.constant 1 : i32
      %dma_wait3A_344 = arith.constant 0 : i32
      %dma_wait3A_345 = arith.constant 0 : i32
      %dma_wait3A_346 = tpu.memref_slice %arg7[%dma_wait3A_340, %dma_wait3A_344, %dma_wait3A_345] : memref<5x128x64xf32, #tpu.memory_space<vmem>> -> memref<1x128x64xf32, #tpu.memory_space<vmem>>
      %dma_wait3A_347 = tpu.memref_squeeze %dma_wait3A_346 : memref<1x128x64xf32, #tpu.memory_space<vmem>> -> memref<128x64xf32, #tpu.memory_space<vmem>>
      %dma_wait3A_348 = arith.constant 0 : i32
      %dma_wait3A_349 = tpu.memref_slice %arg6[%rem3A_157, %dma_wait3A_341, %dma_wait3A_342, %dma_wait3A_348] : memref<2x2x5x128xi32, #tpu.memory_space<vmem>> -> memref<1x1x1x128xi32, #tpu.memory_space<vmem>>
      %dma_wait3A_350 = tpu.memref_squeeze %dma_wait3A_349 : memref<1x1x1x128xi32, #tpu.memory_space<vmem>> -> memref<128xi32, #tpu.memory_space<vmem>>
      %dma_wait3A_351 = arith.constant 0 : i32
      %dma_wait3A_352 = arith.constant 0 : i32
      %dma_wait3A_353 = tpu.memref_slice %arg9[%dma_wait3A_351, %dma_wait3A_352] : memref<10240x64xf32, #tpu.memory_space<vmem_shared>> -> memref<10240x64xf32, #tpu.memory_space<vmem_shared>>
      %dma_wait3A_354 = tpu.memref_slice %arg11[%dma_wait3A_343] : memref<5x!tpu.dma_semaphore, #tpu.memory_space<semaphore_mem>> -> memref<1x!tpu.dma_semaphore, #tpu.memory_space<semaphore_mem>>
      %dma_wait3A_355 = tpu.memref_squeeze %dma_wait3A_354 : memref<1x!tpu.dma_semaphore, #tpu.memory_space<semaphore_mem>> -> memref<!tpu.dma_semaphore, #tpu.memory_space<semaphore_mem>>
      tpu.wait_indirect_dma semaphore(%dma_wait3A_355 : memref<!tpu.dma_semaphore, #tpu.memory_space<semaphore_mem>>) src(%dma_wait3A_347 : memref<128x64xf32, #tpu.memory_space<vmem>>) dst(%dma_wait3A_353 : memref<10240x64xf32, #tpu.memory_space<vmem_shared>>)
      %lt3A_356 = arith.constant 31 : i32
      %lt3A_357 = arith.cmpi slt, %scan3A_156, %lt3A_356 : i32
      %convert_element_type3A_358 = arith.extui %lt3A_357 : i1 to i32
      %cond3A_359 = arith.constant 0 : i32
      %cond3A_360 = arith.cmpi ne, %convert_element_type3A_358, %cond3A_359 : i32
      scf.if %cond3A_360 {
        %sub3A = arith.constant 1 : i32
        %sub3A_429 = arith.subi %sub3A, %rem3A_157 : i32
        %dma_start3A_430 = arith.constant 0 : i32
        %dma_start3A_431 = arith.constant 1 : i32
        %dma_start3A_432 = arith.constant 1 : i32
        %dma_start3A_433 = arith.constant 1 : i32
        %dma_start3A_434 = arith.constant 0 : i32
        %dma_start3A_435 = arith.constant 0 : i32
        %dma_start3A_436 = tpu.memref_slice %arg7[%dma_start3A_432, %dma_start3A_434, %dma_start3A_435] : memref<5x128x64xf32, #tpu.memory_space<vmem>> -> memref<1x128x64xf32, #tpu.memory_space<vmem>>
        %dma_start3A_437 = tpu.memref_squeeze %dma_start3A_436 : memref<1x128x64xf32, #tpu.memory_space<vmem>> -> memref<128x64xf32, #tpu.memory_space<vmem>>
        %dma_start3A_438 = arith.constant 0 : i32
        %dma_start3A_439 = tpu.memref_slice %arg6[%sub3A_429, %dma_start3A_430, %dma_start3A_431, %dma_start3A_438] : memref<2x2x5x128xi32, #tpu.memory_space<vmem>> -> memref<1x1x1x128xi32, #tpu.memory_space<vmem>>
        %dma_start3A_440 = tpu.memref_squeeze %dma_start3A_439 : memref<1x1x1x128xi32, #tpu.memory_space<vmem>> -> memref<128xi32, #tpu.memory_space<vmem>>
        %dma_start3A_441 = arith.constant 0 : i32
        %dma_start3A_442 = arith.constant 0 : i32
        %dma_start3A_443 = tpu.memref_slice %arg8[%dma_start3A_441, %dma_start3A_442] : memref<10240x64xf32, #tpu.memory_space<vmem_shared>> -> memref<10240x64xf32, #tpu.memory_space<vmem_shared>>
        %dma_start3A_444 = tpu.memref_slice %arg10[%dma_start3A_433] : memref<5x!tpu.dma_semaphore, #tpu.memory_space<semaphore_mem>> -> memref<1x!tpu.dma_semaphore, #tpu.memory_space<semaphore_mem>>
        %dma_start3A_445 = tpu.memref_squeeze %dma_start3A_444 : memref<1x!tpu.dma_semaphore, #tpu.memory_space<semaphore_mem>> -> memref<!tpu.dma_semaphore, #tpu.memory_space<semaphore_mem>>
        tpu.enqueue_indirect_dma source(%dma_start3A_443 : memref<10240x64xf32, #tpu.memory_space<vmem_shared>>) target(%dma_start3A_437 : memref<128x64xf32, #tpu.memory_space<vmem>>) offsets(%dma_start3A_440 : memref<128xi32, #tpu.memory_space<vmem>>) semaphore(%dma_start3A_445 : memref<!tpu.dma_semaphore, #tpu.memory_space<semaphore_mem>>)
      } else {
      }
      %dma_wait3A_361 = arith.constant 2 : i32
      %dma_wait3A_362 = arith.constant 1 : i32
      %dma_wait3A_363 = arith.constant 2 : i32
      %dma_wait3A_364 = arith.constant 2 : i32
      %dma_wait3A_365 = arith.constant 0 : i32
      %dma_wait3A_366 = arith.constant 0 : i32
      %dma_wait3A_367 = tpu.memref_slice %arg7[%dma_wait3A_361, %dma_wait3A_365, %dma_wait3A_366] : memref<5x128x64xf32, #tpu.memory_space<vmem>> -> memref<1x128x64xf32, #tpu.memory_space<vmem>>
      %dma_wait3A_368 = tpu.memref_squeeze %dma_wait3A_367 : memref<1x128x64xf32, #tpu.memory_space<vmem>> -> memref<128x64xf32, #tpu.memory_space<vmem>>
      %dma_wait3A_369 = arith.constant 0 : i32
      %dma_wait3A_370 = tpu.memref_slice %arg6[%rem3A_157, %dma_wait3A_362, %dma_wait3A_363, %dma_wait3A_369] : memref<2x2x5x128xi32, #tpu.memory_space<vmem>> -> memref<1x1x1x128xi32, #tpu.memory_space<vmem>>
      %dma_wait3A_371 = tpu.memref_squeeze %dma_wait3A_370 : memref<1x1x1x128xi32, #tpu.memory_space<vmem>> -> memref<128xi32, #tpu.memory_space<vmem>>
      %dma_wait3A_372 = arith.constant 0 : i32
      %dma_wait3A_373 = arith.constant 0 : i32
      %dma_wait3A_374 = tpu.memref_slice %arg9[%dma_wait3A_372, %dma_wait3A_373] : memref<10240x64xf32, #tpu.memory_space<vmem_shared>> -> memref<10240x64xf32, #tpu.memory_space<vmem_shared>>
      %dma_wait3A_375 = tpu.memref_slice %arg11[%dma_wait3A_364] : memref<5x!tpu.dma_semaphore, #tpu.memory_space<semaphore_mem>> -> memref<1x!tpu.dma_semaphore, #tpu.memory_space<semaphore_mem>>
      %dma_wait3A_376 = tpu.memref_squeeze %dma_wait3A_375 : memref<1x!tpu.dma_semaphore, #tpu.memory_space<semaphore_mem>> -> memref<!tpu.dma_semaphore, #tpu.memory_space<semaphore_mem>>
      tpu.wait_indirect_dma semaphore(%dma_wait3A_376 : memref<!tpu.dma_semaphore, #tpu.memory_space<semaphore_mem>>) src(%dma_wait3A_368 : memref<128x64xf32, #tpu.memory_space<vmem>>) dst(%dma_wait3A_374 : memref<10240x64xf32, #tpu.memory_space<vmem_shared>>)
      %lt3A_377 = arith.constant 31 : i32
      %lt3A_378 = arith.cmpi slt, %scan3A_156, %lt3A_377 : i32
      %convert_element_type3A_379 = arith.extui %lt3A_378 : i1 to i32
      %cond3A_380 = arith.constant 0 : i32
      %cond3A_381 = arith.cmpi ne, %convert_element_type3A_379, %cond3A_380 : i32
      scf.if %cond3A_381 {
        %sub3A = arith.constant 1 : i32
        %sub3A_429 = arith.subi %sub3A, %rem3A_157 : i32
        %dma_start3A_430 = arith.constant 0 : i32
        %dma_start3A_431 = arith.constant 2 : i32
        %dma_start3A_432 = arith.constant 2 : i32
        %dma_start3A_433 = arith.constant 2 : i32
        %dma_start3A_434 = arith.constant 0 : i32
        %dma_start3A_435 = arith.constant 0 : i32
        %dma_start3A_436 = tpu.memref_slice %arg7[%dma_start3A_432, %dma_start3A_434, %dma_start3A_435] : memref<5x128x64xf32, #tpu.memory_space<vmem>> -> memref<1x128x64xf32, #tpu.memory_space<vmem>>
        %dma_start3A_437 = tpu.memref_squeeze %dma_start3A_436 : memref<1x128x64xf32, #tpu.memory_space<vmem>> -> memref<128x64xf32, #tpu.memory_space<vmem>>
        %dma_start3A_438 = arith.constant 0 : i32
        %dma_start3A_439 = tpu.memref_slice %arg6[%sub3A_429, %dma_start3A_430, %dma_start3A_431, %dma_start3A_438] : memref<2x2x5x128xi32, #tpu.memory_space<vmem>> -> memref<1x1x1x128xi32, #tpu.memory_space<vmem>>
        %dma_start3A_440 = tpu.memref_squeeze %dma_start3A_439 : memref<1x1x1x128xi32, #tpu.memory_space<vmem>> -> memref<128xi32, #tpu.memory_space<vmem>>
        %dma_start3A_441 = arith.constant 0 : i32
        %dma_start3A_442 = arith.constant 0 : i32
        %dma_start3A_443 = tpu.memref_slice %arg8[%dma_start3A_441, %dma_start3A_442] : memref<10240x64xf32, #tpu.memory_space<vmem_shared>> -> memref<10240x64xf32, #tpu.memory_space<vmem_shared>>
        %dma_start3A_444 = tpu.memref_slice %arg10[%dma_start3A_433] : memref<5x!tpu.dma_semaphore, #tpu.memory_space<semaphore_mem>> -> memref<1x!tpu.dma_semaphore, #tpu.memory_space<semaphore_mem>>
        %dma_start3A_445 = tpu.memref_squeeze %dma_start3A_444 : memref<1x!tpu.dma_semaphore, #tpu.memory_space<semaphore_mem>> -> memref<!tpu.dma_semaphore, #tpu.memory_space<semaphore_mem>>
        tpu.enqueue_indirect_dma source(%dma_start3A_443 : memref<10240x64xf32, #tpu.memory_space<vmem_shared>>) target(%dma_start3A_437 : memref<128x64xf32, #tpu.memory_space<vmem>>) offsets(%dma_start3A_440 : memref<128xi32, #tpu.memory_space<vmem>>) semaphore(%dma_start3A_445 : memref<!tpu.dma_semaphore, #tpu.memory_space<semaphore_mem>>)
      } else {
      }
      %dma_wait3A_382 = arith.constant 3 : i32
      %dma_wait3A_383 = arith.constant 1 : i32
      %dma_wait3A_384 = arith.constant 3 : i32
      %dma_wait3A_385 = arith.constant 3 : i32
      %dma_wait3A_386 = arith.constant 0 : i32
      %dma_wait3A_387 = arith.constant 0 : i32
      %dma_wait3A_388 = tpu.memref_slice %arg7[%dma_wait3A_382, %dma_wait3A_386, %dma_wait3A_387] : memref<5x128x64xf32, #tpu.memory_space<vmem>> -> memref<1x128x64xf32, #tpu.memory_space<vmem>>
      %dma_wait3A_389 = tpu.memref_squeeze %dma_wait3A_388 : memref<1x128x64xf32, #tpu.memory_space<vmem>> -> memref<128x64xf32, #tpu.memory_space<vmem>>
      %dma_wait3A_390 = arith.constant 0 : i32
      %dma_wait3A_391 = tpu.memref_slice %arg6[%rem3A_157, %dma_wait3A_383, %dma_wait3A_384, %dma_wait3A_390] : memref<2x2x5x128xi32, #tpu.memory_space<vmem>> -> memref<1x1x1x128xi32, #tpu.memory_space<vmem>>
      %dma_wait3A_392 = tpu.memref_squeeze %dma_wait3A_391 : memref<1x1x1x128xi32, #tpu.memory_space<vmem>> -> memref<128xi32, #tpu.memory_space<vmem>>
      %dma_wait3A_393 = arith.constant 0 : i32
      %dma_wait3A_394 = arith.constant 0 : i32
      %dma_wait3A_395 = tpu.memref_slice %arg9[%dma_wait3A_393, %dma_wait3A_394] : memref<10240x64xf32, #tpu.memory_space<vmem_shared>> -> memref<10240x64xf32, #tpu.memory_space<vmem_shared>>
      %dma_wait3A_396 = tpu.memref_slice %arg11[%dma_wait3A_385] : memref<5x!tpu.dma_semaphore, #tpu.memory_space<semaphore_mem>> -> memref<1x!tpu.dma_semaphore, #tpu.memory_space<semaphore_mem>>
      %dma_wait3A_397 = tpu.memref_squeeze %dma_wait3A_396 : memref<1x!tpu.dma_semaphore, #tpu.memory_space<semaphore_mem>> -> memref<!tpu.dma_semaphore, #tpu.memory_space<semaphore_mem>>
      tpu.wait_indirect_dma semaphore(%dma_wait3A_397 : memref<!tpu.dma_semaphore, #tpu.memory_space<semaphore_mem>>) src(%dma_wait3A_389 : memref<128x64xf32, #tpu.memory_space<vmem>>) dst(%dma_wait3A_395 : memref<10240x64xf32, #tpu.memory_space<vmem_shared>>)
      %lt3A_398 = arith.constant 31 : i32
      %lt3A_399 = arith.cmpi slt, %scan3A_156, %lt3A_398 : i32
      %convert_element_type3A_400 = arith.extui %lt3A_399 : i1 to i32
      %cond3A_401 = arith.constant 0 : i32
      %cond3A_402 = arith.cmpi ne, %convert_element_type3A_400, %cond3A_401 : i32
      scf.if %cond3A_402 {
        %sub3A = arith.constant 1 : i32
        %sub3A_429 = arith.subi %sub3A, %rem3A_157 : i32
        %dma_start3A_430 = arith.constant 0 : i32
        %dma_start3A_431 = arith.constant 3 : i32
        %dma_start3A_432 = arith.constant 3 : i32
        %dma_start3A_433 = arith.constant 3 : i32
        %dma_start3A_434 = arith.constant 0 : i32
        %dma_start3A_435 = arith.constant 0 : i32
        %dma_start3A_436 = tpu.memref_slice %arg7[%dma_start3A_432, %dma_start3A_434, %dma_start3A_435] : memref<5x128x64xf32, #tpu.memory_space<vmem>> -> memref<1x128x64xf32, #tpu.memory_space<vmem>>
        %dma_start3A_437 = tpu.memref_squeeze %dma_start3A_436 : memref<1x128x64xf32, #tpu.memory_space<vmem>> -> memref<128x64xf32, #tpu.memory_space<vmem>>
        %dma_start3A_438 = arith.constant 0 : i32
        %dma_start3A_439 = tpu.memref_slice %arg6[%sub3A_429, %dma_start3A_430, %dma_start3A_431, %dma_start3A_438] : memref<2x2x5x128xi32, #tpu.memory_space<vmem>> -> memref<1x1x1x128xi32, #tpu.memory_space<vmem>>
        %dma_start3A_440 = tpu.memref_squeeze %dma_start3A_439 : memref<1x1x1x128xi32, #tpu.memory_space<vmem>> -> memref<128xi32, #tpu.memory_space<vmem>>
        %dma_start3A_441 = arith.constant 0 : i32
        %dma_start3A_442 = arith.constant 0 : i32
        %dma_start3A_443 = tpu.memref_slice %arg8[%dma_start3A_441, %dma_start3A_442] : memref<10240x64xf32, #tpu.memory_space<vmem_shared>> -> memref<10240x64xf32, #tpu.memory_space<vmem_shared>>
        %dma_start3A_444 = tpu.memref_slice %arg10[%dma_start3A_433] : memref<5x!tpu.dma_semaphore, #tpu.memory_space<semaphore_mem>> -> memref<1x!tpu.dma_semaphore, #tpu.memory_space<semaphore_mem>>
        %dma_start3A_445 = tpu.memref_squeeze %dma_start3A_444 : memref<1x!tpu.dma_semaphore, #tpu.memory_space<semaphore_mem>> -> memref<!tpu.dma_semaphore, #tpu.memory_space<semaphore_mem>>
        tpu.enqueue_indirect_dma source(%dma_start3A_443 : memref<10240x64xf32, #tpu.memory_space<vmem_shared>>) target(%dma_start3A_437 : memref<128x64xf32, #tpu.memory_space<vmem>>) offsets(%dma_start3A_440 : memref<128xi32, #tpu.memory_space<vmem>>) semaphore(%dma_start3A_445 : memref<!tpu.dma_semaphore, #tpu.memory_space<semaphore_mem>>)
      } else {
      }
      %dma_wait3A_403 = arith.constant 4 : i32
      %dma_wait3A_404 = arith.constant 1 : i32
      %dma_wait3A_405 = arith.constant 4 : i32
      %dma_wait3A_406 = arith.constant 4 : i32
      %dma_wait3A_407 = arith.constant 0 : i32
      %dma_wait3A_408 = arith.constant 0 : i32
      %dma_wait3A_409 = tpu.memref_slice %arg7[%dma_wait3A_403, %dma_wait3A_407, %dma_wait3A_408] : memref<5x128x64xf32, #tpu.memory_space<vmem>> -> memref<1x128x64xf32, #tpu.memory_space<vmem>>
      %dma_wait3A_410 = tpu.memref_squeeze %dma_wait3A_409 : memref<1x128x64xf32, #tpu.memory_space<vmem>> -> memref<128x64xf32, #tpu.memory_space<vmem>>
      %dma_wait3A_411 = arith.constant 0 : i32
      %dma_wait3A_412 = tpu.memref_slice %arg6[%rem3A_157, %dma_wait3A_404, %dma_wait3A_405, %dma_wait3A_411] : memref<2x2x5x128xi32, #tpu.memory_space<vmem>> -> memref<1x1x1x128xi32, #tpu.memory_space<vmem>>
      %dma_wait3A_413 = tpu.memref_squeeze %dma_wait3A_412 : memref<1x1x1x128xi32, #tpu.memory_space<vmem>> -> memref<128xi32, #tpu.memory_space<vmem>>
      %dma_wait3A_414 = arith.constant 0 : i32
      %dma_wait3A_415 = arith.constant 0 : i32
      %dma_wait3A_416 = tpu.memref_slice %arg9[%dma_wait3A_414, %dma_wait3A_415] : memref<10240x64xf32, #tpu.memory_space<vmem_shared>> -> memref<10240x64xf32, #tpu.memory_space<vmem_shared>>
      %dma_wait3A_417 = tpu.memref_slice %arg11[%dma_wait3A_406] : memref<5x!tpu.dma_semaphore, #tpu.memory_space<semaphore_mem>> -> memref<1x!tpu.dma_semaphore, #tpu.memory_space<semaphore_mem>>
      %dma_wait3A_418 = tpu.memref_squeeze %dma_wait3A_417 : memref<1x!tpu.dma_semaphore, #tpu.memory_space<semaphore_mem>> -> memref<!tpu.dma_semaphore, #tpu.memory_space<semaphore_mem>>
      tpu.wait_indirect_dma semaphore(%dma_wait3A_418 : memref<!tpu.dma_semaphore, #tpu.memory_space<semaphore_mem>>) src(%dma_wait3A_410 : memref<128x64xf32, #tpu.memory_space<vmem>>) dst(%dma_wait3A_416 : memref<10240x64xf32, #tpu.memory_space<vmem_shared>>)
      %lt3A_419 = arith.constant 31 : i32
      %lt3A_420 = arith.cmpi slt, %scan3A_156, %lt3A_419 : i32
      %convert_element_type3A_421 = arith.extui %lt3A_420 : i1 to i32
      %cond3A_422 = arith.constant 0 : i32
      %cond3A_423 = arith.cmpi ne, %convert_element_type3A_421, %cond3A_422 : i32
      scf.if %cond3A_423 {
        %sub3A = arith.constant 1 : i32
        %sub3A_429 = arith.subi %sub3A, %rem3A_157 : i32
        %dma_start3A_430 = arith.constant 0 : i32
        %dma_start3A_431 = arith.constant 4 : i32
        %dma_start3A_432 = arith.constant 4 : i32
        %dma_start3A_433 = arith.constant 4 : i32
        %dma_start3A_434 = arith.constant 0 : i32
        %dma_start3A_435 = arith.constant 0 : i32
        %dma_start3A_436 = tpu.memref_slice %arg7[%dma_start3A_432, %dma_start3A_434, %dma_start3A_435] : memref<5x128x64xf32, #tpu.memory_space<vmem>> -> memref<1x128x64xf32, #tpu.memory_space<vmem>>
        %dma_start3A_437 = tpu.memref_squeeze %dma_start3A_436 : memref<1x128x64xf32, #tpu.memory_space<vmem>> -> memref<128x64xf32, #tpu.memory_space<vmem>>
        %dma_start3A_438 = arith.constant 0 : i32
        %dma_start3A_439 = tpu.memref_slice %arg6[%sub3A_429, %dma_start3A_430, %dma_start3A_431, %dma_start3A_438] : memref<2x2x5x128xi32, #tpu.memory_space<vmem>> -> memref<1x1x1x128xi32, #tpu.memory_space<vmem>>
        %dma_start3A_440 = tpu.memref_squeeze %dma_start3A_439 : memref<1x1x1x128xi32, #tpu.memory_space<vmem>> -> memref<128xi32, #tpu.memory_space<vmem>>
        %dma_start3A_441 = arith.constant 0 : i32
        %dma_start3A_442 = arith.constant 0 : i32
        %dma_start3A_443 = tpu.memref_slice %arg8[%dma_start3A_441, %dma_start3A_442] : memref<10240x64xf32, #tpu.memory_space<vmem_shared>> -> memref<10240x64xf32, #tpu.memory_space<vmem_shared>>
        %dma_start3A_444 = tpu.memref_slice %arg10[%dma_start3A_433] : memref<5x!tpu.dma_semaphore, #tpu.memory_space<semaphore_mem>> -> memref<1x!tpu.dma_semaphore, #tpu.memory_space<semaphore_mem>>
        %dma_start3A_445 = tpu.memref_squeeze %dma_start3A_444 : memref<1x!tpu.dma_semaphore, #tpu.memory_space<semaphore_mem>> -> memref<!tpu.dma_semaphore, #tpu.memory_space<semaphore_mem>>
        tpu.enqueue_indirect_dma source(%dma_start3A_443 : memref<10240x64xf32, #tpu.memory_space<vmem_shared>>) target(%dma_start3A_437 : memref<128x64xf32, #tpu.memory_space<vmem>>) offsets(%dma_start3A_440 : memref<128xi32, #tpu.memory_space<vmem>>) semaphore(%dma_start3A_445 : memref<!tpu.dma_semaphore, #tpu.memory_space<semaphore_mem>>)
      } else {
      }
      %lt3A_424 = arith.constant 30 : i32
      %lt3A_425 = arith.cmpi slt, %scan3A_156, %lt3A_424 : i32
      %convert_element_type3A_426 = arith.extui %lt3A_425 : i1 to i32
      %cond3A_427 = arith.constant 0 : i32
      %cond3A_428 = arith.cmpi ne, %convert_element_type3A_426, %cond3A_427 : i32
      scf.if %cond3A_428 {
        %add3A = arith.constant 2 : i32
        %add3A_429 = arith.addi %scan3A_156, %add3A : i32
        %dma_start3A_430 = arith.constant 0 : i32
        %dma_start3A_431 = arith.constant 0 : i32
        %dma_start3A_432 = arith.constant 0 : i32
        %dma_start3A_433 = tpu.memref_slice %arg6[%rem3A_157, %dma_start3A_430, %dma_start3A_431, %dma_start3A_432] : memref<2x2x5x128xi32, #tpu.memory_space<vmem>> -> memref<1x1x5x128xi32, #tpu.memory_space<vmem>>
        %dma_start3A_434 = tpu.memref_squeeze %dma_start3A_433 : memref<1x1x5x128xi32, #tpu.memory_space<vmem>> -> memref<5x128xi32, #tpu.memory_space<vmem>>
        %dma_start3A_435 = arith.constant 0 : i32
        %dma_start3A_436 = arith.constant 0 : i32
        %dma_start3A_437 = arith.constant 0 : i32
        %dma_start3A_438 = tpu.memref_slice %arg3[%arg1, %dma_start3A_435, %dma_start3A_436, %dma_start3A_437] : memref<16x32x5x128xi32, #tpu.memory_space<hbm>> -> memref<1x32x5x128xi32, #tpu.memory_space<hbm>>
        %dma_start3A_439 = tpu.memref_squeeze %dma_start3A_438 : memref<1x32x5x128xi32, #tpu.memory_space<hbm>> -> memref<32x5x128xi32, #tpu.memory_space<hbm>>
        %dma_start3A_440 = arith.constant 0 : i32
        %dma_start3A_441 = arith.constant 0 : i32
        %dma_start3A_442 = tpu.memref_slice %dma_start3A_439[%add3A_429, %dma_start3A_440, %dma_start3A_441] : memref<32x5x128xi32, #tpu.memory_space<hbm>> -> memref<1x5x128xi32, #tpu.memory_space<hbm>>
        %dma_start3A_443 = tpu.memref_squeeze %dma_start3A_442 : memref<1x5x128xi32, #tpu.memory_space<hbm>> -> memref<5x128xi32, #tpu.memory_space<hbm>>
        %dma_start3A_444 = arith.constant 0 : i32
        %dma_start3A_445 = arith.constant 0 : i32
        %dma_start3A_446 = tpu.memref_slice %arg6[%rem3A_157, %dma_start3A_430, %dma_start3A_444, %dma_start3A_445] : memref<2x2x5x128xi32, #tpu.memory_space<vmem>> -> memref<1x1x5x128xi32, #tpu.memory_space<vmem>>
        %dma_start3A_447 = tpu.memref_squeeze %dma_start3A_446 : memref<1x1x5x128xi32, #tpu.memory_space<vmem>> -> memref<5x128xi32, #tpu.memory_space<vmem>>
        %dma_start3A_448 = arith.constant 0 : i32
        %dma_start3A_449 = arith.constant 0 : i32
        %dma_start3A_450 = arith.constant 0 : i32
        %dma_start3A_451 = tpu.memref_slice %arg3[%arg1, %dma_start3A_448, %dma_start3A_449, %dma_start3A_450] : memref<16x32x5x128xi32, #tpu.memory_space<hbm>> -> memref<1x32x5x128xi32, #tpu.memory_space<hbm>>
        %dma_start3A_452 = tpu.memref_squeeze %dma_start3A_451 : memref<1x32x5x128xi32, #tpu.memory_space<hbm>> -> memref<32x5x128xi32, #tpu.memory_space<hbm>>
        %dma_start3A_453 = arith.constant 0 : i32
        %dma_start3A_454 = arith.constant 0 : i32
        %dma_start3A_455 = tpu.memref_slice %dma_start3A_452[%add3A_429, %dma_start3A_453, %dma_start3A_454] : memref<32x5x128xi32, #tpu.memory_space<hbm>> -> memref<1x5x128xi32, #tpu.memory_space<hbm>>
        %dma_start3A_456 = tpu.memref_squeeze %dma_start3A_455 : memref<1x5x128xi32, #tpu.memory_space<hbm>> -> memref<5x128xi32, #tpu.memory_space<hbm>>
        tpu.enqueue_dma source(%dma_start3A_456 : memref<5x128xi32, #tpu.memory_space<hbm>>) target(%dma_start3A_447 : memref<5x128xi32, #tpu.memory_space<vmem>>) target_semaphore(%arg12 : memref<!tpu.dma_semaphore, #tpu.memory_space<semaphore_mem>>)
        %add3A_457 = arith.constant 2 : i32
        %add3A_458 = arith.addi %scan3A_156, %add3A_457 : i32
        %dma_start3A_459 = arith.constant 1 : i32
        %dma_start3A_460 = arith.constant 0 : i32
        %dma_start3A_461 = arith.constant 0 : i32
        %dma_start3A_462 = tpu.memref_slice %arg6[%rem3A_157, %dma_start3A_459, %dma_start3A_460, %dma_start3A_461] : memref<2x2x5x128xi32, #tpu.memory_space<vmem>> -> memref<1x1x5x128xi32, #tpu.memory_space<vmem>>
        %dma_start3A_463 = tpu.memref_squeeze %dma_start3A_462 : memref<1x1x5x128xi32, #tpu.memory_space<vmem>> -> memref<5x128xi32, #tpu.memory_space<vmem>>
        %dma_start3A_464 = arith.constant 0 : i32
        %dma_start3A_465 = arith.constant 0 : i32
        %dma_start3A_466 = arith.constant 0 : i32
        %dma_start3A_467 = tpu.memref_slice %arg4[%arg1, %dma_start3A_464, %dma_start3A_465, %dma_start3A_466] : memref<16x32x5x128xi32, #tpu.memory_space<hbm>> -> memref<1x32x5x128xi32, #tpu.memory_space<hbm>>
        %dma_start3A_468 = tpu.memref_squeeze %dma_start3A_467 : memref<1x32x5x128xi32, #tpu.memory_space<hbm>> -> memref<32x5x128xi32, #tpu.memory_space<hbm>>
        %dma_start3A_469 = arith.constant 0 : i32
        %dma_start3A_470 = arith.constant 0 : i32
        %dma_start3A_471 = tpu.memref_slice %dma_start3A_468[%add3A_458, %dma_start3A_469, %dma_start3A_470] : memref<32x5x128xi32, #tpu.memory_space<hbm>> -> memref<1x5x128xi32, #tpu.memory_space<hbm>>
        %dma_start3A_472 = tpu.memref_squeeze %dma_start3A_471 : memref<1x5x128xi32, #tpu.memory_space<hbm>> -> memref<5x128xi32, #tpu.memory_space<hbm>>
        %dma_start3A_473 = arith.constant 0 : i32
        %dma_start3A_474 = arith.constant 0 : i32
        %dma_start3A_475 = tpu.memref_slice %arg6[%rem3A_157, %dma_start3A_459, %dma_start3A_473, %dma_start3A_474] : memref<2x2x5x128xi32, #tpu.memory_space<vmem>> -> memref<1x1x5x128xi32, #tpu.memory_space<vmem>>
        %dma_start3A_476 = tpu.memref_squeeze %dma_start3A_475 : memref<1x1x5x128xi32, #tpu.memory_space<vmem>> -> memref<5x128xi32, #tpu.memory_space<vmem>>
        %dma_start3A_477 = arith.constant 0 : i32
        %dma_start3A_478 = arith.constant 0 : i32
        %dma_start3A_479 = arith.constant 0 : i32
        %dma_start3A_480 = tpu.memref_slice %arg4[%arg1, %dma_start3A_477, %dma_start3A_478, %dma_start3A_479] : memref<16x32x5x128xi32, #tpu.memory_space<hbm>> -> memref<1x32x5x128xi32, #tpu.memory_space<hbm>>
        %dma_start3A_481 = tpu.memref_squeeze %dma_start3A_480 : memref<1x32x5x128xi32, #tpu.memory_space<hbm>> -> memref<32x5x128xi32, #tpu.memory_space<hbm>>
        %dma_start3A_482 = arith.constant 0 : i32
        %dma_start3A_483 = arith.constant 0 : i32
        %dma_start3A_484 = tpu.memref_slice %dma_start3A_481[%add3A_458, %dma_start3A_482, %dma_start3A_483] : memref<32x5x128xi32, #tpu.memory_space<hbm>> -> memref<1x5x128xi32, #tpu.memory_space<hbm>>
        %dma_start3A_485 = tpu.memref_squeeze %dma_start3A_484 : memref<1x5x128xi32, #tpu.memory_space<hbm>> -> memref<5x128xi32, #tpu.memory_space<hbm>>
        tpu.enqueue_dma source(%dma_start3A_485 : memref<5x128xi32, #tpu.memory_space<hbm>>) target(%dma_start3A_476 : memref<5x128xi32, #tpu.memory_space<vmem>>) target_semaphore(%arg12 : memref<!tpu.dma_semaphore, #tpu.memory_space<semaphore_mem>>)
      } else {
      }
    }
    %scan3A_154 = arith.constant 32 : i32
    %barrier3A_155 = arith.constant 0 : index
    tpu.barrier barrier_id(%barrier3A_155)
    "tpu.region"() ({
      %run_scoped3A_156 = tpu.sem_alloc : memref<!tpu.dma_semaphore, #tpu.memory_space<semaphore_mem>>
      %dma_start3A_157 = tpu.memref_slice %arg5[%mul3A_0, %mul3A_2] : memref<10240x128xf32, #tpu.memory_space<hbm>> -> memref<640x64xf32, #tpu.memory_space<hbm>>
      %dma_start3A_158 = arith.constant 0 : i32
      %dma_start3A_159 = tpu.memref_slice %arg9[%mul3A_0, %dma_start3A_158] : memref<10240x64xf32, #tpu.memory_space<vmem_shared>> -> memref<640x64xf32, #tpu.memory_space<vmem_shared>>
      tpu.enqueue_dma source(%dma_start3A_159 : memref<640x64xf32, #tpu.memory_space<vmem_shared>>) target(%dma_start3A_157 : memref<640x64xf32, #tpu.memory_space<hbm>>) target_semaphore(%run_scoped3A_156 : memref<!tpu.dma_semaphore, #tpu.memory_space<semaphore_mem>>)
      %dma_wait3A = tpu.memref_slice %arg5[%mul3A_0, %mul3A_2] : memref<10240x128xf32, #tpu.memory_space<hbm>> -> memref<640x64xf32, #tpu.memory_space<hbm>>
      %dma_wait3A_160 = arith.constant 0 : i32
      %dma_wait3A_161 = tpu.memref_slice %arg9[%mul3A_0, %dma_wait3A_160] : memref<10240x64xf32, #tpu.memory_space<vmem_shared>> -> memref<640x64xf32, #tpu.memory_space<vmem_shared>>
      tpu.wait_dma2 semaphore(%run_scoped3A_156 : memref<!tpu.dma_semaphore, #tpu.memory_space<semaphore_mem>>) src(%dma_wait3A_161 : memref<640x64xf32, #tpu.memory_space<vmem_shared>>) dst(%dma_wait3A : memref<640x64xf32, #tpu.memory_space<hbm>>)
      tpu.yield
    }) : () -> ()
    return
  }
}

module attributes {stable_mosaic.version = 14 : i64} {
  func.func @body(%arg0: i32, %arg1: memref<2048x128xf32, #tpu.memory_space<vmem>>, %arg2: memref<128x128xf32, #tpu.memory_space<vmem>>, %arg3: memref<2x2048x1xf32, #tpu.memory_space<vmem>>, %arg4: memref<2048x128xf32, #tpu.memory_space<vmem>>, %arg5: memref<2048x1xf32, #tpu.memory_space<vmem>>) attributes {dimension_semantics = [#tpu.dimension_semantics<arbitrary>], iteration_bounds = array<i64: 5>, scalar_prefetch = 0 : i64, scratch_operands = 0 : i64, tpu.core_type = #tpu.core_type<tc>, window_params = [{transform_indices = @transform_0, window_bounds = array<i64: 2048, 128>}, {pipeline_mode = #tpu.pipeline_mode<synchronous>, transform_indices = @transform_1, window_bounds = array<i64: 128, 128>}, {transform_indices = @transform_2, window_bounds = array<i64: 2, 2048, 1>}, {transform_indices = @transform_3, window_bounds = array<i64: 2048, 128>}, {transform_indices = @transform_4, window_bounds = array<i64: 2048, 1>}]} {
    %get3A = arith.constant 0 : index
    %get3A_0 = arith.constant 0 : index
    %get3A_1 = arith.constant 0 : index
    %get3A_2 = vector.load %arg3[%get3A, %get3A_0, %get3A_1] : memref<2x2048x1xf32, #tpu.memory_space<vmem>>, vector<1x2048x1xf32>
    %get3A_3 = vector.shape_cast %get3A_2 : vector<1x2048x1xf32> to vector<2048x1xf32>
    %get3A_4 = arith.constant 1 : index
    %get3A_5 = arith.constant 0 : index
    %get3A_6 = arith.constant 0 : index
    %get3A_7 = vector.load %arg3[%get3A_4, %get3A_5, %get3A_6] : memref<2x2048x1xf32, #tpu.memory_space<vmem>>, vector<1x2048x1xf32>
    %get3A_8 = vector.shape_cast %get3A_7 : vector<1x2048x1xf32> to vector<2048x1xf32>
    %add3A = arith.addf %get3A_3, %get3A_8 : vector<2048x1xf32>
    %add3A_9 = arith.constant 1.000000e+00 : f32
    %add3A_10 = vector.broadcast %add3A_9 : f32 to vector<2048x1xf32>
    %add3A_11 = arith.addf %add3A, %add3A_10 : vector<2048x1xf32>
    %rsqrt3A = math.rsqrt %add3A_11 : vector<2048x1xf32>
    %get3A_12 = arith.constant 0 : index
    %get3A_13 = arith.constant 0 : index
    %get3A_14 = vector.load %arg1[%get3A_12, %get3A_13] : memref<2048x128xf32, #tpu.memory_space<vmem>>, vector<2048x128xf32>
    %get3A_15 = arith.constant 0 : index
    %get3A_16 = arith.constant 0 : index
    %get3A_17 = vector.load %arg2[%get3A_15, %get3A_16] : memref<128x128xf32, #tpu.memory_space<vmem>>, vector<128x128xf32>
    %dot_general3A = arith.constant dense<0.000000e+00> : vector<2048x128xf32>
    %dot_general3A_18 = tpu.matmul %get3A_14, %get3A_17, %dot_general3A {dimension_numbers = #tpu.dot_dimension_numbers<[1], [0], [0], [1], [0, 0, 1, 1], [], []>, transpose_lhs_hint = false} : vector<2048x128xf32>, vector<128x128xf32>, vector<2048x128xf32> -> vector<2048x128xf32>
    %mul3A = vector.broadcast %rsqrt3A : vector<2048x1xf32> to vector<2048x128xf32>
    %mul3A_19 = arith.mulf %dot_general3A_18, %mul3A : vector<2048x128xf32>
    %swap3A = arith.constant 0 : index
    %swap3A_20 = arith.constant 0 : index
    %swap3A_21 = vector.load %arg4[%swap3A, %swap3A_20] : memref<2048x128xf32, #tpu.memory_space<vmem>>, vector<2048x128xf32>
    tpu.vector_store %arg4[%swap3A, %swap3A_20], %mul3A_19 {strides = array<i32>} : memref<2048x128xf32, #tpu.memory_space<vmem>>, vector<2048x128xf32>,
    %swap3A_22 = arith.constant 0 : index
    %swap3A_23 = arith.constant 0 : index
    %swap3A_24 = vector.load %arg5[%swap3A_22, %swap3A_23] : memref<2048x1xf32, #tpu.memory_space<vmem>>, vector<2048x1xf32>
    tpu.vector_store %arg5[%swap3A_22, %swap3A_23], %rsqrt3A {strides = array<i32>} : memref<2048x1xf32, #tpu.memory_space<vmem>>, vector<2048x1xf32>,
    return
  }
  func.func @transform_0(%arg0: i32) -> (i32, i32) {
    %c0_i32 = arith.constant 0 : i32
    %c0_i32_0 = arith.constant 0 : i32
    return %arg0, %c0_i32 : i32, i32
  }
  func.func @transform_1(%arg0: i32) -> (i32, i32) {
    %c0_i32 = arith.constant 0 : i32
    %c0_i32_0 = arith.constant 0 : i32
    %c0_i32_1 = arith.constant 0 : i32
    return %c0_i32, %c0_i32_0 : i32, i32
  }
  func.func @transform_2(%arg0: i32) -> (i32, i32, i32) {
    %c0_i32 = arith.constant 0 : i32
    %c0_i32_0 = arith.constant 0 : i32
    %c0_i32_1 = arith.constant 0 : i32
    return %c0_i32, %arg0, %c0_i32_0 : i32, i32, i32
  }
  func.func @transform_3(%arg0: i32) -> (i32, i32) {
    %c0_i32 = arith.constant 0 : i32
    %c0_i32_0 = arith.constant 0 : i32
    return %arg0, %c0_i32 : i32, i32
  }
  func.func @transform_4(%arg0: i32) -> (i32, i32) {
    %c0_i32 = arith.constant 0 : i32
    %c0_i32_0 = arith.constant 0 : i32
    return %arg0, %c0_i32 : i32, i32
  }
}

module attributes {stable_mosaic.version = 14 : i64} {
  func.func @body(%arg0: i32, %arg1: memref<2048x128xf32, #tpu.memory_space<vmem>>, %arg2: memref<2048x1xf32, #tpu.memory_space<vmem>>, %arg3: memref<1x128xf32, #tpu.memory_space<vmem>>, %arg4: memref<128x48xf32, #tpu.memory_space<vmem>>, %arg5: memref<2048x48xf32, #tpu.memory_space<vmem>>) attributes {dimension_semantics = [#tpu.dimension_semantics<arbitrary>], iteration_bounds = array<i64: 5>, scalar_prefetch = 0 : i64, scratch_operands = 0 : i64, tpu.core_type = #tpu.core_type<tc>, window_params = [{transform_indices = @transform_0, window_bounds = array<i64: 2048, 128>}, {transform_indices = @transform_1, window_bounds = array<i64: 2048, 1>}, {pipeline_mode = #tpu.pipeline_mode<synchronous>, transform_indices = @transform_2, window_bounds = array<i64: 1, 128>}, {pipeline_mode = #tpu.pipeline_mode<synchronous>, transform_indices = @transform_3, window_bounds = array<i64: 128, 48>}, {transform_indices = @transform_4, window_bounds = array<i64: 2048, 48>}]} {
    %get3A = arith.constant 0 : index
    %get3A_0 = arith.constant 0 : index
    %get3A_1 = vector.load %arg1[%get3A, %get3A_0] : memref<2048x128xf32, #tpu.memory_space<vmem>>, vector<2048x128xf32>
    %get3A_2 = arith.constant 0 : index
    %get3A_3 = arith.constant 0 : index
    %get3A_4 = vector.load %arg2[%get3A_2, %get3A_3] : memref<2048x1xf32, #tpu.memory_space<vmem>>, vector<2048x1xf32>
    %mul3A = vector.broadcast %get3A_4 : vector<2048x1xf32> to vector<2048x128xf32>
    %mul3A_5 = arith.mulf %get3A_1, %mul3A : vector<2048x128xf32>
    %get3A_6 = arith.constant 0 : index
    %get3A_7 = arith.constant 0 : index
    %get3A_8 = vector.load %arg3[%get3A_6, %get3A_7] : memref<1x128xf32, #tpu.memory_space<vmem>>, vector<1x128xf32>
    %add3A = vector.broadcast %get3A_8 : vector<1x128xf32> to vector<2048x128xf32>
    %add3A_9 = arith.addf %mul3A_5, %add3A : vector<2048x128xf32>
    %max3A = arith.constant 0.000000e+00 : f32
    %max3A_10 = vector.broadcast %max3A : f32 to vector<2048x128xf32>
    %max3A_11 = arith.maximumf %add3A_9, %max3A_10 : vector<2048x128xf32>
    %get3A_12 = arith.constant 0 : index
    %get3A_13 = arith.constant 0 : index
    %get3A_14 = vector.load %arg4[%get3A_12, %get3A_13] : memref<128x48xf32, #tpu.memory_space<vmem>>, vector<128x48xf32>
    %dot_general3A = arith.constant dense<0.000000e+00> : vector<2048x48xf32>
    %dot_general3A_15 = tpu.matmul %max3A_11, %get3A_14, %dot_general3A {dimension_numbers = #tpu.dot_dimension_numbers<[1], [0], [0], [1], [0, 0, 1, 1], [], []>, transpose_lhs_hint = false} : vector<2048x128xf32>, vector<128x48xf32>, vector<2048x48xf32> -> vector<2048x48xf32>
    %get3A_16 = arith.constant 0 : index
    %get3A_17 = arith.constant 0 : index
    %get3A_18 = vector.load %arg2[%get3A_16, %get3A_17] : memref<2048x1xf32, #tpu.memory_space<vmem>>, vector<2048x1xf32>
    %mul3A_19 = vector.broadcast %get3A_18 : vector<2048x1xf32> to vector<2048x48xf32>
    %mul3A_20 = arith.mulf %dot_general3A_15, %mul3A_19 : vector<2048x48xf32>
    %swap3A = arith.constant 0 : index
    %swap3A_21 = arith.constant 0 : index
    %swap3A_22 = vector.load %arg5[%swap3A, %swap3A_21] : memref<2048x48xf32, #tpu.memory_space<vmem>>, vector<2048x48xf32>
    tpu.vector_store %arg5[%swap3A, %swap3A_21], %mul3A_20 {strides = array<i32>} : memref<2048x48xf32, #tpu.memory_space<vmem>>, vector<2048x48xf32>,
    return
  }
  func.func @transform_0(%arg0: i32) -> (i32, i32) {
    %c0_i32 = arith.constant 0 : i32
    %c0_i32_0 = arith.constant 0 : i32
    return %arg0, %c0_i32 : i32, i32
  }
  func.func @transform_1(%arg0: i32) -> (i32, i32) {
    %c0_i32 = arith.constant 0 : i32
    %c0_i32_0 = arith.constant 0 : i32
    return %arg0, %c0_i32 : i32, i32
  }
  func.func @transform_2(%arg0: i32) -> (i32, i32) {
    %c0_i32 = arith.constant 0 : i32
    %c0_i32_0 = arith.constant 0 : i32
    %c0_i32_1 = arith.constant 0 : i32
    return %c0_i32, %c0_i32_0 : i32, i32
  }
  func.func @transform_3(%arg0: i32) -> (i32, i32) {
    %c0_i32 = arith.constant 0 : i32
    %c0_i32_0 = arith.constant 0 : i32
    %c0_i32_1 = arith.constant 0 : i32
    return %c0_i32, %c0_i32_0 : i32, i32
  }
  func.func @transform_4(%arg0: i32) -> (i32, i32) {
    %c0_i32 = arith.constant 0 : i32
    %c0_i32_0 = arith.constant 0 : i32
    return %arg0, %c0_i32 : i32, i32
  }
}

module attributes {stable_mosaic.version = 14 : i64} {
  func.func @body(%arg0: i32, %arg1: memref<2x2000x48xf32, #tpu.memory_space<vmem>>, %arg2: memref<2000x1xf32, #tpu.memory_space<vmem>>, %arg3: memref<1x48xf32, #tpu.memory_space<vmem>>, %arg4: memref<2000x47xf32, #tpu.memory_space<vmem>>) attributes {dimension_semantics = [#tpu.dimension_semantics<arbitrary>], iteration_bounds = array<i64: 5>, scalar_prefetch = 0 : i64, scratch_operands = 0 : i64, tpu.core_type = #tpu.core_type<tc>, window_params = [{transform_indices = @transform_0, window_bounds = array<i64: 2, 2000, 48>}, {transform_indices = @transform_1, window_bounds = array<i64: 2000, 1>}, {pipeline_mode = #tpu.pipeline_mode<synchronous>, transform_indices = @transform_2, window_bounds = array<i64: 1, 48>}, {transform_indices = @transform_3, window_bounds = array<i64: 2000, 47>}]} {
    %get3A = arith.constant 0 : index
    %get3A_0 = arith.constant 0 : index
    %get3A_1 = arith.constant 0 : index
    %get3A_2 = vector.load %arg1[%get3A, %get3A_0, %get3A_1] : memref<2x2000x48xf32, #tpu.memory_space<vmem>>, vector<1x2000x48xf32>
    %get3A_3 = vector.shape_cast %get3A_2 : vector<1x2000x48xf32> to vector<2000x48xf32>
    %get3A_4 = arith.constant 1 : index
    %get3A_5 = arith.constant 0 : index
    %get3A_6 = arith.constant 0 : index
    %get3A_7 = vector.load %arg1[%get3A_4, %get3A_5, %get3A_6] : memref<2x2000x48xf32, #tpu.memory_space<vmem>>, vector<1x2000x48xf32>
    %get3A_8 = vector.shape_cast %get3A_7 : vector<1x2000x48xf32> to vector<2000x48xf32>
    %add3A = arith.addf %get3A_3, %get3A_8 : vector<2000x48xf32>
    %get3A_9 = arith.constant 0 : index
    %get3A_10 = arith.constant 0 : index
    %get3A_11 = vector.load %arg2[%get3A_9, %get3A_10] : memref<2000x1xf32, #tpu.memory_space<vmem>>, vector<2000x1xf32>
    %mul3A = vector.broadcast %get3A_11 : vector<2000x1xf32> to vector<2000x48xf32>
    %mul3A_12 = arith.mulf %add3A, %mul3A : vector<2000x48xf32>
    %get3A_13 = arith.constant 0 : index
    %get3A_14 = arith.constant 0 : index
    %get3A_15 = vector.load %arg3[%get3A_13, %get3A_14] : memref<1x48xf32, #tpu.memory_space<vmem>>, vector<1x48xf32>
    %add3A_16 = vector.broadcast %get3A_15 : vector<1x48xf32> to vector<2000x48xf32>
    %add3A_17 = arith.addf %mul3A_12, %add3A_16 : vector<2000x48xf32>
    %slice3A = vector.extract_strided_slice %add3A_17 {offsets = [0, 0], sizes = [2000, 47], strides = [1, 1]} : vector<2000x48xf32> to vector<2000x47xf32>
    %swap3A = arith.constant 0 : index
    %swap3A_18 = arith.constant 0 : index
    %swap3A_19 = vector.load %arg4[%swap3A, %swap3A_18] : memref<2000x47xf32, #tpu.memory_space<vmem>>, vector<2000x47xf32>
    tpu.vector_store %arg4[%swap3A, %swap3A_18], %slice3A {strides = array<i32>} : memref<2000x47xf32, #tpu.memory_space<vmem>>, vector<2000x47xf32>,
    return
  }
  func.func @transform_0(%arg0: i32) -> (i32, i32, i32) {
    %c0_i32 = arith.constant 0 : i32
    %c0_i32_0 = arith.constant 0 : i32
    %c0_i32_1 = arith.constant 0 : i32
    return %c0_i32, %arg0, %c0_i32_0 : i32, i32, i32
  }
  func.func @transform_1(%arg0: i32) -> (i32, i32) {
    %c0_i32 = arith.constant 0 : i32
    %c0_i32_0 = arith.constant 0 : i32
    return %arg0, %c0_i32 : i32, i32
  }
  func.func @transform_2(%arg0: i32) -> (i32, i32) {
    %c0_i32 = arith.constant 0 : i32
    %c0_i32_0 = arith.constant 0 : i32
    %c0_i32_1 = arith.constant 0 : i32
    return %c0_i32, %c0_i32_0 : i32, i32
  }
  func.func @transform_3(%arg0: i32) -> (i32, i32) {
    %c0_i32 = arith.constant 0 : i32
    %c0_i32_0 = arith.constant 0 : i32
    return %arg0, %c0_i32 : i32, i32
  }
}

</mosaic_0001>

<sc_bundles>
// kernel: kernel.11.cloned.1.call-start
scs
__scs_entry_jumppad:
0x0: {  	(pc) =	sbr.rel $0x88, $3  }
0x1: {  	(tag) =	ssettag $0x0;
	lr =	simm.s32 $0x1  }
0x2: {  	[smem:$0x3F9B] =	sst lr;
	_ =	strace $0xD0000000  }
0x3: {  	_ = 	snop  }
0x4: {  	_ = 	snop  }
0x5: {  	_ = 	snop  }
0x6: {  	_ = 	snop  }
0x7: {  	_ = 	snop  }
__scs_overlays_trampoline_lowered:
0x8: {  	[smem:$0x3FAA] =	sst s0  }
0x9: {  	[smem:$0x3FAB] =	sst s1  }
0xa: {  	[smem:$0x3FAC] =	sst s2  }
0xb: {  	[smem:$0x3FAD] =	sst s3  }
0xc: {  	[smem:$0x3FAE] =	sst s4  }
0xd: {  	[smem:$0x3FAF] =	sst s5  }
0xe: {  	[smem:$0x3FB0] =	sst s6  }
0xf: {  	[smem:$0x3FB1] =	sst s7  }
0x10: {  	[smem:$0x3FB2] =	sst s8  }
0x11: {  	[smem:$0x3FB3] =	sst s9;
	s0 =	simm.s32 @!p0 $0x0  }
0x12: {  	s1 =	sld [smem:$0x3F99];
	s0 =	simm.s32 @p0 $0x1  }
0x13: {  	[smem:$0x3FB4] =	sst s0;
	s0 =	simm.s32 @!p1 $0x0  }
0x14: {  	s2 =	sld [smem:$0x3F98];
	s0 =	simm.s32 @p1 $0x1  }
0x15: {  	[smem:$0x3FB5] =	sst s0;
	s0 =	simm.s32 @!p2 $0x0  }
0x16: {  	s3 =	sld [smem:$0x3FDB];
	s0 =	simm.s32 @p2 $0x1  }
0x17: {  	s4 =	simm.s32 $0x1BF5;
	[smem:$0x3FB7] =	sst s0  }
0x18: {  	s0 =	sld [smem:$0x3F9A];
	_ =	swait.ge [sflag:s4], $0x0  }
0x19: {  	s7 =	sld [smem:$0x3F9B]  }
0x1a: {  	s8 =	sadd.s32 $0xFFFFE003, lr  }
0x1b: {  	s9 =	sadd.s32 $0xFFFFFEF7, lr;
	s5 =	simm.s32 $0xFFFFFFFF;
	p2 =	slt.u32 s8, $0xFFFFF086  }
0x1c: {  	p1 =	slt.u32 s9, $0xF7A;
	s5 =	simm.s32 @!p2 $0x0  }
0x1d: {  	s5 =	simm.s32 @p1 $0x1;
	p0 =	seq.s32 s7, s2  }
0x1e: {  	s7 =	smul.u32 @!p0 $0xF7A, s2;
	p2 =	seq.s32 @!p0 s5, $0x0  }
0x1f: {  	s9 =	smul.u32 $0xF7A, s1;
	s8 =	simm.s32 @!p0 $0x1BF5;
	p2 =	por !p2, p0  }
0x20: {  	[sflag:s8] =	ssyncset.s32 @!p0 $0xFFFFF086;
	s6 =	sadd.s32 @!p0 s3, s7;
	s7 =	simm.s32 @!p0 $0x108  }
0x21: {  	s3 =	sadd.s32 s3, s9;
	s6 =	sadd.s32 @!p0 $0x88, s6;
	s7 =	simm.s32 @p2 $0x1082  }
0x22: {  	[simem:s7], [sflag:s8] =	dma.local @!p0 [hbm:s6], $0xF7A  }
0x23: {  	s9 =	sor.u32 $0xD0000000, s2;
	s6 =	simm.s32 $0x108;
	_ =	swait.ge @!p0 [sflag:s8], $0x0  }
0x24: {  	s3 =	sadd.s32 $0x88, s3;
	s6 =	simm.s32 @!p1 $0x1082;
	[sflag:s4] =	ssyncset.s32 $0xFFFFF086  }
0x25: {  	[simem:s6], [sflag:s4] =	dma.local [hbm:s3], $0xF7A  }
0x26: {  	[smem:$0x3F9B] =	sst s1;
	(tag) =	ssettag s2;
	_ =	strace s9  }
0x27: {  	s1 =	sld [smem:$0x3FAB]  }
0x28: {  	s2 =	sld [smem:$0x3FAC]  }
0x29: {  	s4 =	sld [smem:$0x3FAE]  }
0x2a: {  	p0 =	seq.s32 s5, $0x0;
	s5 =	sld [smem:$0x3FAF]  }
0x2b: {  	s6 =	sld [smem:$0x3FB0]  }
0x2c: {  	s7 =	sld [smem:$0x3FB1]  }
0x2d: {  	s3 =	simm.s32 $0x108;
	s8 =	sld [smem:$0x3FB2]  }
0x2e: {  	s3 =	simm.s32 @!p0 $0x1082;
	s9 =	sld [smem:$0x3FB3]  }
0x2f: {  	lr =	sadd.s32 s0, s3;
	s0 =	sld [smem:$0x3FAA]  }
0x30: {  	s3 =	sld [smem:$0x3FAD]  }
0x31: {  	[smem:$0x3FB6] =	sst s10  }
0x32: {  	s10 =	sld [smem:$0x3FB4];
	_ =	sdelay $0x3  }
0x33: {  	p0 =	seq.s32 s10, $0x1;
	s10 =	sld [smem:$0x3FB6];
	_ =	sdelay $0x3  }
0x34: {  	[smem:$0x3FB6] =	sst s10  }
0x35: {  	s10 =	sld [smem:$0x3FB5];
	_ =	sdelay $0x3  }
0x36: {  	p1 =	seq.s32 s10, $0x1;
	s10 =	sld [smem:$0x3FB6];
	_ =	sdelay $0x3  }
0x37: {  	[smem:$0x3FB6] =	sst s10  }
0x38: {  	s10 =	sld [smem:$0x3FB7]  }
0x39: {  	_ = 	snop;
	(pc) =	sbr.ind lr, $3  }
0x3a: {  	_ = 	snop  }
0x3b: {  	_ = 	snop  }
0x3c: {  	p2 =	seq.s32 s10, $0x1;
	s10 =	sld [smem:$0x3FB6]  }
0x3d: {  	_ =	shalt  }
0x3e: {  	_ =	shalt  }
0x3f: {  	_ =	shalt  }
0x40: {  	_ =	shalt  }
0x41: {  	_ =	shalt  }
0x42: {  	_ =	shalt  }
0x43: {  	_ =	shalt  }
0x44: {  	_ =	shalt  }
0x45: {  	_ =	shalt  }
0x46: {  	_ =	shalt  }
0x47: {  	_ =	shalt  }
0x48: {  	_ =	shalt  }
0x49: {  	_ =	shalt  }
0x4a: {  	_ =	shalt  }
0x4b: {  	_ =	shalt  }
0x4c: {  	_ =	shalt  }
0x4d: {  	_ =	shalt  }
0x4e: {  	_ =	shalt  }
0x4f: {  	_ =	shalt  }
0x50: {  	_ =	shalt  }
0x51: {  	_ =	shalt  }
0x52: {  	_ =	shalt  }
0x53: {  	_ =	shalt  }
0x54: {  	_ =	shalt  }
0x55: {  	_ =	shalt  }
0x56: {  	_ =	shalt  }
0x57: {  	_ =	shalt  }
0x58: {  	_ =	shalt  }
0x59: {  	_ =	shalt  }
0x5a: {  	_ =	shalt  }
0x5b: {  	_ =	shalt  }
0x5c: {  	_ =	shalt  }
0x5d: {  	_ =	shalt  }
0x5e: {  	_ =	shalt  }
0x5f: {  	_ =	shalt  }
0x60: {  	_ =	shalt  }
0x61: {  	_ =	shalt  }
0x62: {  	_ =	shalt  }
0x63: {  	_ =	shalt  }
0x64: {  	_ =	shalt  }
0x65: {  	_ =	shalt  }
0x66: {  	_ =	shalt  }
0x67: {  	_ =	shalt  }
0x68: {  	_ =	shalt  }
0x69: {  	_ =	shalt  }
0x6a: {  	_ =	shalt  }
0x6b: {  	_ =	shalt  }
0x6c: {  	_ =	shalt  }
0x6d: {  	_ =	shalt  }
0x6e: {  	_ =	shalt  }
0x6f: {  	_ =	shalt  }
0x70: {  	_ =	shalt  }
0x71: {  	_ =	shalt  }
0x72: {  	_ =	shalt  }
0x73: {  	_ =	shalt  }
0x74: {  	_ =	shalt  }
0x75: {  	_ =	shalt  }
0x76: {  	_ =	shalt  }
0x77: {  	_ =	shalt  }
0x78: {  	_ =	shalt  }
0x79: {  	_ =	shalt  }
0x7a: {  	_ =	shalt  }
0x7b: {  	_ =	shalt  }
0x7c: {  	_ =	shalt  }
0x7d: {  	_ =	shalt  }
0x7e: {  	_ =	shalt  }
0x7f: {  	_ =	shalt  }
0x80: {  	_ =	shalt  }
0x81: {  	_ =	shalt  }
0x82: {  	_ =	shalt  }
0x83: {  	_ =	shalt  }
0x84: {  	_ =	shalt  }
0x85: {  	_ =	shalt  }
0x86: {  	_ =	shalt  }
0x87: {  	_ =	shalt  }
.Lfunc_end0:
.L_simem_size_0:
called_computation.1_lowered:
.L_overlay_start_0:
0x88: {  	s2 =	sld [smem:$0x3FD9]  }
0x89: {  	s3 =	sld [smem:$0x3FFE];
	_ =	sdelay $0x1  }
0x8a: {  	s1 =	srdreg.scid  }
0x8b: {  	s0 =	sand.u32 $0x1, s1  }
0x8c: {  	s17 =	sshll.u32 s0, $0xA;
	s2 =	sadd.s32 s3, s2  }
0x8d: {  	s2 =	sadd.s32 s2, s17  }
0x8e: {  	[smem:$0x3FC2] =	sst s2  }
0x8f: {  	_ = 	snop  }
0x90: {  	s2 =	sld [smem:$0x3FD0];
	(tm) =	ssettm $0x1  }
0x91: {  	s18 =	sld [smem:$0x3FFB];
	_ =	sdelay $0x3  }
0x92: {  	_ =	strace s18  }
0x93: {  	s3 =	sld [smem:$0x3FFC];
	_ =	sdelay $0x3  }
0x94: {  	_ =	strace s3  }
0x95: {  	s3 =	sld [smem:$0x3FFD];
	_ =	sdelay $0x3  }
0x96: {  	_ =	strace s3  }
0x97: {  	_ =	strace $0x8FFFFFFF  }
0x98: {  	s19 =	sld [smem:$0x3FDB];
	_ =	sdelay $0x1  }
0x99: {  	s4 =	simm.s32 $_scs_section_size  }
0x9a: {  	s5 =	simm.s32 $_size__tile_overlayer_lowered;
	s6 =	simm.s32 $_tile_overlayer_lowered  }
0x9b: {  	s22 =	simm.s32 $0x1BFF;
	s21 =	sshll.u32 s6, $0x1;
	s3 =	sadd.s32 s4, s19  }
0x9c: {  	s7 =	simm.s32 $0x0;
	s20 =	sshll.u32 s5, $0x1;
	s5 =	sadd.s32 s21, s3  }
0x9d: {  	[timem:s7], [sflag:s22] =	dma.local [hbm:s5], s20  }
0x9e: {  	_ =	swait.ge [sflag:s22], s20  }
0x9f: {  	s4 =	ssub.s32 $0x0, s20;
	[sflag:s22] =	ssyncset.done $0x0  }
0xa0: {  	[sflag:s22] =	ssyncadd.s32 s4;
	_ =	sdelay $0x1  }
0xa1: {  	s23 =	simm.s32 $0x1B8B  }
0xa2: {  	_ =	swait.ge [sflag:s23], $0x1  }
0xa3: {  	[sflag:s23] =	ssyncset.done $0x0  }
0xa4: {  	s25 =	simm.s32 $0x1B8E;
	s24 =	sld [smem:$0x3FFE];
	[sflag:s23] =	ssyncadd.s32 $0xFFFFFFFF  }
0xa5: {  	s26 =	simm.s32 $execute0_lowered;
	[smem:$0x3FD2] =	sst s25  }
0xa6: {  	s5 =	sshll.u32 s26, $0x1;
	_ =	strace $0x80000049;
	[dreg:$0x1] =	wrdreg $0xFFFFFFFF  }
0xa7: {  	s28 =	simm.s32 $_size_execute0_lowered;
	s3 =	sadd.s32 s3, s5;
	[dreg:$0x0] =	wrdreg $0x0  }
0xa8: {  	s5 =	sshll.u32 s28, $0x1;
	[dreg:$0x2] =	wrdreg s3  }
0xa9: {  	[dreg:$0x3] =	wrdreg s5  }
0xaa: {  	[dreg:$0x4] =	wrdreg $0xC0  }
0xab: {  	_ =	task [dreg:s7], $0x5FFFF  }
0xac: {  	[dreg:$0x1] =	wrdreg $0xFFFFFFFF  }
0xad: {  	[dreg:$0x0] =	wrdreg $0x60  }
0xae: {  	[dreg:$0x2] =	wrdreg s24  }
0xaf: {  	[dreg:$0x3] =	wrdreg s2  }
0xb0: {  	[dreg:$0x4] =	wrdreg $0xAA000  }
0xb1: {  	[dreg:$0x5] =	wrdreg $0x14A000  }
0xb2: {  	[dreg:$0x6] =	wrdreg $0x9  }
0xb3: {  	_ =	task.clear_ibuf [dreg:s7], $0x7FFFF;
	_ =	strace $0x90000049  }
0xb4: {  	s29 =	simm.s32 $0x9;
	_ =	strace $0x8000004B  }
0xb5: {  	_ =	swait.ge [sflag:s29], $0x1  }
0xb6: {  	[sflag:s29] =	ssyncadd.s32 $0xFFFFFFFF  }
0xb7: {  	_ =	strace $0x9000004B  }
0xb8: {  	_ =	sfence  }
0xb9: {  	s30 =	sld [smem:$0x0];
	_ =	sdelay $0x2  }
0xba: {  	s31 =	sshll.u32 s1, $0xD;
	s1 =	sshrl.u32 s1, $0x2  }
0xbb: {  	s3 =	sand.u32 $0x4000, s31;
	s1 =	sadd.s32 s1, s30  }
0xbc: {  	s0 =	sor.u32 s3, s0;
	s1 =	sshll.u32 s1, $0x11  }
0xbd: {  	s0 =	sor.u32 s1, s0  }
0xbe: {  	s0 =	sadd.s32 $0x8F2B, s0  }
0xbf: {  	[sflag:s0] =	ssyncadd.remote.s32 $0x1  }
0xc0: {  	_ =	sfence.sel $0xFFFF  }
0xc1: {  	[dreg:$0x0] =	wrdreg $0xFFFFFFFF;
	(pc) =	sbr.abs _section_cstart, $3  }
0xc2: {  	[dreg:$0x1] =	wrdreg $0xFFFFFFFF  }
0xc3: {  	_ =	task.clear_ibuf [dreg:s7], $0x2FFFF;
	_ =	strace $0x9FFFFFFF  }
0xc4: {  	(tm) =	ssettm $0x7FFFFFFF  }
0xc5: {  	_ =	shalt  }
tec
execute0_lowered:
.L_overlay_start_1:
0x0: {  	(tag) =	ssettag $0x1  }
0x1: {  	s0 =	rddreg [dreg:$0x0]  }
0x2: {  	s1 =	rddreg [dreg:$0x1]  }
0x3: {  	s2 =	rddreg [dreg:$0x2]  }
0x4: {  	s3 =	rddreg [dreg:$0x3]  }
0x5: {  	s4 =	stileid.u32;
	s7 =	simm.s32 $0x0;
	s6 =	srdreg.scid  }
0x6: {  	s13 =	simm.s32 $0x8;
	s15 =	simm.s32 $0xC;
	s18 =	simm.s32 $0x80  }
0x7: {  	s19 =	simm.s32 $0xA00;
	s20 =	simm.s32 $0x2A00;
	s30 =	simm.s32 $0x2  }
0x8: {  	s31 =	simm.s32 $0x3;
	s17 =	simm.s32 $0x6;
	s5 =	smul.u32 $0xA00, s4  }
0x9: {  	s28 =	simm.s32 $0xB;
	s29 =	simm.s32 $0x0;
	s21 =	smul.u32 $0x14000, s4  }
0xa: {  	[smem:$0x7FF] =	sst s7;
	s6 =	sand.u32 $0x1, s6;
	s10 =	smul.u32 $0xA000, s4  }
0xb: {  	s23 =	sshll.u32 s4, $0x6;
	_ =	strace $0x8000004A;
	s8 =	sshll.u32 s6, $0x6  }
0xc: {  	s6 =	ssub.s32 $0x2, s6;
	s9 =	sadd.s32 s5, s0;
	s7 =	sor.u32 s8, s21  }
0xd: {  	s22 =	sshrl.u32 s6, $0x1;
	s12 =	sadd.s32 s10, s2;
	s10 =	sadd.s32 s10, s3  }
0xe: {  	s21 =	simm.s32 $0x7;
	s7 =	sshrl.u32 s7, $0x3;
	s11 =	ssub.s32 s6, s22  }
0xf: {  	s6 =	sor.u32 $0x1C0C, s23;
	s8 =	sadd.s32 $0x2400, s9;
	s26 =	sshrl.u32 s12, $0x3  }
0x10: {  	s12 =	simm.s32 $0x1;
	s9 =	simm.s32 $0x10;
	s10 =	sshrl.u32 s10, $0x3  }
0x11: {  	s22 =	simm.s32 $0x4A00;
	s23 =	simm.s32 $0x9;
	s0 =	sadd.s32 s7, s0  }
.Ltmp0:
0x12: {  	s7 =	sadd.s32 s1, s5;
	[dreg:$0x8] =	wrdreg s26;
	(pc) =	sbr.rel .LBB2_1-.Ltmp0, $4  }
0x13: {  	s25 =	smax.u32 s11, $0x1;
	s26 =	simm.s32 $0x8A00;
	[dreg:$0x9] =	wrdreg s10  }
0x14: {  	s1 =	simm.s32 $0x5;
	s24 =	sadd.s32 $0xC400, s0;
	[dreg:$0x7] =	wrdreg s25  }
0x15: {  	s0 =	sadd.s32 $0x34400, s0;
	s25 =	simm.s32 $0xA;
	[dreg:$0x5] =	wrdreg s24  }
0x16: {  	[dreg:$0x6] =	wrdreg s0;
	s24 =	simm.s32 $0x6A00;
	s0 =	simm.s32 $0x4  }
.LBB2_3:
0x17: {  	_ =	swait.ge [sflag:s17], $0x2000  }
0x18: {  	[sflag:s17] =	ssyncset.done $0x0  }
0x19: {  	[sflag:s17] =	ssyncadd.s32 $0xFFFFE000  }
0x1a: {  	_ =	swait.ge [sflag:s21], $0x2000  }
0x1b: {  	[sflag:s21] =	ssyncset.done $0x0  }
0x1c: {  	[sflag:s21] =	ssyncadd.s32 $0xFFFFE000  }
0x1d: {  	_ =	swait.ge [sflag:s13], $0x2000  }
0x1e: {  	[sflag:s13] =	ssyncset.done $0x0  }
0x1f: {  	[sflag:s13] =	ssyncadd.s32 $0xFFFFE000  }
0x20: {  	_ =	swait.ge [sflag:s23], $0x2000  }
0x21: {  	[sflag:s23] =	ssyncset.done $0x0  }
0x22: {  	[sflag:s23] =	ssyncadd.s32 $0xFFFFE000  }
0x23: {  	_ =	swait.ge [sflag:s25], $0x2000  }
0x24: {  	[sflag:s25] =	ssyncset.done $0x0  }
0x25: {  	[sflag:s25] =	ssyncadd.s32 $0xFFFFE000  }
.LBB2_5:
0x26: {  	[bflag:$0x0] =	sbarrier.arrive $0xFFFF  }
0x27: {  	s4 =	rddreg [dreg:$0x6]  }
0x28: {  	s9 =	simm.s32 $0x10;
	s10 =	rddreg [dreg:$0x9]  }
0x29: {  	[hbm:s4@s9], [sflag:s6] =	dma.strided [spmem:s10@s13], $0x1400, s12, $0x8   }
0x2a: {  	_ =	swait.ge [sflag:s15], $0x1400  }
0x2b: {  	s29 =	sadd.s32 $0x1, s29;
	s16 =	rddreg [dreg:$0x7]  }
0x2c: {  	p0 =	sne.s32 s29, s16  }
.Ltmp1:
0x2d: {  	_ = 	snop;
	(pc) =	sbr.rel @!p0 .LBB2_6-.Ltmp1, $3  }
0x2e: {  	_ =	sdelay $0x1  }
0x2f: {  	[sflag:s15] =	ssyncset.done $0x0  }
0x30: {  	[sflag:s15] =	ssyncadd.s32 $0xFFFFEC00  }
.LBB2_1:
0x31: {  	s4 =	rddreg [dreg:$0x5]  }
0x32: {  	s5 =	rddreg [dreg:$0x8]  }
0x33: {  	[spmem:s5@s13], [sflag:s6] =	dma.strided [hbm:s4@s9], $0x1400, s12, $0x8   }
0x34: {  	_ =	swait.ge [sflag:s15], $0x1400  }
0x35: {  	[sflag:s15] =	ssyncset.done $0x0  }
0x36: {  	[sflag:s15] =	ssyncadd.s32 $0xFFFFEC00  }
0x37: {  	[spmem:s10@s13], [sflag:s6] =	dma.strided [hbm:s4@s9], $0x1400, s12, $0x8   }
0x38: {  	_ =	swait.ge [sflag:s15], $0x1400  }
0x39: {  	[sflag:s15] =	ssyncset.done $0x0  }
0x3a: {  	[sflag:s15] =	ssyncadd.s32 $0xFFFFEC00  }
0x3b: {  	s4 =	simm.s32 $0x0;
	[bflag:$0x0] =	sbarrier.arrive $0xFFFF  }
0x3c: {  	[tilespmem:s4], [sflag:$0xC] =	stream.linear.gather [hbm4b:s7+s4], $0x280, $0x38;
	[tilespmem:$0x1EA00] =	vst v63  }
0x3d: {  	_ =	swait.ge [sflag:s15], $0x280  }
0x3e: {  	[sflag:s15] =	ssyncset.done $0x0  }
0x3f: {  	s11 =	simm.s32 $0x280;
	[sflag:s15] =	ssyncadd.s32 $0xFFFFFD80  }
0x40: {  	[tilespmem:s11], [sflag:$0xC] =	stream.linear.gather [hbm4b:s8+s4], $0x280, $0x38;
	[tilespmem:$0x1EA00] =	vst v63  }
0x41: {  	_ =	swait.ge [sflag:s15], $0x280  }
0x42: {  	[sflag:s15] =	ssyncset.done $0x0  }
0x43: {  	[sflag:s15] =	ssyncadd.s32 $0xFFFFFD80  }
0x44: {  	[tilespmem:s19], [sflag:$0x1] =	stream.indirect.gather [spmem:s2], $0x40, s4, s18, $0xb8;
	[tilespmem:$0x1EA00] =	vst v63  }
0x45: {  	_ = 	snop  }
0x46: {  	[tilespmem:s20], [sflag:$0x2] =	stream.indirect.gather [spmem:s2], $0x40, s18, s18, $0xb8;
	[tilespmem:$0x1EA00] =	vst v63  }
0x47: {  	s14 =	simm.s32 $0x100  }
0x48: {  	[tilespmem:s22], [sflag:$0x3] =	stream.indirect.gather [spmem:s2], $0x40, s14, s18, $0xb8;
	[tilespmem:$0x1EA00] =	vst v63  }
0x49: {  	s16 =	simm.s32 $0x180  }
0x4a: {  	[tilespmem:s24], [sflag:$0x4] =	stream.indirect.gather [spmem:s2], $0x40, s16, s18, $0xb8;
	[tilespmem:$0x1EA00] =	vst v63  }
0x4b: {  	s9 =	simm.s32 $0x200;
	s10 =	sadd.s32 $0x50, s7  }
0x4c: {  	[tilespmem:s26], [sflag:$0x5] =	stream.indirect.gather [spmem:s2], $0x40, s9, s18, $0xb8;
	[tilespmem:$0x1EA00] =	vst v63  }
0x4d: {  	s11 =	simm.s32 $0x500;
	s14 =	sadd.s32 $0x50, s8;
	s16 =	simm.s32 $0x780  }
0x4e: {  	[tilespmem:s11], [sflag:$0xB] =	stream.linear.gather [hbm4b:s10+s4], $0x280, $0x38;
	[tilespmem:$0x1EA00] =	vst v63  }
0x4f: {  	s9 =	sadd.s32 $0xA0, s8;
	s10 =	sadd.s32 $0xA0, s7;
	s11 =	simm.s32 $0x0  }
0x50: {  	[tilespmem:s16], [sflag:$0xB] =	stream.linear.gather [hbm4b:s14+s4], $0x280, $0x38;
	[tilespmem:$0x1EA00] =	vst v63  }
.LBB2_2:
0x51: {  	s16 =	sand.u32 $0x1, s11  }
0x52: {  	s5 =	smul.u32 $0x1400, s16  }
0x53: {  	_ =	swait.ge [sflag:s12], $0x2000  }
0x54: {  	[sflag:s12] =	ssyncset.done $0x0;
	s14 =	sshrl.u32 s5, $0x2  }
0x55: {  	[sflag:s12] =	ssyncadd.s32 $0xFFFFE000;
	s5 =	sadd.s32 $0x280, s14  }
0x56: {  	[spmem:s3] =	stream.indirect.scatter.add.f32 [tilespmem:s19], [sflag:$0x6], $0x40, s5, s18, $0xb8;
	[tilespmem:$0x1EA00] =	vst v63  }
0x57: {  	_ =	swait.ge [sflag:s30], $0x2000  }
0x58: {  	[sflag:s30] =	ssyncset.done $0x0  }
0x59: {  	s4 =	sadd.s32 $0x300, s14;
	[sflag:s30] =	ssyncadd.s32 $0xFFFFE000  }
0x5a: {  	[spmem:s3] =	stream.indirect.scatter.add.f32 [tilespmem:s20], [sflag:$0x7], $0x40, s4, s18, $0xb8;
	[tilespmem:$0x1EA00] =	vst v63  }
0x5b: {  	_ =	swait.ge [sflag:s31], $0x2000  }
0x5c: {  	[sflag:s31] =	ssyncset.done $0x0  }
0x5d: {  	s4 =	sadd.s32 $0x380, s14;
	[sflag:s31] =	ssyncadd.s32 $0xFFFFE000  }
0x5e: {  	[spmem:s3] =	stream.indirect.scatter.add.f32 [tilespmem:s22], [sflag:$0x8], $0x40, s4, s18, $0xb8;
	[tilespmem:$0x1EA00] =	vst v63  }
0x5f: {  	_ =	swait.ge [sflag:s0], $0x2000  }
0x60: {  	[sflag:s0] =	ssyncset.done $0x0  }
0x61: {  	p0 =	sne.s32 s11, $0x1F;
	s4 =	sadd.s32 $0x400, s14;
	[sflag:s0] =	ssyncadd.s32 $0xFFFFE000  }
0x62: {  	[spmem:s3] =	stream.indirect.scatter.add.f32 [tilespmem:s24], [sflag:$0x9], $0x40, s4, s18, $0xb8;
	[tilespmem:$0x1EA00] =	vst v63  }
.Ltmp2:
0x63: {  	_ = 	snop;
	(pc) =	sbr.rel @!p0 .LBB2_3-.Ltmp2, $4  }
0x64: {  	_ =	swait.ge [sflag:s1], $0x2000  }
0x65: {  	[sflag:s1] =	ssyncset.done $0x0  }
0x66: {  	s4 =	sadd.s32 $0x480, s14;
	[sflag:s1] =	ssyncadd.s32 $0xFFFFE000  }
0x67: {  	[spmem:s3] =	stream.indirect.scatter.add.f32 [tilespmem:s26], [sflag:$0xA], $0x40, s4, s18, $0xb8;
	[tilespmem:$0x1EA00] =	vst v63  }
0x68: {  	_ =	swait.ge [sflag:s28], $0x280  }
0x69: {  	[sflag:s28] =	ssyncset.done $0x0  }
0x6a: {  	[sflag:s28] =	ssyncadd.s32 $0xFFFFFD80  }
0x6b: {  	_ =	swait.ge [sflag:s28], $0x280  }
0x6c: {  	[sflag:s28] =	ssyncset.done $0x0  }
0x6d: {  	s4 =	sxor.u32 $0x1, s16;
	[sflag:s28] =	ssyncadd.s32 $0xFFFFFD80  }
0x6e: {  	s4 =	smul.u32 $0x1400, s4;
	_ =	swait.ge [sflag:s17], $0x2000  }
0x6f: {  	[sflag:s17] =	ssyncset.done $0x0  }
0x70: {  	s4 =	sshrl.u32 s4, $0x2;
	[sflag:s17] =	ssyncadd.s32 $0xFFFFE000  }
0x71: {  	[tilespmem:s19], [sflag:$0x1] =	stream.indirect.gather [spmem:s2], $0x40, s4, s18, $0xb8;
	[tilespmem:$0x1EA00] =	vst v63  }
0x72: {  	_ =	swait.ge [sflag:s21], $0x2000  }
0x73: {  	[sflag:s21] =	ssyncset.done $0x0  }
0x74: {  	s16 =	sor.u32 $0x80, s4;
	[sflag:s21] =	ssyncadd.s32 $0xFFFFE000  }
0x75: {  	[tilespmem:s20], [sflag:$0x2] =	stream.indirect.gather [spmem:s2], $0x40, s16, s18, $0xb8;
	[tilespmem:$0x1EA00] =	vst v63  }
0x76: {  	_ =	swait.ge [sflag:s13], $0x2000  }
0x77: {  	[sflag:s13] =	ssyncset.done $0x0  }
0x78: {  	s16 =	sadd.s32 $0x100, s4;
	[sflag:s13] =	ssyncadd.s32 $0xFFFFE000  }
0x79: {  	[tilespmem:s22], [sflag:$0x3] =	stream.indirect.gather [spmem:s2], $0x40, s16, s18, $0xb8;
	[tilespmem:$0x1EA00] =	vst v63  }
0x7a: {  	_ =	swait.ge [sflag:s23], $0x2000  }
0x7b: {  	[sflag:s23] =	ssyncset.done $0x0  }
0x7c: {  	s16 =	sadd.s32 $0x180, s4;
	[sflag:s23] =	ssyncadd.s32 $0xFFFFE000  }
0x7d: {  	[tilespmem:s24], [sflag:$0x4] =	stream.indirect.gather [spmem:s2], $0x40, s16, s18, $0xb8;
	[tilespmem:$0x1EA00] =	vst v63  }
0x7e: {  	_ =	swait.ge [sflag:s25], $0x2000  }
0x7f: {  	[sflag:s25] =	ssyncset.done $0x0  }
0x80: {  	p0 =	sgt.u32 s11, $0x1D;
	s4 =	sadd.s32 $0x200, s4;
	[sflag:s25] =	ssyncadd.s32 $0xFFFFE000  }
0x81: {  	[tilespmem:s26], [sflag:$0x5] =	stream.indirect.gather [spmem:s2], $0x40, s4, s18, $0xb8;
	[tilespmem:$0x1EA00] =	vst v63  }
0x82: {  	s4 =	simm.s32 @!p0 $0x0  }
0x83: {  	[tilespmem:s14], [sflag:$0xB] =	stream.linear.gather @!p0 [hbm4b:s10+s4], $0x280, $0x38;
	[tilespmem:$0x1EA00] =	vst v63  }
0x84: {  	s11 =	sadd.s32 $0x1, s11  }
0x85: {  	[tilespmem:s5], [sflag:$0xB] =	stream.linear.gather @!p0 [hbm4b:s9+s4], $0x280, $0x38;
	[tilespmem:$0x1EA00] =	vst v63  }
0x86: {  	p0 =	sne.s32 s11, $0x20  }
.Ltmp3:
0x87: {  	_ = 	snop;
	(pc) =	sbr.rel @p0 .LBB2_2-.Ltmp3, $4  }
.Ltmp4:
0x88: {  	_ = 	snop;
	(pc) =	sbr.rel @!p0 .LBB2_5-.Ltmp4, $4  }
0x89: {  	_ = 	snop  }
0x8a: {  	_ = 	snop  }
0x8b: {  	s10 =	sadd.s32 $0x50, s10;
	s9 =	sadd.s32 $0x50, s9  }
0x8c: {  	_ = 	snop  }
.LBB2_6:
0x8d: {  	_ =	sfence.sel $0x180000  }
0x8e: {  	[bflag:$0x0] =	sbarrier.arrive $0xFFFF  }
0x8f: {  	_ =	strace $0x9000004A  }
0x90: {  	s0 =	stileid.u32;
	[bflag:$0x2] =	sbarrier.arrive $0xFFFF  }
0x91: {  	p0 =	sne.s32 s0, $0x0;
	s0 =	rddreg [dreg:$0x4]  }
0x92: {  	s0 =	sadd.s32 @!p0 $0x100000, s0  }
0x93: {  	[sflag:s0] =	ssyncadd.tile.s32 @!p0 $0x1;
	_ =	shalt  }
.Lfunc_end2:
_tile_overlayer_lowered:
.L_overlay_start_2:
0x94: {  	(tag) =	ssettag $0x2  }
0x95: {  	s0 =	rddreg [dreg:$0x0];
	s2 =	stileid.u32  }
0x96: {  	s1 =	rddreg [dreg:$0x1];
	p0 =	sne.s32 s2, $0x0  }
0x97: {  	s3 =	rddreg [dreg:$0x2];
	[bflag:$0x3] =	sbarrier.arrive $0xFFFF;
	s2 =	simm.s32 @!p0 $0x1C0C  }
0x98: {  	[timem:s3], [sflag:s2] =	dma.local @!p0 [hbm:s0], s1  }
0x99: {  	s0 =	simm.s32 @!p0 $0xC  }
0x9a: {  	_ =	swait.ge @!p0 [sflag:s0], s1  }
0x9b: {  	s1 =	ssub.s32 @!p0 $0x0, s1;
	[sflag:s0] =	ssyncset.done @!p0 $0x0  }
0x9c: {  	[sflag:s0] =	ssyncadd.s32 @!p0 s1  }
0x9d: {  	[bflag:$0x3] =	sbarrier.arrive $0xFFFF  }
0x9e: {  	_ =	shalt  }

// kernel: kernel.14.cloned.1.call-start
scs
__scs_entry_jumppad:
0x0: {  	(pc) =	sbr.rel $0x88, $3  }
0x1: {  	(tag) =	ssettag $0x0;
	lr =	simm.s32 $0x1  }
0x2: {  	[smem:$0x3F9B] =	sst lr;
	_ =	strace $0xD0000000  }
0x3: {  	_ = 	snop  }
0x4: {  	_ = 	snop  }
0x5: {  	_ = 	snop  }
0x6: {  	_ = 	snop  }
0x7: {  	_ = 	snop  }
__scs_overlays_trampoline_lowered:
0x8: {  	[smem:$0x3FAA] =	sst s0  }
0x9: {  	[smem:$0x3FAB] =	sst s1  }
0xa: {  	[smem:$0x3FAC] =	sst s2  }
0xb: {  	[smem:$0x3FAD] =	sst s3  }
0xc: {  	[smem:$0x3FAE] =	sst s4  }
0xd: {  	[smem:$0x3FAF] =	sst s5  }
0xe: {  	[smem:$0x3FB0] =	sst s6  }
0xf: {  	[smem:$0x3FB1] =	sst s7  }
0x10: {  	[smem:$0x3FB2] =	sst s8  }
0x11: {  	[smem:$0x3FB3] =	sst s9;
	s0 =	simm.s32 @!p0 $0x0  }
0x12: {  	s1 =	sld [smem:$0x3F99];
	s0 =	simm.s32 @p0 $0x1  }
0x13: {  	[smem:$0x3FB4] =	sst s0;
	s0 =	simm.s32 @!p1 $0x0  }
0x14: {  	s2 =	sld [smem:$0x3F98];
	s0 =	simm.s32 @p1 $0x1  }
0x15: {  	[smem:$0x3FB5] =	sst s0;
	s0 =	simm.s32 @!p2 $0x0  }
0x16: {  	s3 =	sld [smem:$0x3FDB];
	s0 =	simm.s32 @p2 $0x1  }
0x17: {  	s4 =	simm.s32 $0x1BF5;
	[smem:$0x3FB7] =	sst s0  }
0x18: {  	s0 =	sld [smem:$0x3F9A];
	_ =	swait.ge [sflag:s4], $0x0  }
0x19: {  	s7 =	sld [smem:$0x3F9B]  }
0x1a: {  	s8 =	sadd.s32 $0xFFFFE003, lr  }
0x1b: {  	s9 =	sadd.s32 $0xFFFFFEF7, lr;
	s5 =	simm.s32 $0xFFFFFFFF;
	p2 =	slt.u32 s8, $0xFFFFF086  }
0x1c: {  	p1 =	slt.u32 s9, $0xF7A;
	s5 =	simm.s32 @!p2 $0x0  }
0x1d: {  	s5 =	simm.s32 @p1 $0x1;
	p0 =	seq.s32 s7, s2  }
0x1e: {  	s7 =	smul.u32 @!p0 $0xF7A, s2;
	p2 =	seq.s32 @!p0 s5, $0x0  }
0x1f: {  	s9 =	smul.u32 $0xF7A, s1;
	s8 =	simm.s32 @!p0 $0x1BF5;
	p2 =	por !p2, p0  }
0x20: {  	[sflag:s8] =	ssyncset.s32 @!p0 $0xFFFFF086;
	s6 =	sadd.s32 @!p0 s3, s7;
	s7 =	simm.s32 @!p0 $0x108  }
0x21: {  	s3 =	sadd.s32 s3, s9;
	s6 =	sadd.s32 @!p0 $0x88, s6;
	s7 =	simm.s32 @p2 $0x1082  }
0x22: {  	[simem:s7], [sflag:s8] =	dma.local @!p0 [hbm:s6], $0xF7A  }
0x23: {  	s9 =	sor.u32 $0xD0000000, s2;
	s6 =	simm.s32 $0x108;
	_ =	swait.ge @!p0 [sflag:s8], $0x0  }
0x24: {  	s3 =	sadd.s32 $0x88, s3;
	s6 =	simm.s32 @!p1 $0x1082;
	[sflag:s4] =	ssyncset.s32 $0xFFFFF086  }
0x25: {  	[simem:s6], [sflag:s4] =	dma.local [hbm:s3], $0xF7A  }
0x26: {  	[smem:$0x3F9B] =	sst s1;
	(tag) =	ssettag s2;
	_ =	strace s9  }
0x27: {  	s1 =	sld [smem:$0x3FAB]  }
0x28: {  	s2 =	sld [smem:$0x3FAC]  }
0x29: {  	s4 =	sld [smem:$0x3FAE]  }
0x2a: {  	p0 =	seq.s32 s5, $0x0;
	s5 =	sld [smem:$0x3FAF]  }
0x2b: {  	s6 =	sld [smem:$0x3FB0]  }
0x2c: {  	s7 =	sld [smem:$0x3FB1]  }
0x2d: {  	s3 =	simm.s32 $0x108;
	s8 =	sld [smem:$0x3FB2]  }
0x2e: {  	s3 =	simm.s32 @!p0 $0x1082;
	s9 =	sld [smem:$0x3FB3]  }
0x2f: {  	lr =	sadd.s32 s0, s3;
	s0 =	sld [smem:$0x3FAA]  }
0x30: {  	s3 =	sld [smem:$0x3FAD]  }
0x31: {  	[smem:$0x3FB6] =	sst s10  }
0x32: {  	s10 =	sld [smem:$0x3FB4];
	_ =	sdelay $0x3  }
0x33: {  	p0 =	seq.s32 s10, $0x1;
	s10 =	sld [smem:$0x3FB6];
	_ =	sdelay $0x3  }
0x34: {  	[smem:$0x3FB6] =	sst s10  }
0x35: {  	s10 =	sld [smem:$0x3FB5];
	_ =	sdelay $0x3  }
0x36: {  	p1 =	seq.s32 s10, $0x1;
	s10 =	sld [smem:$0x3FB6];
	_ =	sdelay $0x3  }
0x37: {  	[smem:$0x3FB6] =	sst s10  }
0x38: {  	s10 =	sld [smem:$0x3FB7]  }
0x39: {  	_ = 	snop;
	(pc) =	sbr.ind lr, $3  }
0x3a: {  	_ = 	snop  }
0x3b: {  	_ = 	snop  }
0x3c: {  	p2 =	seq.s32 s10, $0x1;
	s10 =	sld [smem:$0x3FB6]  }
0x3d: {  	_ =	shalt  }
0x3e: {  	_ =	shalt  }
0x3f: {  	_ =	shalt  }
0x40: {  	_ =	shalt  }
0x41: {  	_ =	shalt  }
0x42: {  	_ =	shalt  }
0x43: {  	_ =	shalt  }
0x44: {  	_ =	shalt  }
0x45: {  	_ =	shalt  }
0x46: {  	_ =	shalt  }
0x47: {  	_ =	shalt  }
0x48: {  	_ =	shalt  }
0x49: {  	_ =	shalt  }
0x4a: {  	_ =	shalt  }
0x4b: {  	_ =	shalt  }
0x4c: {  	_ =	shalt  }
0x4d: {  	_ =	shalt  }
0x4e: {  	_ =	shalt  }
0x4f: {  	_ =	shalt  }
0x50: {  	_ =	shalt  }
0x51: {  	_ =	shalt  }
0x52: {  	_ =	shalt  }
0x53: {  	_ =	shalt  }
0x54: {  	_ =	shalt  }
0x55: {  	_ =	shalt  }
0x56: {  	_ =	shalt  }
0x57: {  	_ =	shalt  }
0x58: {  	_ =	shalt  }
0x59: {  	_ =	shalt  }
0x5a: {  	_ =	shalt  }
0x5b: {  	_ =	shalt  }
0x5c: {  	_ =	shalt  }
0x5d: {  	_ =	shalt  }
0x5e: {  	_ =	shalt  }
0x5f: {  	_ =	shalt  }
0x60: {  	_ =	shalt  }
0x61: {  	_ =	shalt  }
0x62: {  	_ =	shalt  }
0x63: {  	_ =	shalt  }
0x64: {  	_ =	shalt  }
0x65: {  	_ =	shalt  }
0x66: {  	_ =	shalt  }
0x67: {  	_ =	shalt  }
0x68: {  	_ =	shalt  }
0x69: {  	_ =	shalt  }
0x6a: {  	_ =	shalt  }
0x6b: {  	_ =	shalt  }
0x6c: {  	_ =	shalt  }
0x6d: {  	_ =	shalt  }
0x6e: {  	_ =	shalt  }
0x6f: {  	_ =	shalt  }
0x70: {  	_ =	shalt  }
0x71: {  	_ =	shalt  }
0x72: {  	_ =	shalt  }
0x73: {  	_ =	shalt  }
0x74: {  	_ =	shalt  }
0x75: {  	_ =	shalt  }
0x76: {  	_ =	shalt  }
0x77: {  	_ =	shalt  }
0x78: {  	_ =	shalt  }
0x79: {  	_ =	shalt  }
0x7a: {  	_ =	shalt  }
0x7b: {  	_ =	shalt  }
0x7c: {  	_ =	shalt  }
0x7d: {  	_ =	shalt  }
0x7e: {  	_ =	shalt  }
0x7f: {  	_ =	shalt  }
0x80: {  	_ =	shalt  }
0x81: {  	_ =	shalt  }
0x82: {  	_ =	shalt  }
0x83: {  	_ =	shalt  }
0x84: {  	_ =	shalt  }
0x85: {  	_ =	shalt  }
0x86: {  	_ =	shalt  }
0x87: {  	_ =	shalt  }
.Lfunc_end0:
.L_simem_size_0:
called_computation.2_lowered:
.L_overlay_start_0:
0x88: {  	s2 =	sld [smem:$0x3FD9]  }
0x89: {  	s3 =	sld [smem:$0x3FFE];
	_ =	sdelay $0x1  }
0x8a: {  	s1 =	srdreg.scid  }
0x8b: {  	s0 =	sand.u32 $0x1, s1  }
0x8c: {  	s17 =	sshll.u32 s0, $0xA;
	s2 =	sadd.s32 s3, s2  }
0x8d: {  	s2 =	sadd.s32 s2, s17  }
0x8e: {  	[smem:$0x3FC2] =	sst s2  }
0x8f: {  	_ = 	snop  }
0x90: {  	s2 =	sld [smem:$0x3FD0];
	(tm) =	ssettm $0x1  }
0x91: {  	s18 =	sld [smem:$0x3FFB];
	_ =	sdelay $0x3  }
0x92: {  	_ =	strace s18  }
0x93: {  	s3 =	sld [smem:$0x3FFC];
	_ =	sdelay $0x3  }
0x94: {  	_ =	strace s3  }
0x95: {  	s3 =	sld [smem:$0x3FFD];
	_ =	sdelay $0x3  }
0x96: {  	_ =	strace s3  }
0x97: {  	_ =	strace $0x8FFFFFFF  }
0x98: {  	s19 =	sld [smem:$0x3FDB];
	_ =	sdelay $0x1  }
0x99: {  	s4 =	simm.s32 $_scs_section_size  }
0x9a: {  	s5 =	simm.s32 $_size__tile_overlayer_lowered;
	s6 =	simm.s32 $_tile_overlayer_lowered  }
0x9b: {  	s22 =	simm.s32 $0x1BFF;
	s21 =	sshll.u32 s6, $0x1;
	s3 =	sadd.s32 s4, s19  }
0x9c: {  	s7 =	simm.s32 $0x0;
	s20 =	sshll.u32 s5, $0x1;
	s5 =	sadd.s32 s21, s3  }
0x9d: {  	[timem:s7], [sflag:s22] =	dma.local [hbm:s5], s20  }
0x9e: {  	_ =	swait.ge [sflag:s22], s20  }
0x9f: {  	s4 =	ssub.s32 $0x0, s20;
	[sflag:s22] =	ssyncset.done $0x0  }
0xa0: {  	[sflag:s22] =	ssyncadd.s32 s4;
	_ =	sdelay $0x1  }
0xa1: {  	s23 =	simm.s32 $0x1B8B  }
0xa2: {  	_ =	swait.ge [sflag:s23], $0x1  }
0xa3: {  	[sflag:s23] =	ssyncset.done $0x0  }
0xa4: {  	s25 =	simm.s32 $0x1B8E;
	s24 =	sld [smem:$0x3FFE];
	[sflag:s23] =	ssyncadd.s32 $0xFFFFFFFF  }
0xa5: {  	s26 =	simm.s32 $execute0_lowered;
	[smem:$0x3FD2] =	sst s25  }
0xa6: {  	s5 =	sshll.u32 s26, $0x1;
	_ =	strace $0x8000004C;
	[dreg:$0x1] =	wrdreg $0xFFFFFFFF  }
0xa7: {  	s28 =	simm.s32 $_size_execute0_lowered;
	s3 =	sadd.s32 s3, s5;
	[dreg:$0x0] =	wrdreg $0x0  }
0xa8: {  	s5 =	sshll.u32 s28, $0x1;
	[dreg:$0x2] =	wrdreg s3  }
0xa9: {  	[dreg:$0x3] =	wrdreg s5  }
0xaa: {  	[dreg:$0x4] =	wrdreg $0xC0  }
0xab: {  	_ =	task [dreg:s7], $0x5FFFF  }
0xac: {  	[dreg:$0x1] =	wrdreg $0xFFFFFFFF  }
0xad: {  	[dreg:$0x0] =	wrdreg $0x60  }
0xae: {  	[dreg:$0x2] =	wrdreg s24  }
0xaf: {  	[dreg:$0x3] =	wrdreg s2  }
0xb0: {  	[dreg:$0x4] =	wrdreg $0x82000  }
0xb1: {  	[dreg:$0x5] =	wrdreg $0xFA000  }
0xb2: {  	[dreg:$0x6] =	wrdreg $0x9  }
0xb3: {  	_ =	task.clear_ibuf [dreg:s7], $0x7FFFF;
	_ =	strace $0x9000004C  }
0xb4: {  	s29 =	simm.s32 $0x9;
	_ =	strace $0x8000004E  }
0xb5: {  	_ =	swait.ge [sflag:s29], $0x1  }
0xb6: {  	[sflag:s29] =	ssyncadd.s32 $0xFFFFFFFF  }
0xb7: {  	_ =	strace $0x9000004E  }
0xb8: {  	_ =	sfence  }
0xb9: {  	s30 =	sld [smem:$0x0];
	_ =	sdelay $0x2  }
0xba: {  	s31 =	sshll.u32 s1, $0xD;
	s1 =	sshrl.u32 s1, $0x2  }
0xbb: {  	s3 =	sand.u32 $0x4000, s31;
	s1 =	sadd.s32 s1, s30  }
0xbc: {  	s0 =	sor.u32 s3, s0;
	s1 =	sshll.u32 s1, $0x11  }
0xbd: {  	s0 =	sor.u32 s1, s0  }
0xbe: {  	s0 =	sadd.s32 $0x8F2B, s0  }
0xbf: {  	[sflag:s0] =	ssyncadd.remote.s32 $0x1  }
0xc0: {  	_ =	sfence.sel $0xFFFF  }
0xc1: {  	[dreg:$0x0] =	wrdreg $0xFFFFFFFF;
	(pc) =	sbr.abs _section_cstart, $3  }
0xc2: {  	[dreg:$0x1] =	wrdreg $0xFFFFFFFF  }
0xc3: {  	_ =	task.clear_ibuf [dreg:s7], $0x2FFFF;
	_ =	strace $0x9FFFFFFF  }
0xc4: {  	(tm) =	ssettm $0x7FFFFFFF  }
0xc5: {  	_ =	shalt  }
tec
execute0_lowered:
.L_overlay_start_1:
0x0: {  	(tag) =	ssettag $0x1  }
0x1: {  	s0 =	srdreg.scid;
	s1 =	rddreg [dreg:$0x0]  }
0x2: {  	s5 =	rddreg [dreg:$0x1];
	s13 =	stileid.u32  }
0x3: {  	s2 =	rddreg [dreg:$0x2];
	s22 =	simm.s32 $0x0;
	s16 =	simm.s32 $0x80  }
0x4: {  	s17 =	simm.s32 $0xA00;
	s18 =	simm.s32 $0x2200;
	s20 =	simm.s32 $0x3A00  }
0x5: {  	s28 =	simm.s32 $0x1;
	s29 =	simm.s32 $0x2;
	s30 =	simm.s32 $0x3  }
0x6: {  	s31 =	simm.s32 $0x4;
	s15 =	simm.s32 $0x7;
	s19 =	simm.s32 $0x8  }
0x7: {  	s21 =	simm.s32 $0x9;
	s0 =	sand.u32 $0x1, s0;
	s8 =	smul.u32 $0x7800, s13  }
0x8: {  	[smem:$0x7FF] =	sst s22;
	s24 =	sshll.u32 s13, $0x6;
	s22 =	simm.s32 $0x5200  }
0x9: {  	s3 =	sshll.u32 s0, $0x4;
	s6 =	smul.u32 $0x78000, s0;
	s10 =	ssub.s32 $0x2, s0  }
0xa: {  	p0 =	seq.s32 s0, $0x0;
	s0 =	simm.s32 $0x6;
	s4 =	sor.u32 s13, s3  }
0xb: {  	s3 =	rddreg [dreg:$0x3];
	_ =	strace $0x8000004D;
	s11 =	sshrl.u32 s8, $0x3  }
0xc: {  	s12 =	sshrl.u32 s10, $0x1;
	s23 =	sadd.s32 s8, s2;
	s13 =	simm.s32 $0xC  }
0xd: {  	s7 =	smul.u32 $0x500, s4;
	s6 =	sadd.s32 s8, s6;
	s11 =	sadd.s32 s11, s1  }
0xe: {  	s10 =	ssub.s32 s10, s12;
	s14 =	sadd.s32 s8, s3;
	s26 =	sshrl.u32 s23, $0x3  }
0xf: {  	s23 =	simm.s32 $0xA;
	s6 =	sshrl.u32 s6, $0x3;
	s4 =	sadd.s32 $0xC400, s11  }
0x10: {  	s11 =	sadd.s32 $0x1B400, s11;
	s25 =	smax.u32 s10, $0x1;
	[dreg:$0x9] =	wrdreg s26  }
0x11: {  	s26 =	simm.s32 $0x0;
	s9 =	sadd.s32 s7, s1;
	s1 =	sadd.s32 s6, s1  }
.Ltmp0:
0x12: {  	s6 =	sor.u32 $0x1C0C, s24;
	[dreg:$0x8] =	wrdreg s25;
	(pc) =	sbr.rel .LBB2_1-.Ltmp0, $4  }
0x13: {  	s8 =	sadd.s32 s5, s7;
	[dreg:$0x5] =	wrdreg s4;
	s11 =	smov.u32 @p0 s4  }
0x14: {  	s7 =	sshrl.u32 s14, $0x3;
	s24 =	simm.s32 $0x6A00;
	[dreg:$0x6] =	wrdreg s11  }
0x15: {  	s25 =	simm.s32 $0xB;
	s1 =	sadd.s32 $0x2A400, s1;
	[dreg:$0xa] =	wrdreg s7  }
0x16: {  	s9 =	sadd.s32 $0x2400, s9;
	[dreg:$0x7] =	wrdreg s1;
	s1 =	simm.s32 $0x5  }
.LBB2_3:
0x17: {  	_ =	swait.ge [sflag:s0], $0x1800  }
0x18: {  	[sflag:s0] =	ssyncset.done $0x0  }
0x19: {  	[sflag:s0] =	ssyncadd.s32 $0xFFFFE800  }
0x1a: {  	_ =	swait.ge [sflag:s15], $0x1800  }
0x1b: {  	[sflag:s15] =	ssyncset.done $0x0  }
0x1c: {  	[sflag:s15] =	ssyncadd.s32 $0xFFFFE800  }
0x1d: {  	_ =	swait.ge [sflag:s19], $0x1800  }
0x1e: {  	[sflag:s19] =	ssyncset.done $0x0  }
0x1f: {  	[sflag:s19] =	ssyncadd.s32 $0xFFFFE800  }
0x20: {  	_ =	swait.ge [sflag:s21], $0x1800  }
0x21: {  	[sflag:s21] =	ssyncset.done $0x0  }
0x22: {  	[sflag:s21] =	ssyncadd.s32 $0xFFFFE800  }
0x23: {  	_ =	swait.ge [sflag:s23], $0x1800  }
0x24: {  	[sflag:s23] =	ssyncset.done $0x0  }
0x25: {  	[sflag:s23] =	ssyncadd.s32 $0xFFFFE800  }
.LBB2_5:
0x26: {  	[bflag:$0x0] =	sbarrier.arrive $0xFFFF  }
0x27: {  	s4 =	rddreg [dreg:$0x7]  }
0x28: {  	s7 =	rddreg [dreg:$0xa]  }
0x29: {  	[hbm:s4], [sflag:s6] =	dma.local [spmem:s7], $0xF00  }
0x2a: {  	_ =	swait.ge [sflag:s13], $0xF00  }
0x2b: {  	s26 =	sadd.s32 $0x1, s26;
	s14 =	rddreg [dreg:$0x8]  }
0x2c: {  	p0 =	sne.s32 s26, s14  }
.Ltmp1:
0x2d: {  	_ = 	snop;
	(pc) =	sbr.rel @!p0 .LBB2_6-.Ltmp1, $3  }
0x2e: {  	_ =	sdelay $0x1  }
0x2f: {  	[sflag:s13] =	ssyncset.done $0x0  }
0x30: {  	[sflag:s13] =	ssyncadd.s32 $0xFFFFF100  }
.LBB2_1:
0x31: {  	s4 =	rddreg [dreg:$0x5]  }
0x32: {  	s5 =	rddreg [dreg:$0x9]  }
0x33: {  	[spmem:s5], [sflag:s6] =	dma.local [hbm:s4], $0xF00  }
0x34: {  	_ =	swait.ge [sflag:s13], $0xF00  }
0x35: {  	[sflag:s13] =	ssyncset.done $0x0  }
0x36: {  	s10 =	rddreg [dreg:$0x6];
	[sflag:s13] =	ssyncadd.s32 $0xFFFFF100  }
0x37: {  	[spmem:s7], [sflag:s6] =	dma.local [hbm:s10], $0xF00  }
0x38: {  	_ =	swait.ge [sflag:s13], $0xF00  }
0x39: {  	[sflag:s13] =	ssyncset.done $0x0  }
0x3a: {  	[sflag:s13] =	ssyncadd.s32 $0xFFFFF100  }
0x3b: {  	s4 =	simm.s32 $0x0;
	[bflag:$0x0] =	sbarrier.arrive $0xFFFF  }
0x3c: {  	[tilespmem:s4], [sflag:$0xC] =	stream.linear.gather [hbm4b:s8+s4], $0x280, $0x38;
	[tilespmem:$0x17200] =	vst v63  }
0x3d: {  	_ =	swait.ge [sflag:s13], $0x280  }
0x3e: {  	[sflag:s13] =	ssyncset.done $0x0  }
0x3f: {  	s11 =	simm.s32 $0x280;
	[sflag:s13] =	ssyncadd.s32 $0xFFFFFD80  }
0x40: {  	[tilespmem:s11], [sflag:$0xC] =	stream.linear.gather [hbm4b:s9+s4], $0x280, $0x38;
	[tilespmem:$0x17200] =	vst v63  }
0x41: {  	_ =	swait.ge [sflag:s13], $0x280  }
0x42: {  	[sflag:s13] =	ssyncset.done $0x0  }
0x43: {  	[sflag:s13] =	ssyncadd.s32 $0xFFFFFD80  }
0x44: {  	[tilespmem:s17], [sflag:$0x1] =	stream.indirect.gather [spmem:s2], $0x30, s4, s16, $0xb8;
	[tilespmem:$0x17200] =	vst v63  }
0x45: {  	_ = 	snop  }
0x46: {  	[tilespmem:s18], [sflag:$0x2] =	stream.indirect.gather [spmem:s2], $0x30, s16, s16, $0xb8;
	[tilespmem:$0x17200] =	vst v63  }
0x47: {  	s12 =	simm.s32 $0x100  }
0x48: {  	[tilespmem:s20], [sflag:$0x3] =	stream.indirect.gather [spmem:s2], $0x30, s12, s16, $0xb8;
	[tilespmem:$0x17200] =	vst v63  }
0x49: {  	s14 =	simm.s32 $0x180  }
0x4a: {  	[tilespmem:s22], [sflag:$0x4] =	stream.indirect.gather [spmem:s2], $0x30, s14, s16, $0xb8;
	[tilespmem:$0x17200] =	vst v63  }
0x4b: {  	s5 =	sadd.s32 $0xA0, s9;
	s7 =	simm.s32 $0x200  }
0x4c: {  	[tilespmem:s24], [sflag:$0x5] =	stream.indirect.gather [spmem:s2], $0x30, s7, s16, $0xb8;
	[tilespmem:$0x17200] =	vst v63  }
0x4d: {  	s10 =	sadd.s32 $0x50, s8;
	s11 =	simm.s32 $0x500;
	s12 =	sadd.s32 $0x50, s9  }
0x4e: {  	[tilespmem:s11], [sflag:$0xB] =	stream.linear.gather [hbm4b:s10+s4], $0x280, $0x38;
	[tilespmem:$0x17200] =	vst v63  }
0x4f: {  	s14 =	simm.s32 $0x780;
	s10 =	sadd.s32 $0xA0, s8;
	s11 =	simm.s32 $0x0  }
0x50: {  	[tilespmem:s14], [sflag:$0xB] =	stream.linear.gather [hbm4b:s12+s4], $0x280, $0x38;
	[tilespmem:$0x17200] =	vst v63  }
.LBB2_2:
0x51: {  	s14 =	sand.u32 $0x1, s11  }
0x52: {  	s7 =	smul.u32 $0x1400, s14  }
0x53: {  	_ =	swait.ge [sflag:s28], $0x1800  }
0x54: {  	[sflag:s28] =	ssyncset.done $0x0;
	s12 =	sshrl.u32 s7, $0x2  }
0x55: {  	[sflag:s28] =	ssyncadd.s32 $0xFFFFE800;
	s7 =	sadd.s32 $0x280, s12  }
0x56: {  	[spmem:s3] =	stream.indirect.scatter.add.f32 [tilespmem:s17], [sflag:$0x6], $0x30, s7, s16, $0xb8;
	[tilespmem:$0x17200] =	vst v63  }
0x57: {  	_ =	swait.ge [sflag:s29], $0x1800  }
0x58: {  	[sflag:s29] =	ssyncset.done $0x0  }
0x59: {  	s4 =	sadd.s32 $0x300, s12;
	[sflag:s29] =	ssyncadd.s32 $0xFFFFE800  }
0x5a: {  	[spmem:s3] =	stream.indirect.scatter.add.f32 [tilespmem:s18], [sflag:$0x7], $0x30, s4, s16, $0xb8;
	[tilespmem:$0x17200] =	vst v63  }
0x5b: {  	_ =	swait.ge [sflag:s30], $0x1800  }
0x5c: {  	[sflag:s30] =	ssyncset.done $0x0  }
0x5d: {  	s4 =	sadd.s32 $0x380, s12;
	[sflag:s30] =	ssyncadd.s32 $0xFFFFE800  }
0x5e: {  	[spmem:s3] =	stream.indirect.scatter.add.f32 [tilespmem:s20], [sflag:$0x8], $0x30, s4, s16, $0xb8;
	[tilespmem:$0x17200] =	vst v63  }
0x5f: {  	_ =	swait.ge [sflag:s31], $0x1800  }
0x60: {  	[sflag:s31] =	ssyncset.done $0x0  }
0x61: {  	p0 =	sne.s32 s11, $0xF;
	s4 =	sadd.s32 $0x400, s12;
	[sflag:s31] =	ssyncadd.s32 $0xFFFFE800  }
0x62: {  	[spmem:s3] =	stream.indirect.scatter.add.f32 [tilespmem:s22], [sflag:$0x9], $0x30, s4, s16, $0xb8;
	[tilespmem:$0x17200] =	vst v63  }
.Ltmp2:
0x63: {  	_ = 	snop;
	(pc) =	sbr.rel @!p0 .LBB2_3-.Ltmp2, $4  }
0x64: {  	_ =	swait.ge [sflag:s1], $0x1800  }
0x65: {  	[sflag:s1] =	ssyncset.done $0x0  }
0x66: {  	s4 =	sadd.s32 $0x480, s12;
	[sflag:s1] =	ssyncadd.s32 $0xFFFFE800  }
0x67: {  	[spmem:s3] =	stream.indirect.scatter.add.f32 [tilespmem:s24], [sflag:$0xA], $0x30, s4, s16, $0xb8;
	[tilespmem:$0x17200] =	vst v63  }
0x68: {  	_ =	swait.ge [sflag:s25], $0x280  }
0x69: {  	[sflag:s25] =	ssyncset.done $0x0  }
0x6a: {  	[sflag:s25] =	ssyncadd.s32 $0xFFFFFD80  }
0x6b: {  	_ =	swait.ge [sflag:s25], $0x280  }
0x6c: {  	[sflag:s25] =	ssyncset.done $0x0  }
0x6d: {  	s4 =	sxor.u32 $0x1, s14;
	[sflag:s25] =	ssyncadd.s32 $0xFFFFFD80  }
0x6e: {  	s4 =	smul.u32 $0x1400, s4;
	_ =	swait.ge [sflag:s0], $0x1800  }
0x6f: {  	[sflag:s0] =	ssyncset.done $0x0  }
0x70: {  	s4 =	sshrl.u32 s4, $0x2;
	[sflag:s0] =	ssyncadd.s32 $0xFFFFE800  }
0x71: {  	[tilespmem:s17], [sflag:$0x1] =	stream.indirect.gather [spmem:s2], $0x30, s4, s16, $0xb8;
	[tilespmem:$0x17200] =	vst v63  }
0x72: {  	_ =	swait.ge [sflag:s15], $0x1800  }
0x73: {  	[sflag:s15] =	ssyncset.done $0x0  }
0x74: {  	s14 =	sor.u32 $0x80, s4;
	[sflag:s15] =	ssyncadd.s32 $0xFFFFE800  }
0x75: {  	[tilespmem:s18], [sflag:$0x2] =	stream.indirect.gather [spmem:s2], $0x30, s14, s16, $0xb8;
	[tilespmem:$0x17200] =	vst v63  }
0x76: {  	_ =	swait.ge [sflag:s19], $0x1800  }
0x77: {  	[sflag:s19] =	ssyncset.done $0x0  }
0x78: {  	s14 =	sadd.s32 $0x100, s4;
	[sflag:s19] =	ssyncadd.s32 $0xFFFFE800  }
0x79: {  	[tilespmem:s20], [sflag:$0x3] =	stream.indirect.gather [spmem:s2], $0x30, s14, s16, $0xb8;
	[tilespmem:$0x17200] =	vst v63  }
0x7a: {  	_ =	swait.ge [sflag:s21], $0x1800  }
0x7b: {  	[sflag:s21] =	ssyncset.done $0x0  }
0x7c: {  	s14 =	sadd.s32 $0x180, s4;
	[sflag:s21] =	ssyncadd.s32 $0xFFFFE800  }
0x7d: {  	[tilespmem:s22], [sflag:$0x4] =	stream.indirect.gather [spmem:s2], $0x30, s14, s16, $0xb8;
	[tilespmem:$0x17200] =	vst v63  }
0x7e: {  	_ =	swait.ge [sflag:s23], $0x1800  }
0x7f: {  	[sflag:s23] =	ssyncset.done $0x0  }
0x80: {  	p0 =	sgt.u32 s11, $0xD;
	s4 =	sadd.s32 $0x200, s4;
	[sflag:s23] =	ssyncadd.s32 $0xFFFFE800  }
0x81: {  	[tilespmem:s24], [sflag:$0x5] =	stream.indirect.gather [spmem:s2], $0x30, s4, s16, $0xb8;
	[tilespmem:$0x17200] =	vst v63  }
0x82: {  	s4 =	simm.s32 @!p0 $0x0  }
0x83: {  	[tilespmem:s12], [sflag:$0xB] =	stream.linear.gather @!p0 [hbm4b:s10+s4], $0x280, $0x38;
	[tilespmem:$0x17200] =	vst v63  }
0x84: {  	s11 =	sadd.s32 $0x1, s11  }
0x85: {  	[tilespmem:s7], [sflag:$0xB] =	stream.linear.gather @!p0 [hbm4b:s5+s4], $0x280, $0x38;
	[tilespmem:$0x17200] =	vst v63  }
0x86: {  	p0 =	sne.s32 s11, $0x10  }
.Ltmp3:
0x87: {  	_ = 	snop;
	(pc) =	sbr.rel @p0 .LBB2_2-.Ltmp3, $4  }
.Ltmp4:
0x88: {  	_ = 	snop;
	(pc) =	sbr.rel @!p0 .LBB2_5-.Ltmp4, $4  }
0x89: {  	_ = 	snop  }
0x8a: {  	_ = 	snop  }
0x8b: {  	s10 =	sadd.s32 $0x50, s10;
	s5 =	sadd.s32 $0x50, s5  }
0x8c: {  	_ = 	snop  }
.LBB2_6:
0x8d: {  	_ =	sfence.sel $0x180000  }
0x8e: {  	[bflag:$0x0] =	sbarrier.arrive $0xFFFF  }
0x8f: {  	_ =	strace $0x9000004D  }
0x90: {  	s0 =	stileid.u32;
	[bflag:$0x2] =	sbarrier.arrive $0xFFFF  }
0x91: {  	p0 =	sne.s32 s0, $0x0;
	s0 =	rddreg [dreg:$0x4]  }
0x92: {  	s0 =	sadd.s32 @!p0 $0x100000, s0  }
0x93: {  	[sflag:s0] =	ssyncadd.tile.s32 @!p0 $0x1;
	_ =	shalt  }
.Lfunc_end2:
_tile_overlayer_lowered:
.L_overlay_start_2:
0x94: {  	(tag) =	ssettag $0x2  }
0x95: {  	s0 =	rddreg [dreg:$0x0];
	s2 =	stileid.u32  }
0x96: {  	s1 =	rddreg [dreg:$0x1];
	p0 =	sne.s32 s2, $0x0  }
0x97: {  	s3 =	rddreg [dreg:$0x2];
	[bflag:$0x3] =	sbarrier.arrive $0xFFFF;
	s2 =	simm.s32 @!p0 $0x1C0C  }
0x98: {  	[timem:s3], [sflag:s2] =	dma.local @!p0 [hbm:s0], s1  }
0x99: {  	s0 =	simm.s32 @!p0 $0xC  }
0x9a: {  	_ =	swait.ge @!p0 [sflag:s0], s1  }
0x9b: {  	s1 =	ssub.s32 @!p0 $0x0, s1;
	[sflag:s0] =	ssyncset.done @!p0 $0x0  }
0x9c: {  	[sflag:s0] =	ssyncadd.s32 @!p0 s1  }
0x9d: {  	[bflag:$0x3] =	sbarrier.arrive $0xFFFF  }
0x9e: {  	_ =	shalt  }

// kernel: kernel.8.cloned.1.call-start
scs
__scs_entry_jumppad:
0x0: {  	(pc) =	sbr.rel $0x88, $3  }
0x1: {  	(tag) =	ssettag $0x0;
	lr =	simm.s32 $0x1  }
0x2: {  	[smem:$0x3F9B] =	sst lr;
	_ =	strace $0xD0000000  }
0x3: {  	_ = 	snop  }
0x4: {  	_ = 	snop  }
0x5: {  	_ = 	snop  }
0x6: {  	_ = 	snop  }
0x7: {  	_ = 	snop  }
__scs_overlays_trampoline_lowered:
0x8: {  	[smem:$0x3FAA] =	sst s0  }
0x9: {  	[smem:$0x3FAB] =	sst s1  }
0xa: {  	[smem:$0x3FAC] =	sst s2  }
0xb: {  	[smem:$0x3FAD] =	sst s3  }
0xc: {  	[smem:$0x3FAE] =	sst s4  }
0xd: {  	[smem:$0x3FAF] =	sst s5  }
0xe: {  	[smem:$0x3FB0] =	sst s6  }
0xf: {  	[smem:$0x3FB1] =	sst s7  }
0x10: {  	[smem:$0x3FB2] =	sst s8  }
0x11: {  	[smem:$0x3FB3] =	sst s9;
	s0 =	simm.s32 @!p0 $0x0  }
0x12: {  	s1 =	sld [smem:$0x3F99];
	s0 =	simm.s32 @p0 $0x1  }
0x13: {  	[smem:$0x3FB4] =	sst s0;
	s0 =	simm.s32 @!p1 $0x0  }
0x14: {  	s2 =	sld [smem:$0x3F98];
	s0 =	simm.s32 @p1 $0x1  }
0x15: {  	[smem:$0x3FB5] =	sst s0;
	s0 =	simm.s32 @!p2 $0x0  }
0x16: {  	s3 =	sld [smem:$0x3FDB];
	s0 =	simm.s32 @p2 $0x1  }
0x17: {  	s4 =	simm.s32 $0x1BF5;
	[smem:$0x3FB7] =	sst s0  }
0x18: {  	s0 =	sld [smem:$0x3F9A];
	_ =	swait.ge [sflag:s4], $0x0  }
0x19: {  	s7 =	sld [smem:$0x3F9B]  }
0x1a: {  	s8 =	sadd.s32 $0xFFFFE003, lr  }
0x1b: {  	s9 =	sadd.s32 $0xFFFFFEF7, lr;
	s5 =	simm.s32 $0xFFFFFFFF;
	p2 =	slt.u32 s8, $0xFFFFF086  }
0x1c: {  	p1 =	slt.u32 s9, $0xF7A;
	s5 =	simm.s32 @!p2 $0x0  }
0x1d: {  	s5 =	simm.s32 @p1 $0x1;
	p0 =	seq.s32 s7, s2  }
0x1e: {  	s7 =	smul.u32 @!p0 $0xF7A, s2;
	p2 =	seq.s32 @!p0 s5, $0x0  }
0x1f: {  	s9 =	smul.u32 $0xF7A, s1;
	s8 =	simm.s32 @!p0 $0x1BF5;
	p2 =	por !p2, p0  }
0x20: {  	[sflag:s8] =	ssyncset.s32 @!p0 $0xFFFFF086;
	s6 =	sadd.s32 @!p0 s3, s7;
	s7 =	simm.s32 @!p0 $0x108  }
0x21: {  	s3 =	sadd.s32 s3, s9;
	s6 =	sadd.s32 @!p0 $0x88, s6;
	s7 =	simm.s32 @p2 $0x1082  }
0x22: {  	[simem:s7], [sflag:s8] =	dma.local @!p0 [hbm:s6], $0xF7A  }
0x23: {  	s9 =	sor.u32 $0xD0000000, s2;
	s6 =	simm.s32 $0x108;
	_ =	swait.ge @!p0 [sflag:s8], $0x0  }
0x24: {  	s3 =	sadd.s32 $0x88, s3;
	s6 =	simm.s32 @!p1 $0x1082;
	[sflag:s4] =	ssyncset.s32 $0xFFFFF086  }
0x25: {  	[simem:s6], [sflag:s4] =	dma.local [hbm:s3], $0xF7A  }
0x26: {  	[smem:$0x3F9B] =	sst s1;
	(tag) =	ssettag s2;
	_ =	strace s9  }
0x27: {  	s1 =	sld [smem:$0x3FAB]  }
0x28: {  	s2 =	sld [smem:$0x3FAC]  }
0x29: {  	s4 =	sld [smem:$0x3FAE]  }
0x2a: {  	p0 =	seq.s32 s5, $0x0;
	s5 =	sld [smem:$0x3FAF]  }
0x2b: {  	s6 =	sld [smem:$0x3FB0]  }
0x2c: {  	s7 =	sld [smem:$0x3FB1]  }
0x2d: {  	s3 =	simm.s32 $0x108;
	s8 =	sld [smem:$0x3FB2]  }
0x2e: {  	s3 =	simm.s32 @!p0 $0x1082;
	s9 =	sld [smem:$0x3FB3]  }
0x2f: {  	lr =	sadd.s32 s0, s3;
	s0 =	sld [smem:$0x3FAA]  }
0x30: {  	s3 =	sld [smem:$0x3FAD]  }
0x31: {  	[smem:$0x3FB6] =	sst s10  }
0x32: {  	s10 =	sld [smem:$0x3FB4];
	_ =	sdelay $0x3  }
0x33: {  	p0 =	seq.s32 s10, $0x1;
	s10 =	sld [smem:$0x3FB6];
	_ =	sdelay $0x3  }
0x34: {  	[smem:$0x3FB6] =	sst s10  }
0x35: {  	s10 =	sld [smem:$0x3FB5];
	_ =	sdelay $0x3  }
0x36: {  	p1 =	seq.s32 s10, $0x1;
	s10 =	sld [smem:$0x3FB6];
	_ =	sdelay $0x3  }
0x37: {  	[smem:$0x3FB6] =	sst s10  }
0x38: {  	s10 =	sld [smem:$0x3FB7]  }
0x39: {  	_ = 	snop;
	(pc) =	sbr.ind lr, $3  }
0x3a: {  	_ = 	snop  }
0x3b: {  	_ = 	snop  }
0x3c: {  	p2 =	seq.s32 s10, $0x1;
	s10 =	sld [smem:$0x3FB6]  }
0x3d: {  	_ =	shalt  }
0x3e: {  	_ =	shalt  }
0x3f: {  	_ =	shalt  }
0x40: {  	_ =	shalt  }
0x41: {  	_ =	shalt  }
0x42: {  	_ =	shalt  }
0x43: {  	_ =	shalt  }
0x44: {  	_ =	shalt  }
0x45: {  	_ =	shalt  }
0x46: {  	_ =	shalt  }
0x47: {  	_ =	shalt  }
0x48: {  	_ =	shalt  }
0x49: {  	_ =	shalt  }
0x4a: {  	_ =	shalt  }
0x4b: {  	_ =	shalt  }
0x4c: {  	_ =	shalt  }
0x4d: {  	_ =	shalt  }
0x4e: {  	_ =	shalt  }
0x4f: {  	_ =	shalt  }
0x50: {  	_ =	shalt  }
0x51: {  	_ =	shalt  }
0x52: {  	_ =	shalt  }
0x53: {  	_ =	shalt  }
0x54: {  	_ =	shalt  }
0x55: {  	_ =	shalt  }
0x56: {  	_ =	shalt  }
0x57: {  	_ =	shalt  }
0x58: {  	_ =	shalt  }
0x59: {  	_ =	shalt  }
0x5a: {  	_ =	shalt  }
0x5b: {  	_ =	shalt  }
0x5c: {  	_ =	shalt  }
0x5d: {  	_ =	shalt  }
0x5e: {  	_ =	shalt  }
0x5f: {  	_ =	shalt  }
0x60: {  	_ =	shalt  }
0x61: {  	_ =	shalt  }
0x62: {  	_ =	shalt  }
0x63: {  	_ =	shalt  }
0x64: {  	_ =	shalt  }
0x65: {  	_ =	shalt  }
0x66: {  	_ =	shalt  }
0x67: {  	_ =	shalt  }
0x68: {  	_ =	shalt  }
0x69: {  	_ =	shalt  }
0x6a: {  	_ =	shalt  }
0x6b: {  	_ =	shalt  }
0x6c: {  	_ =	shalt  }
0x6d: {  	_ =	shalt  }
0x6e: {  	_ =	shalt  }
0x6f: {  	_ =	shalt  }
0x70: {  	_ =	shalt  }
0x71: {  	_ =	shalt  }
0x72: {  	_ =	shalt  }
0x73: {  	_ =	shalt  }
0x74: {  	_ =	shalt  }
0x75: {  	_ =	shalt  }
0x76: {  	_ =	shalt  }
0x77: {  	_ =	shalt  }
0x78: {  	_ =	shalt  }
0x79: {  	_ =	shalt  }
0x7a: {  	_ =	shalt  }
0x7b: {  	_ =	shalt  }
0x7c: {  	_ =	shalt  }
0x7d: {  	_ =	shalt  }
0x7e: {  	_ =	shalt  }
0x7f: {  	_ =	shalt  }
0x80: {  	_ =	shalt  }
0x81: {  	_ =	shalt  }
0x82: {  	_ =	shalt  }
0x83: {  	_ =	shalt  }
0x84: {  	_ =	shalt  }
0x85: {  	_ =	shalt  }
0x86: {  	_ =	shalt  }
0x87: {  	_ =	shalt  }
.Lfunc_end0:
.L_simem_size_0:
called_computation_lowered:
.L_overlay_start_0:
0x88: {  	s2 =	sld [smem:$0x3FD9]  }
0x89: {  	s3 =	sld [smem:$0x3FFE];
	_ =	sdelay $0x1  }
0x8a: {  	s1 =	srdreg.scid  }
0x8b: {  	s0 =	sand.u32 $0x1, s1  }
0x8c: {  	s16 =	sshll.u32 s0, $0xA;
	s2 =	sadd.s32 s3, s2  }
0x8d: {  	s2 =	sadd.s32 s2, s16  }
0x8e: {  	[smem:$0x3FC2] =	sst s2  }
0x8f: {  	_ = 	snop  }
0x90: {  	(tm) =	ssettm $0x1  }
0x91: {  	s17 =	sld [smem:$0x3FFB];
	_ =	sdelay $0x3  }
0x92: {  	_ =	strace s17  }
0x93: {  	s2 =	sld [smem:$0x3FFC];
	_ =	sdelay $0x3  }
0x94: {  	_ =	strace s2  }
0x95: {  	s2 =	sld [smem:$0x3FFD];
	_ =	sdelay $0x3  }
0x96: {  	_ =	strace s2  }
0x97: {  	_ =	strace $0x8FFFFFFF  }
0x98: {  	s18 =	sld [smem:$0x3FDB];
	_ =	sdelay $0x1  }
0x99: {  	s19 =	simm.s32 $_scs_section_size  }
0x9a: {  	s4 =	simm.s32 $_size__tile_overlayer_lowered;
	s5 =	simm.s32 $_tile_overlayer_lowered  }
0x9b: {  	s22 =	simm.s32 $0x1BFF;
	s21 =	sshll.u32 s5, $0x1;
	s2 =	sadd.s32 s19, s18  }
0x9c: {  	s6 =	simm.s32 $0x0;
	s20 =	sshll.u32 s4, $0x1;
	s4 =	sadd.s32 s21, s2  }
0x9d: {  	[timem:s6], [sflag:s22] =	dma.local [hbm:s4], s20  }
0x9e: {  	_ =	swait.ge [sflag:s22], s20  }
0x9f: {  	s3 =	ssub.s32 $0x0, s20;
	[sflag:s22] =	ssyncset.done $0x0  }
0xa0: {  	[sflag:s22] =	ssyncadd.s32 s3;
	_ =	sdelay $0x1  }
0xa1: {  	s23 =	simm.s32 $0x1B8B  }
0xa2: {  	_ =	swait.ge [sflag:s23], $0x1  }
0xa3: {  	[sflag:s23] =	ssyncset.done $0x0  }
0xa4: {  	s25 =	simm.s32 $0x1B8E;
	s24 =	sld [smem:$0x3FFE];
	[sflag:s23] =	ssyncadd.s32 $0xFFFFFFFF  }
0xa5: {  	s26 =	simm.s32 $execute0_lowered;
	[smem:$0x3FD2] =	sst s25  }
0xa6: {  	s4 =	sshll.u32 s26, $0x1;
	_ =	strace $0x80000046;
	[dreg:$0x1] =	wrdreg $0xFFFFFFFF  }
0xa7: {  	s28 =	simm.s32 $_size_execute0_lowered;
	s2 =	sadd.s32 s2, s4;
	[dreg:$0x0] =	wrdreg $0x0  }
0xa8: {  	s4 =	sshll.u32 s28, $0x1;
	[dreg:$0x2] =	wrdreg s2  }
0xa9: {  	[dreg:$0x3] =	wrdreg s4  }
0xaa: {  	[dreg:$0x4] =	wrdreg $0xC0  }
0xab: {  	_ =	task [dreg:s6], $0x5FFFF  }
0xac: {  	[dreg:$0x1] =	wrdreg $0xFFFFFFFF  }
0xad: {  	[dreg:$0x0] =	wrdreg $0x60  }
0xae: {  	[dreg:$0x2] =	wrdreg s24  }
0xaf: {  	[dreg:$0x3] =	wrdreg $0x28800  }
0xb0: {  	[dreg:$0x4] =	wrdreg $0x9  }
0xb1: {  	_ =	task.clear_ibuf [dreg:s6], $0x5FFFF;
	_ =	strace $0x90000046  }
0xb2: {  	s29 =	simm.s32 $0x9;
	_ =	strace $0x80000048  }
0xb3: {  	_ =	swait.ge [sflag:s29], $0x1  }
0xb4: {  	[sflag:s29] =	ssyncadd.s32 $0xFFFFFFFF  }
0xb5: {  	_ =	strace $0x90000048  }
0xb6: {  	_ =	sfence  }
0xb7: {  	s30 =	sld [smem:$0x0];
	_ =	sdelay $0x2  }
0xb8: {  	s31 =	sshll.u32 s1, $0xD;
	s1 =	sshrl.u32 s1, $0x2  }
0xb9: {  	s3 =	sand.u32 $0x4000, s31;
	s1 =	sadd.s32 s1, s30  }
0xba: {  	s0 =	sor.u32 s3, s0;
	s1 =	sshll.u32 s1, $0x11  }
0xbb: {  	s0 =	sor.u32 s1, s0  }
0xbc: {  	s0 =	sadd.s32 $0x8F2B, s0  }
0xbd: {  	[sflag:s0] =	ssyncadd.remote.s32 $0x1  }
0xbe: {  	_ =	sfence.sel $0xFFFF  }
0xbf: {  	[dreg:$0x0] =	wrdreg $0xFFFFFFFF;
	(pc) =	sbr.abs _section_cstart, $3  }
0xc0: {  	[dreg:$0x1] =	wrdreg $0xFFFFFFFF  }
0xc1: {  	_ =	task.clear_ibuf [dreg:s6], $0x2FFFF;
	_ =	strace $0x9FFFFFFF  }
0xc2: {  	(tm) =	ssettm $0x7FFFFFFF  }
0xc3: {  	_ =	shalt  }
tec
execute0_lowered:
.L_overlay_start_1:
0x0: {  	(tag) =	ssettag $0x1  }
0x1: {  	s5 =	rddreg [dreg:$0x0]  }
0x2: {  	s0 =	srdreg.scid;
	s2 =	rddreg [dreg:$0x1]  }
0x3: {  	s3 =	simm.s32 $0x0;
	s12 =	simm.s32 $0x2800;
	s13 =	simm.s32 $0x1  }
0x4: {  	s14 =	simm.s32 $0x20;
	s4 =	sand.u32 $0x1, s0;
	s0 =	stileid.u32  }
0x5: {  	s15 =	simm.s32 $0x10;
	s16 =	simm.s32 $0x0;
	s7 =	smul.u32 $0x500, s0  }
0x6: {  	[smem:$0x7FF] =	sst s3;
	s1 =	sshll.u32 s4, $0x4;
	s8 =	smul.u32 $0x280, s0  }
0x7: {  	s9 =	sshll.u32 s4, $0x7;
	s4 =	ssub.s32 $0x2, s4;
	s31 =	sshll.u32 s0, $0x6  }
0x8: {  	s6 =	sor.u32 s0, s1;
	s1 =	rddreg [dreg:$0x2];
	_ =	strace $0x80000047  }
0x9: {  	s10 =	sshrl.u32 s4, $0x1;
	s6 =	smul.u32 $0x500, s6;
	s7 =	sor.u32 s9, s7  }
0xa: {  	s30 =	sshrl.u32 s8, $0x3;
	s10 =	ssub.s32 s4, s10;
	s11 =	sadd.s32 s8, s2  }
0xb: {  	s7 =	sshrl.u32 s7, $0x3;
	s9 =	sadd.s32 s30, s5;
	s8 =	smax.u32 s10, $0x1  }
0xc: {  	s10 =	simm.s32 $0x2;
	s6 =	sadd.s32 s6, s5;
	s7 =	sadd.s32 s7, s5  }
0xd: {  	s4 =	sadd.s32 $0xC400, s9;
	s5 =	sor.u32 $0x1C02, s31;
	s9 =	sshrl.u32 s11, $0x3  }
0xe: {  	v0 =	vimm.f32 $1.000000000e+00;
	s11 =	simm.s32 $0x80;
	s6 =	sadd.s32 $0x2400, s6;
	s7 =	sadd.s32 $0xCA00, s7  }
.LBB2_1:
0xf: {  	[spmem:s9], [sflag:s5] =	dma.local [hbm:s4], $0x50  }
0x10: {  	_ =	swait.ge [sflag:s10], $0x50  }
0x11: {  	[sflag:s10] =	ssyncset.done $0x0  }
0x12: {  	[sflag:s10] =	ssyncadd.s32 $0xFFFFFFB0  }
0x13: {  	[tilespmem:s3], [sflag:$0x2] =	stream.linear.gather [hbm4b:s6+s3], $0x2800, $0x38;
	[tilespmem:$0x2B00] =	vst v63  }
0x14: {  	_ =	swait.ge [sflag:s10], $0x2800  }
0x15: {  	[sflag:s10] =	ssyncset.done $0x0  }
0x16: {  	[sflag:s10] =	ssyncadd.s32 $0xFFFFD800  }
0x17: {  	[tilespmem:$0x2800] =	vst v0  }
0x18: {  	[tilespmem:$0x2810] =	vst v0  }
0x19: {  	[tilespmem:$0x2820] =	vst v0  }
0x1a: {  	[tilespmem:$0x2830] =	vst v0  }
0x1b: {  	[tilespmem:$0x2840] =	vst v0  }
0x1c: {  	[tilespmem:$0x2850] =	vst v0  }
0x1d: {  	[tilespmem:$0x2860] =	vst v0  }
0x1e: {  	[tilespmem:$0x2870] =	vst v0  }
0x1f: {  	s17 =	simm.s32 $0x0;
	[bflag:$0x0] =	sbarrier.arrive $0xFFFF  }
0x20: {  	[spmem:s2] =	stream.indirect.scatter.add.f32 [tilespmem:s12], [sflag:$0x1], $0x1, s17, s11, $0xb8;
	[tilespmem:$0x2B00] =	vst v63  }
0x21: {  	s29 =	simm.s32 $0x80  }
0x22: {  	[spmem:s2] =	stream.indirect.scatter.add.f32 [tilespmem:s12], [sflag:$0x1], $0x1, s29, s11, $0xb8;
	[tilespmem:$0x2B00] =	vst v63  }
0x23: {  	s30 =	simm.s32 $0x100  }
0x24: {  	[spmem:s2] =	stream.indirect.scatter.add.f32 [tilespmem:s12], [sflag:$0x1], $0x1, s30, s11, $0xb8;
	[tilespmem:$0x2B00] =	vst v63  }
0x25: {  	s31 =	simm.s32 $0x180  }
0x26: {  	[spmem:s2] =	stream.indirect.scatter.add.f32 [tilespmem:s12], [sflag:$0x1], $0x1, s31, s11, $0xb8;
	[tilespmem:$0x2B00] =	vst v63  }
0x27: {  	_ =	swait.ge [sflag:s13], $0x80  }
0x28: {  	[sflag:s13] =	ssyncset.done $0x0  }
0x29: {  	[sflag:s13] =	ssyncadd.s32 $0xFFFFFF80  }
0x2a: {  	_ =	swait.ge [sflag:s13], $0x80  }
0x2b: {  	[sflag:s13] =	ssyncset.done $0x0  }
0x2c: {  	[sflag:s13] =	ssyncadd.s32 $0xFFFFFF80  }
0x2d: {  	_ =	swait.ge [sflag:s13], $0x80  }
0x2e: {  	[sflag:s13] =	ssyncset.done $0x0  }
0x2f: {  	[sflag:s13] =	ssyncadd.s32 $0xFFFFFF80  }
0x30: {  	_ =	swait.ge [sflag:s13], $0x80  }
0x31: {  	s18 =	simm.s32 $0x1000;
	s17 =	simm.s32 $0x800;
	[sflag:s13] =	ssyncset.done $0x0  }
.LBB2_2:
0x32: {  	s19 =	sshra.s32 s17, $0x2  }
0x33: {  	[sflag:s13] =	ssyncadd.s32 $0xFFFFFF80;
	s17 =	smov.u32 s18;
	s20 =	sadd.s32 $0x800, s18  }
0x34: {  	[spmem:s2] =	stream.indirect.scatter.add.f32 [tilespmem:s12], [sflag:$0x1], $0x1, s19, s11, $0xb8;
	[tilespmem:$0x2B00] =	vst v63  }
0x35: {  	p0 =	sne.s32 s18, $0x9800;
	s18 =	sadd.s32 $0x80, s19  }
0x36: {  	[spmem:s2] =	stream.indirect.scatter.add.f32 [tilespmem:s12], [sflag:$0x1], $0x1, s18, s11, $0xb8;
	[tilespmem:$0x2B00] =	vst v63  }
0x37: {  	s18 =	sadd.s32 $0x100, s19  }
0x38: {  	[spmem:s2] =	stream.indirect.scatter.add.f32 [tilespmem:s12], [sflag:$0x1], $0x1, s18, s11, $0xb8;
	[tilespmem:$0x2B00] =	vst v63  }
0x39: {  	s18 =	sadd.s32 $0x180, s19  }
0x3a: {  	[spmem:s2] =	stream.indirect.scatter.add.f32 [tilespmem:s12], [sflag:$0x1], $0x1, s18, s11, $0xb8;
	[tilespmem:$0x2B00] =	vst v63  }
0x3b: {  	_ =	swait.ge [sflag:s13], $0x80  }
0x3c: {  	[sflag:s13] =	ssyncset.done $0x0  }
0x3d: {  	[sflag:s13] =	ssyncadd.s32 $0xFFFFFF80  }
0x3e: {  	_ =	swait.ge [sflag:s13], $0x80  }
0x3f: {  	[sflag:s13] =	ssyncset.done $0x0  }
0x40: {  	[sflag:s13] =	ssyncadd.s32 $0xFFFFFF80  }
.Ltmp0:
0x41: {  	_ =	swait.ge [sflag:s13], $0x80;
	(pc) =	sbr.rel @p0 .LBB2_2-.Ltmp0, $4  }
0x42: {  	[sflag:s13] =	ssyncset.done $0x0  }
0x43: {  	[sflag:s13] =	ssyncadd.s32 $0xFFFFFF80  }
0x44: {  	_ =	swait.ge [sflag:s13], $0x80  }
0x45: {  	s18 =	smov.u32 s20;
	[sflag:s13] =	ssyncset.done $0x0  }
0x46: {  	s17 =	sshra.s32 s17, $0x2;
	[sflag:s13] =	ssyncadd.s32 $0xFFFFFF80  }
0x47: {  	[spmem:s2] =	stream.indirect.scatter.add.f32 [tilespmem:s12], [sflag:$0x1], $0x1, s17, s11, $0xb8;
	[tilespmem:$0x2B00] =	vst v63  }
0x48: {  	s18 =	sadd.s32 $0x80, s17  }
0x49: {  	[spmem:s2] =	stream.indirect.scatter.add.f32 [tilespmem:s12], [sflag:$0x1], $0x1, s18, s11, $0xb8;
	[tilespmem:$0x2B00] =	vst v63  }
0x4a: {  	s31 =	sadd.s32 $0x100, s17  }
0x4b: {  	[spmem:s2] =	stream.indirect.scatter.add.f32 [tilespmem:s12], [sflag:$0x1], $0x1, s31, s11, $0xb8;
	[tilespmem:$0x2B00] =	vst v63  }
0x4c: {  	s17 =	sadd.s32 $0x180, s17  }
0x4d: {  	[spmem:s2] =	stream.indirect.scatter.add.f32 [tilespmem:s12], [sflag:$0x1], $0x1, s17, s11, $0xb8;
	[tilespmem:$0x2B00] =	vst v63  }
0x4e: {  	_ =	swait.ge [sflag:s13], $0x80  }
0x4f: {  	[sflag:s13] =	ssyncset.done $0x0  }
0x50: {  	[sflag:s13] =	ssyncadd.s32 $0xFFFFFF80  }
0x51: {  	_ =	swait.ge [sflag:s13], $0x80  }
0x52: {  	[sflag:s13] =	ssyncset.done $0x0  }
0x53: {  	[sflag:s13] =	ssyncadd.s32 $0xFFFFFF80  }
0x54: {  	_ =	swait.ge [sflag:s13], $0x80  }
0x55: {  	[sflag:s13] =	ssyncset.done $0x0  }
0x56: {  	[sflag:s13] =	ssyncadd.s32 $0xFFFFFF80  }
0x57: {  	_ =	swait.ge [sflag:s13], $0x80  }
0x58: {  	s16 =	sadd.s32 $0x1, s16;
	[sflag:s13] =	ssyncset.done $0x0  }
0x59: {  	p0 =	sne.s32 s16, s8;
	[sflag:s13] =	ssyncadd.s32 $0xFFFFFF80  }
.Ltmp1:
0x5a: {  	[bflag:$0x0] =	sbarrier.arrive $0xFFFF;
	(pc) =	sbr.rel @p0 .LBB2_1-.Ltmp1, $4  }
0x5b: {  	[hbm:s7@s14], [sflag:s5] =	dma.strided [spmem:s9@s15], $0x50, s13, $0x10   }
0x5c: {  	_ =	swait.ge [sflag:s10], $0x50  }
0x5d: {  	[sflag:s10] =	ssyncset.done $0x0  }
0x5e: {  	[sflag:s10] =	ssyncadd.s32 $0xFFFFFFB0  }
0x5f: {  	_ =	sfence.sel $0x180000  }
0x60: {  	[bflag:$0x0] =	sbarrier.arrive $0xFFFF  }
0x61: {  	p0 =	sne.s32 s0, $0x0;
	_ =	strace $0x90000047  }
0x62: {  	s0 =	sadd.s32 @!p0 $0x100000, s1;
	[bflag:$0x2] =	sbarrier.arrive $0xFFFF  }
0x63: {  	[sflag:s0] =	ssyncadd.tile.s32 @!p0 $0x1;
	_ =	shalt  }
.Lfunc_end2:
_tile_overlayer_lowered:
.L_overlay_start_2:
0x64: {  	(tag) =	ssettag $0x2  }
0x65: {  	s0 =	rddreg [dreg:$0x0];
	s2 =	stileid.u32  }
0x66: {  	s1 =	rddreg [dreg:$0x1];
	p0 =	sne.s32 s2, $0x0  }
0x67: {  	s3 =	rddreg [dreg:$0x2];
	[bflag:$0x3] =	sbarrier.arrive $0xFFFF;
	s2 =	simm.s32 @!p0 $0x1C02  }
0x68: {  	[timem:s3], [sflag:s2] =	dma.local @!p0 [hbm:s0], s1  }
0x69: {  	s0 =	simm.s32 @!p0 $0x2  }
0x6a: {  	_ =	swait.ge @!p0 [sflag:s0], s1  }
0x6b: {  	s1 =	ssub.s32 @!p0 $0x0, s1;
	[sflag:s0] =	ssyncset.done @!p0 $0x0  }
0x6c: {  	[sflag:s0] =	ssyncadd.s32 @!p0 s1  }
0x6d: {  	[bflag:$0x3] =	sbarrier.arrive $0xFFFF  }
0x6e: {  	_ =	shalt  }

</sc_bundles>
